<compile_context>
chip_gen: v7x
topology: tpu7x:2x2x1
jax: 0.10.2.dev20260603
libtpu: 0.0.44.dev20260713+nightly
codegen_flags: <defaults>
</compile_context>

<pallas_src>
import functools

import jax
import jax.numpy as jnp
from jax import lax
from jax.experimental import pallas as pl
from jax.experimental.pallas import tpu as pltpu
from jax.experimental.pallas import tpu_sc as plsc

N = 10000
E = 320000
F_IN = 128
H = 8
C = 8
HC = H * C
HSP = 72
ED = 2

_NC = 2
_NS = 16
_NW = _NC * _NS
_EPW = E // _NW
_K = 80
_NCHUNK = _EPW // _K
_NP = 10240
_NPT = _NP // _NS
_ZR = 64


def _lrelu(v, s):
    return jnp.where(v >= 0, v, s * v)



def _prep_body(x_ref, w_ref, as_ref, ad_ref, eat_ref, we_ref, ae_ref,
               hs_out, adt_out, m2_out, aself_out):
    wa_cols = []
    wd_cols = []
    for hh in range(H):
        blk = w_ref[:, hh * C:(hh + 1) * C]
        wa_cols.append((blk * as_ref[hh:hh + 1, :]).sum(axis=1, keepdims=True))
        wd_cols.append((blk * ad_ref[hh:hh + 1, :]).sum(axis=1, keepdims=True))
    w80 = jnp.concatenate([w_ref[...]] + wa_cols + wd_cols, axis=1)
    m = jnp.dot(x_ref[...], w80, preferred_element_type=jnp.float32)
    hs_out[pl.ds(0, N), :] = m[:, 0:HSP]
    hs_out[pl.ds(N, _NP - N), :] = jnp.zeros((_NP - N, HSP), jnp.float32)
    adt_out[pl.ds(0, N), :] = m[:, HC + H:HC + 2 * H]
    adt_out[pl.ds(N, _NP - N), :] = jnp.zeros((_NP - N, H), jnp.float32)
    m2_cols = []
    for hh in range(H):
        m2_cols.append((we_ref[:, hh * C:(hh + 1) * C]
                        * ae_ref[hh:hh + 1, :]).sum(axis=1, keepdims=True))
    m2 = jnp.concatenate(m2_cols, axis=1)
    m2_out[...] = m2
    ea_mean = eat_ref[...].mean(axis=1, keepdims=True)
    aself_out[...] = (ea_mean[0:1, 0:1] * m2[0:1, :]
                      + ea_mean[1:2, 0:1] * m2[1:2, :])


def _tc_prep(x, W, att_src, att_dst, eaT, W_edge, att_edge):
    return pl.pallas_call(
        _prep_body,
        out_shape=[
            jax.ShapeDtypeStruct((_NP, HSP), jnp.float32),
            jax.ShapeDtypeStruct((_NP, H), jnp.float32),
            jax.ShapeDtypeStruct((ED, H), jnp.float32),
            jax.ShapeDtypeStruct((1, H), jnp.float32),
        ],
    )(x, W, att_src, att_dst, eaT, W_edge, att_edge)



def _sc_edge_call(src, dst, ea0, ea1, m2, hs, ad):
    mesh = plsc.VectorSubcoreMesh(core_axis_name="c", subcore_axis_name="s",
                                  num_cores=_NC, num_subcores=_NS)

    @functools.partial(
        pl.kernel,
        out_type=[
            jax.ShapeDtypeStruct((_NC, _NP, HC), jnp.float32),
            jax.ShapeDtypeStruct((_NC, _NP, H), jnp.float32),
        ],
        mesh=mesh,
        compiler_params=pltpu.CompilerParams(needs_layout_passes=False, use_tc_tiling_on_sc=False),
        scratch_types=[
            pltpu.VMEM((_K,), jnp.int32),
            pltpu.VMEM((_K,), jnp.int32),
            pltpu.VMEM((_K,), jnp.float32),
            pltpu.VMEM((_K,), jnp.float32),
            pltpu.VMEM((ED, H), jnp.float32),
            pltpu.VMEM((_K, H), jnp.float32),
            pltpu.VMEM((_K, H), jnp.float32),
            pltpu.VMEM((_K, HSP), jnp.float32),
            pltpu.VMEM((_K, HC), jnp.float32),
            pltpu.VMEM((_ZR, HC), jnp.float32),
            pltpu.VMEM((_ZR, H), jnp.float32),
            pltpu.VMEM_SHARED((_NP, HC), jnp.float32),
            pltpu.VMEM_SHARED((_NP, H), jnp.float32),
            pltpu.SemaphoreType.DMA,
            pltpu.SemaphoreType.DMA,
            pltpu.SemaphoreType.DMA,
        ],
    )
    def kern(src_hbm, dst_hbm, ea0_hbm, ea1_hbm, m2_hbm, hs_hbm, ad_hbm,
             msg_out, den_out,
             srcv, dstv, ea0v, ea1v, m2v, adv, exv, hsv, msgv, zbuf64, zbuf8,
             smsg, sden, sem_h, sem_d, sem_l):
        cid = lax.axis_index("c")
        sid = lax.axis_index("s")
        wid = sid * _NC + cid

        i16 = lax.iota(jnp.int32, 16)
        i_div8 = i16 // 8
        i_mod8 = lax.rem(i16, 8)
        zeros16 = jnp.zeros((16,), jnp.float32)
        zeros16i = jnp.zeros((16,), jnp.int32)
        row0 = sid * _NPT

        pltpu.sync_copy(m2_hbm, m2v)
        m0 = plsc.load_gather(m2v, [zeros16i, i_mod8])
        m1 = plsc.load_gather(m2v, [zeros16i + 1, i_mod8])

        def _zfill(i, _):
            for q in range(HC // 16):
                zbuf64[i, pl.ds(16 * q, 16)] = zeros16
            return 0
        lax.fori_loop(0, _ZR, _zfill, 0)

        def _zfill8(i, _):
            rows = jnp.full((16,), 2 * i, jnp.int32) + i_div8
            plsc.store_scatter(zbuf8, [rows, i_mod8], zeros16)
            return 0
        lax.fori_loop(0, _ZR // 2, _zfill8, 0)

        for j in range(_NPT // _ZR):
            r = row0 + j * _ZR
            pltpu.sync_copy(zbuf64, smsg.at[pl.ds(r, _ZR)])
            pltpu.sync_copy(zbuf8, sden.at[pl.ds(r, _ZR)])
        plsc.subcore_barrier()

        ebase = wid * _EPW

        def _chunk(ci, _):
            base = pl.multiple_of(ebase + ci * _K, 8)
            cp1 = pltpu.async_copy(src_hbm.at[pl.ds(base, _K)], srcv, sem_l)
            cp2 = pltpu.async_copy(dst_hbm.at[pl.ds(base, _K)], dstv, sem_l)
            cp3 = pltpu.async_copy(ea0_hbm.at[pl.ds(base, _K)], ea0v, sem_l)
            cp4 = pltpu.async_copy(ea1_hbm.at[pl.ds(base, _K)], ea1v, sem_l)
            cp1.wait()
            cp2.wait()
            cp_h = pltpu.async_copy(hs_hbm.at[srcv], hsv, sem_h)
            cp_d = pltpu.async_copy(ad_hbm.at[dstv], adv, sem_d)
            cp3.wait()
            cp4.wait()
            cp_h.wait()
            cp_d.wait()

            @plsc.parallel_loop(0, _K // 2, unroll=2)
            def _ex(j):
                rows = jnp.full((16,), 2 * j, jnp.int32) + i_div8
                cols_s = jnp.full((16,), HC, jnp.int32) + i_mod8
                e0 = plsc.load_gather(ea0v, [rows])
                e1 = plsc.load_gather(ea1v, [rows])
                a = (plsc.load_gather(hsv, [rows, cols_s])
                     + plsc.load_gather(adv, [rows, i_mod8])
                     + e0 * m0 + e1 * m1)
                e = jnp.exp(jnp.where(a >= 0, a, 0.2 * a))
                plsc.store_scatter(exv, [rows, i_mod8], e)

            @plsc.parallel_loop(0, _K, unroll=2)
            def _mul(k):
                krow = jnp.full((16,), k, jnp.int32)
                for q in range(HC // 16):
                    eb = plsc.load_gather(exv, [krow, 2 * q + i_div8])
                    msgv[k, pl.ds(16 * q, 16)] = hsv[k, pl.ds(16 * q, 16)] * eb

            pltpu.sync_copy(exv, sden.at[dstv], add=True)
            pltpu.sync_copy(msgv, smsg.at[dstv], add=True)
            return 0

        lax.fori_loop(0, _NCHUNK, _chunk, 0)
        plsc.subcore_barrier()

        for j in range(_NPT // _ZR):
            r = row0 + j * _ZR
            pltpu.sync_copy(smsg.at[pl.ds(r, _ZR)], zbuf64)
            pltpu.sync_copy(zbuf64, msg_out.at[cid, pl.ds(r, _ZR)])
            pltpu.sync_copy(sden.at[pl.ds(r, _ZR)], zbuf8)
            pltpu.sync_copy(zbuf8, den_out.at[cid, pl.ds(r, _ZR)])

    return kern(src, dst, ea0, ea1, m2, hs, ad)



def _final_body(msg_ref, den_ref, hs_ref, ad_ref, aself_ref,
                bias_ref, gamma_ref, beta_ref, y_out):
    r72 = jax.lax.broadcasted_iota(jnp.int32, (HSP, HC), 0)
    c72 = jax.lax.broadcasted_iota(jnp.int32, (HSP, HC), 1)
    ps = jnp.where(r72 == HC + c72 // C, 1.0, 0.0)
    r8 = jax.lax.broadcasted_iota(jnp.int32, (H, HC), 0)
    c8 = jax.lax.broadcasted_iota(jnp.int32, (H, HC), 1)
    p8 = jnp.where(r8 == c8 // C, 1.0, 0.0)

    hsn = hs_ref[0:N, :]
    h = hsn[:, 0:HC]
    alpha_self = (jnp.dot(hsn, ps, preferred_element_type=jnp.float32)
                  + jnp.dot(ad_ref[0:N, :], p8,
                            preferred_element_type=jnp.float32)
                  + jnp.dot(aself_ref[...], p8,
                            preferred_element_type=jnp.float32))
    ex_s = jnp.exp(_lrelu(alpha_self, 0.2))
    dsum = den_ref[0, 0:N, :] + den_ref[1, 0:N, :]
    den = (jnp.dot(dsum, p8, preferred_element_type=jnp.float32)
           + ex_s + 1e-16)
    num = msg_ref[0, 0:N, :] + msg_ref[1, 0:N, :] + h * ex_s
    out = num / den + bias_ref[...]
    mean = out.mean(axis=0, keepdims=True)
    cen = out - mean
    var = (cen * cen).mean(axis=0, keepdims=True)
    y = cen * jax.lax.rsqrt(var + 1e-5) * gamma_ref[...] + beta_ref[...]
    y_out[...] = _lrelu(y, 0.01)


def _tc_final(msg_p, den_p, hs, ad, aself, bias, gamma, beta):
    return pl.pallas_call(
        _final_body,
        out_shape=jax.ShapeDtypeStruct((N, HC), jnp.float32),
    )(msg_p, den_p, hs, ad, aself,
      bias.reshape(1, HC), gamma.reshape(1, HC), beta.reshape(1, HC))



def kernel(x, edge_idx, edge_attr, W, att_src, att_dst, W_edge, att_edge,
           bias, gamma, beta):
    src = edge_idx[0]
    dst = edge_idx[1]
    eaT = edge_attr.T
    ea0 = eaT[0]
    ea1 = eaT[1]
    hs, ad, m2, aself = _tc_prep(x, W, att_src, att_dst, eaT, W_edge, att_edge)
    msg_p, den_p = _sc_edge_call(src, dst, ea0, ea1, m2, hs, ad)
    return _tc_final(msg_p, den_p, hs, ad, aself, bias, gamma, beta)

# --- scband reference (transcript-rebuilt; emitter-appended) ---
"""Pipeline reference for scband-gatlayer-24068996727344 (READ-ONLY COPY).

The authoritative reference and input builder live on the scoring server;
editing this copy changes nothing except your own understanding.
"""

import jax, jax.numpy as jnp
import numpy as np

N = 10000
E = 320000
F_IN = 128
H = 8
C = 8
ED = 2


def setup_inputs(seed: int = 0) -> dict:
    key = jax.random.key(seed)
    ks = jax.random.split(key, 12)
    x = jax.random.normal(ks[0], (N, F_IN), dtype=jnp.float32)
    edge_idx = jax.random.randint(ks[1], (2, E), 0, N, dtype=jnp.int64 if jax.config.jax_enable_x64 else jnp.int32).astype(jnp.int32)
    edge_attr = jax.random.normal(ks[2], (E, ED), dtype=jnp.float32)
    W = jax.random.normal(ks[3], (F_IN, H * C), dtype=jnp.float32) * (1.0 / np.sqrt(F_IN))
    att_src = jax.random.normal(ks[4], (H, C), dtype=jnp.float32) * 0.1
    att_dst = jax.random.normal(ks[5], (H, C), dtype=jnp.float32) * 0.1
    W_edge = jax.random.normal(ks[6], (ED, H * C), dtype=jnp.float32) * (1.0 / np.sqrt(ED))
    att_edge = jax.random.normal(ks[7], (H, C), dtype=jnp.float32) * 0.1
    bias = jnp.zeros((H * C,), dtype=jnp.float32)
    gamma = jnp.ones((H * C,), dtype=jnp.float32)
    beta = jnp.zeros((H * C,), dtype=jnp.float32)
    return {"x": x, "edge_idx": edge_idx, "edge_attr": edge_attr, "W": W,
            "att_src": att_src, "att_dst": att_dst, "W_edge": W_edge,
            "att_edge": att_edge, "bias": bias, "gamma": gamma, "beta": beta}


def reference(x, edge_idx, edge_attr, W, att_src, att_dst, W_edge, att_edge, bias, gamma, beta):
    # --- GATConv (PyG semantics, edge_dim=2, add_self_loops=True, eval-mode dropout) ---
    src = edge_idx[0]
    dst = edge_idx[1]
    loop = jnp.arange(N, dtype=src.dtype)
    src_f = jnp.concatenate([src, loop])
    dst_f = jnp.concatenate([dst, loop])
    ea_mean = edge_attr.mean(axis=0)  # fill_value='mean' for self-loop edge_attr
    ea_f = jnp.concatenate([edge_attr, jnp.broadcast_to(ea_mean, (N, ED))], axis=0)

    h = (x @ W).reshape(N, H, C)
    a_src = (h * att_src[None, :, :]).sum(-1)  # [N, H]
    a_dst = (h * att_dst[None, :, :]).sum(-1)  # [N, H]
    he = (ea_f @ W_edge).reshape(-1, H, C)
    a_edge = (he * att_edge[None, :, :]).sum(-1)  # [E+N, H]

    alpha = a_src[src_f] + a_dst[dst_f] + a_edge
    alpha = jax.nn.leaky_relu(alpha, negative_slope=0.2)

    # segment softmax over incoming edges of each dst node
    amax = jax.ops.segment_max(alpha, dst_f, num_segments=N)
    amax = jnp.where(jnp.isfinite(amax), amax, 0.0)
    ex = jnp.exp(alpha - amax[dst_f])
    denom = jax.ops.segment_sum(ex, dst_f, num_segments=N)
    attn = ex / (denom[dst_f] + 1e-16)  # [E+N, H]

    msg = h[src_f] * attn[:, :, None]  # [E+N, H, C]
    out = jax.ops.segment_sum(msg, dst_f, num_segments=N).reshape(N, H * C) + bias

    # --- BatchNorm1d (training-mode batch stats, eps=1e-5) ---
    mean = out.mean(axis=0)
    var = ((out - mean) ** 2).mean(axis=0)
    y = (out - mean) / jnp.sqrt(var + 1e-5) * gamma + beta

    # --- LeakyReLU(alpha=0.01) ---
    return jax.nn.leaky_relu(y, negative_slope=0.01)

if __name__ == "__main__":
    import jax
    _d = setup_inputs()
    print(jax.jit(kernel)(*tuple(_d.values())))

</pallas_src>

<mosaic_0001>
#map = affine_map<(d0, d1) -> (0)>
#map1 = affine_map<(d0, d1) -> (0, 0)>
#map2 = affine_map<(d0, d1) -> (0, 0, 0)>
module attributes {stable_mosaic.version = 14 : i64} {
  func.func @kern(%arg0: i32, %arg1: i32, %arg2: memref<320000xi32, #tpu.memory_space<hbm>>, %arg3: memref<320000xi32, #tpu.memory_space<hbm>>, %arg4: memref<320000xf32, #tpu.memory_space<hbm>>, %arg5: memref<320000xf32, #tpu.memory_space<hbm>>, %arg6: memref<2x8xf32, #tpu.memory_space<hbm>>, %arg7: memref<10240x72xf32, #tpu.memory_space<hbm>>, %arg8: memref<10240x8xf32, #tpu.memory_space<hbm>>, %arg9: memref<2x10240x64xf32, #tpu.memory_space<hbm>>, %arg10: memref<2x10240x8xf32, #tpu.memory_space<hbm>>, %arg11: memref<80xi32, #tpu.memory_space<vmem>>, %arg12: memref<80xi32, #tpu.memory_space<vmem>>, %arg13: memref<80xf32, #tpu.memory_space<vmem>>, %arg14: memref<80xf32, #tpu.memory_space<vmem>>, %arg15: memref<2x8xf32, #tpu.memory_space<vmem>>, %arg16: memref<80x8xf32, #tpu.memory_space<vmem>>, %arg17: memref<80x8xf32, #tpu.memory_space<vmem>>, %arg18: memref<80x72xf32, #tpu.memory_space<vmem>>, %arg19: memref<80x64xf32, #tpu.memory_space<vmem>>, %arg20: memref<64x64xf32, #tpu.memory_space<vmem>>, %arg21: memref<64x8xf32, #tpu.memory_space<vmem>>, %arg22: memref<10240x64xf32, #tpu.memory_space<vmem_shared>>, %arg23: memref<10240x8xf32, #tpu.memory_space<vmem_shared>>, %arg24: memref<!tpu.dma_semaphore, #tpu.memory_space<semaphore_mem>>, %arg25: memref<!tpu.dma_semaphore, #tpu.memory_space<semaphore_mem>>, %arg26: memref<!tpu.dma_semaphore, #tpu.memory_space<semaphore_mem>>) attributes {dimension_semantics = [#tpu.dimension_semantics<core_parallel>, #tpu.dimension_semantics<subcore_parallel>], iteration_bounds = array<i64: 2, 16>, scalar_prefetch = 0 : i64, scratch_operands = 16 : i64, tpu.core_type = #tpu.core_type<sc_vector_subcore>, window_params = [{transform_indices = #map}, {transform_indices = #map}, {transform_indices = #map}, {transform_indices = #map}, {transform_indices = #map1}, {transform_indices = #map1}, {transform_indices = #map1}, {transform_indices = #map2}, {transform_indices = #map2}]} {
    %mul3A = arith.constant 2 : i32
    %mul3A_0 = arith.muli %arg1, %mul3A : i32
    %add3A = arith.addi %mul3A_0, %arg0 : i32
    %iota3A = tpu.iota {dimensions = array<i32: 0>} : vector<16xi32>
    %jit3A = arith.constant 8 : i32
    %div3A = vector.broadcast %jit3A : i32 to vector<16xi32>
    %div3A_1 = arith.divsi %iota3A, %div3A : vector<16xi32>
    %sign3A = arith.constant 0 : i32
    %sign3A_2 = vector.broadcast %sign3A : i32 to vector<16xi32>
    %sign3A_3 = arith.cmpi sgt, %iota3A, %sign3A_2 : vector<16xi32>
    %sign3A_4 = arith.extui %sign3A_3 : vector<16xi1> to vector<16xi32>
    %sign3A_5 = arith.constant 0 : i32
    %sign3A_6 = vector.broadcast %sign3A_5 : i32 to vector<16xi32>
    %sign3A_7 = arith.cmpi slt, %iota3A, %sign3A_6 : vector<16xi32>
    %sign3A_8 = arith.extui %sign3A_7 : vector<16xi1> to vector<16xi32>
    %sign3A_9 = arith.subi %sign3A_4, %sign3A_8 : vector<16xi32>
    %sign3A_10 = arith.constant 0 : i32
    %sign3A_11 = arith.cmpi sgt, %jit3A, %sign3A_10 : i32
    %sign3A_12 = arith.extui %sign3A_11 : i1 to i32
    %sign3A_13 = arith.constant 0 : i32
    %sign3A_14 = arith.cmpi slt, %jit3A, %sign3A_13 : i32
    %sign3A_15 = arith.extui %sign3A_14 : i1 to i32
    %sign3A_16 = arith.subi %sign3A_12, %sign3A_15 : i32
    %ne3A = vector.broadcast %sign3A_16 : i32 to vector<16xi32>
    %ne3A_17 = arith.cmpi ne, %sign3A_9, %ne3A : vector<16xi32>
    %rem3A = vector.broadcast %jit3A : i32 to vector<16xi32>
    %rem3A_18 = arith.remsi %iota3A, %rem3A : vector<16xi32>
    %ne3A_19 = arith.constant 0 : i32
    %ne3A_20 = vector.broadcast %ne3A_19 : i32 to vector<16xi32>
    %ne3A_21 = arith.cmpi ne, %rem3A_18, %ne3A_20 : vector<16xi32>
    %and3A = arith.andi %ne3A_17, %ne3A_21 : vector<16xi1>
    %sub3A = arith.constant 1 : i32
    %sub3A_22 = vector.broadcast %sub3A : i32 to vector<16xi32>
    %sub3A_23 = arith.subi %div3A_1, %sub3A_22 : vector<16xi32>
    %select_n3A = arith.select %and3A, %sub3A_23, %div3A_1 : vector<16xi1>, vector<16xi32>
    %rem3A_24 = arith.constant 8 : i32
    %rem3A_25 = vector.broadcast %rem3A_24 : i32 to vector<16xi32>
    %rem3A_26 = arith.remsi %iota3A, %rem3A_25 : vector<16xi32>
    %broadcast_in_dim3A = arith.constant 0.000000e+00 : f32
    %broadcast_in_dim3A_27 = vector.broadcast %broadcast_in_dim3A : f32 to vector<16xf32>
    %broadcast_in_dim3A_28 = arith.constant 0 : i32
    %broadcast_in_dim3A_29 = vector.broadcast %broadcast_in_dim3A_28 : i32 to vector<16xi32>
    %mul3A_30 = arith.constant 640 : i32
    %mul3A_31 = arith.muli %arg1, %mul3A_30 : i32
    "tpu.region"() ({
      %run_scoped3A = tpu.sem_alloc : memref<!tpu.dma_semaphore, #tpu.memory_space<semaphore_mem>>
      tpu.enqueue_dma source(%arg6 : memref<2x8xf32, #tpu.memory_space<hbm>>) target(%arg15 : memref<2x8xf32, #tpu.memory_space<vmem>>) target_semaphore(%run_scoped3A : memref<!tpu.dma_semaphore, #tpu.memory_space<semaphore_mem>>)
      tpu.wait_dma2 semaphore(%run_scoped3A : memref<!tpu.dma_semaphore, #tpu.memory_space<semaphore_mem>>) src(%arg6 : memref<2x8xf32, #tpu.memory_space<hbm>>) dst(%arg15 : memref<2x8xf32, #tpu.memory_space<vmem>>)
      tpu.yield
    }) : () -> ()
    %gather3A = tpu.vector_load_idx %arg15[%broadcast_in_dim3A_29, %rem3A_26] : memref<2x8xf32, #tpu.memory_space<vmem>>[vector<16xi32>, vector<16xi32>], vector<16xf32>,
    %add3A_32 = arith.constant 1 : i32
    %add3A_33 = vector.broadcast %add3A_32 : i32 to vector<16xi32>
    %add3A_34 = arith.addi %broadcast_in_dim3A_29, %add3A_33 : vector<16xi32>
    %gather3A_35 = tpu.vector_load_idx %arg15[%add3A_34, %rem3A_26] : memref<2x8xf32, #tpu.memory_space<vmem>>[vector<16xi32>, vector<16xi32>], vector<16xf32>,
    %scan3A = arith.constant 0 : i32
    %scan3A_36 = arith.constant 0 : i32
    %scan3A_37 = arith.constant 64 : i32
    %scan3A_38 = arith.addi %scan3A_36, %scan3A_37 : i32
    %scan3A_39 = arith.constant 1 : i32
    %scan3A_40 = scf.for %scan3A_99 = %scan3A_36 to %scan3A_38 step %scan3A_39 iter_args(%scan3A_100 = %scan3A) -> (i32)  : i32 {
      %swap3A = arith.index_cast %scan3A_99 : i32 to index
      %swap3A_101 = arith.constant 0 : index
      %swap3A_102 = tpu.vector_load %arg20[%swap3A, %swap3A_101] {strides = array<i32>} : memref<64x64xf32, #tpu.memory_space<vmem>>, vector<16xf32>,
      tpu.vector_store %arg20[%swap3A, %swap3A_101], %broadcast_in_dim3A_27 {strides = array<i32>} : memref<64x64xf32, #tpu.memory_space<vmem>>, vector<16xf32>,
      %swap3A_103 = arith.index_cast %scan3A_99 : i32 to index
      %swap3A_104 = arith.constant 16 : index
      %swap3A_105 = tpu.vector_load %arg20[%swap3A_103, %swap3A_104] {strides = array<i32>} : memref<64x64xf32, #tpu.memory_space<vmem>>, vector<16xf32>,
      tpu.vector_store %arg20[%swap3A_103, %swap3A_104], %broadcast_in_dim3A_27 {strides = array<i32>} : memref<64x64xf32, #tpu.memory_space<vmem>>, vector<16xf32>,
      %swap3A_106 = arith.index_cast %scan3A_99 : i32 to index
      %swap3A_107 = arith.constant 32 : index
      %swap3A_108 = tpu.vector_load %arg20[%swap3A_106, %swap3A_107] {strides = array<i32>} : memref<64x64xf32, #tpu.memory_space<vmem>>, vector<16xf32>,
      tpu.vector_store %arg20[%swap3A_106, %swap3A_107], %broadcast_in_dim3A_27 {strides = array<i32>} : memref<64x64xf32, #tpu.memory_space<vmem>>, vector<16xf32>,
      %swap3A_109 = arith.index_cast %scan3A_99 : i32 to index
      %swap3A_110 = arith.constant 48 : index
      %swap3A_111 = tpu.vector_load %arg20[%swap3A_109, %swap3A_110] {strides = array<i32>} : memref<64x64xf32, #tpu.memory_space<vmem>>, vector<16xf32>,
      tpu.vector_store %arg20[%swap3A_109, %swap3A_110], %broadcast_in_dim3A_27 {strides = array<i32>} : memref<64x64xf32, #tpu.memory_space<vmem>>, vector<16xf32>,
      %scan3A_112 = arith.constant 0 : i32
      scf.yield %scan3A_112 : i32
    }
    %scan3A_41 = arith.constant 64 : i32
    %scan3A_42 = arith.constant 0 : i32
    %scan3A_43 = arith.constant 0 : i32
    %scan3A_44 = arith.constant 32 : i32
    %scan3A_45 = arith.addi %scan3A_43, %scan3A_44 : i32
    %scan3A_46 = arith.constant 1 : i32
    %scan3A_47 = scf.for %scan3A_99 = %scan3A_43 to %scan3A_45 step %scan3A_46 iter_args(%scan3A_100 = %scan3A_42) -> (i32)  : i32 {
      %mul3A_101 = arith.constant 2 : i32
      %mul3A_102 = arith.muli %mul3A_101, %scan3A_99 : i32
      %broadcast_in_dim3A_103 = vector.broadcast %mul3A_102 : i32 to vector<16xi32>
      %add3A_104 = arith.addi %broadcast_in_dim3A_103, %select_n3A : vector<16xi32>
      tpu.vector_store_idx %arg21[%add3A_104, %rem3A_26], %broadcast_in_dim3A_27 : memref<64x8xf32, #tpu.memory_space<vmem>>[vector<16xi32>, vector<16xi32>], vector<16xf32>,
      %scan3A_105 = arith.constant 0 : i32
      scf.yield %scan3A_105 : i32
    }
    %scan3A_48 = arith.constant 32 : i32
    %add3A_49 = arith.constant 0 : i32
    %add3A_50 = arith.addi %mul3A_31, %add3A_49 : i32
    "tpu.region"() ({
      %run_scoped3A = tpu.sem_alloc : memref<!tpu.dma_semaphore, #tpu.memory_space<semaphore_mem>>
      %dma_start3A = arith.constant 0 : i32
      %dma_start3A_99 = tpu.memref_slice %arg22[%add3A_50, %dma_start3A] : memref<10240x64xf32, #tpu.memory_space<vmem_shared>> -> memref<64x64xf32, #tpu.memory_space<vmem_shared>>
      %dma_start3A_100 = arith.constant 0 : i32
      %dma_start3A_101 = tpu.memref_slice %arg22[%add3A_50, %dma_start3A_100] : memref<10240x64xf32, #tpu.memory_space<vmem_shared>> -> memref<64x64xf32, #tpu.memory_space<vmem_shared>>
      tpu.enqueue_dma source(%arg20 : memref<64x64xf32, #tpu.memory_space<vmem>>) target(%dma_start3A_101 : memref<64x64xf32, #tpu.memory_space<vmem_shared>>) target_semaphore(%run_scoped3A : memref<!tpu.dma_semaphore, #tpu.memory_space<semaphore_mem>>)
      %dma_wait3A = arith.constant 0 : i32
      %dma_wait3A_102 = tpu.memref_slice %arg22[%add3A_50, %dma_wait3A] : memref<10240x64xf32, #tpu.memory_space<vmem_shared>> -> memref<64x64xf32, #tpu.memory_space<vmem_shared>>
      %dma_wait3A_103 = arith.constant 0 : i32
      %dma_wait3A_104 = tpu.memref_slice %arg22[%add3A_50, %dma_wait3A_103] : memref<10240x64xf32, #tpu.memory_space<vmem_shared>> -> memref<64x64xf32, #tpu.memory_space<vmem_shared>>
      tpu.wait_dma2 semaphore(%run_scoped3A : memref<!tpu.dma_semaphore, #tpu.memory_space<semaphore_mem>>) src(%arg20 : memref<64x64xf32, #tpu.memory_space<vmem>>) dst(%dma_wait3A_104 : memref<64x64xf32, #tpu.memory_space<vmem_shared>>)
      tpu.yield
    }) : () -> ()
    "tpu.region"() ({
      %run_scoped3A = tpu.sem_alloc : memref<!tpu.dma_semaphore, #tpu.memory_space<semaphore_mem>>
      %dma_start3A = arith.constant 0 : i32
      %dma_start3A_99 = tpu.memref_slice %arg23[%add3A_50, %dma_start3A] : memref<10240x8xf32, #tpu.memory_space<vmem_shared>> -> memref<64x8xf32, #tpu.memory_space<vmem_shared>>
      %dma_start3A_100 = arith.constant 0 : i32
      %dma_start3A_101 = tpu.memref_slice %arg23[%add3A_50, %dma_start3A_100] : memref<10240x8xf32, #tpu.memory_space<vmem_shared>> -> memref<64x8xf32, #tpu.memory_space<vmem_shared>>
      tpu.enqueue_dma source(%arg21 : memref<64x8xf32, #tpu.memory_space<vmem>>) target(%dma_start3A_101 : memref<64x8xf32, #tpu.memory_space<vmem_shared>>) target_semaphore(%run_scoped3A : memref<!tpu.dma_semaphore, #tpu.memory_space<semaphore_mem>>)
      %dma_wait3A = arith.constant 0 : i32
      %dma_wait3A_102 = tpu.memref_slice %arg23[%add3A_50, %dma_wait3A] : memref<10240x8xf32, #tpu.memory_space<vmem_shared>> -> memref<64x8xf32, #tpu.memory_space<vmem_shared>>
      %dma_wait3A_103 = arith.constant 0 : i32
      %dma_wait3A_104 = tpu.memref_slice %arg23[%add3A_50, %dma_wait3A_103] : memref<10240x8xf32, #tpu.memory_space<vmem_shared>> -> memref<64x8xf32, #tpu.memory_space<vmem_shared>>
      tpu.wait_dma2 semaphore(%run_scoped3A : memref<!tpu.dma_semaphore, #tpu.memory_space<semaphore_mem>>) src(%arg21 : memref<64x8xf32, #tpu.memory_space<vmem>>) dst(%dma_wait3A_104 : memref<64x8xf32, #tpu.memory_space<vmem_shared>>)
      tpu.yield
    }) : () -> ()
    %add3A_51 = arith.constant 64 : i32
    %add3A_52 = arith.addi %mul3A_31, %add3A_51 : i32
    "tpu.region"() ({
      %run_scoped3A = tpu.sem_alloc : memref<!tpu.dma_semaphore, #tpu.memory_space<semaphore_mem>>
      %dma_start3A = arith.constant 0 : i32
      %dma_start3A_99 = tpu.memref_slice %arg22[%add3A_52, %dma_start3A] : memref<10240x64xf32, #tpu.memory_space<vmem_shared>> -> memref<64x64xf32, #tpu.memory_space<vmem_shared>>
      %dma_start3A_100 = arith.constant 0 : i32
      %dma_start3A_101 = tpu.memref_slice %arg22[%add3A_52, %dma_start3A_100] : memref<10240x64xf32, #tpu.memory_space<vmem_shared>> -> memref<64x64xf32, #tpu.memory_space<vmem_shared>>
      tpu.enqueue_dma source(%arg20 : memref<64x64xf32, #tpu.memory_space<vmem>>) target(%dma_start3A_101 : memref<64x64xf32, #tpu.memory_space<vmem_shared>>) target_semaphore(%run_scoped3A : memref<!tpu.dma_semaphore, #tpu.memory_space<semaphore_mem>>)
      %dma_wait3A = arith.constant 0 : i32
      %dma_wait3A_102 = tpu.memref_slice %arg22[%add3A_52, %dma_wait3A] : memref<10240x64xf32, #tpu.memory_space<vmem_shared>> -> memref<64x64xf32, #tpu.memory_space<vmem_shared>>
      %dma_wait3A_103 = arith.constant 0 : i32
      %dma_wait3A_104 = tpu.memref_slice %arg22[%add3A_52, %dma_wait3A_103] : memref<10240x64xf32, #tpu.memory_space<vmem_shared>> -> memref<64x64xf32, #tpu.memory_space<vmem_shared>>
      tpu.wait_dma2 semaphore(%run_scoped3A : memref<!tpu.dma_semaphore, #tpu.memory_space<semaphore_mem>>) src(%arg20 : memref<64x64xf32, #tpu.memory_space<vmem>>) dst(%dma_wait3A_104 : memref<64x64xf32, #tpu.memory_space<vmem_shared>>)
      tpu.yield
    }) : () -> ()
    "tpu.region"() ({
      %run_scoped3A = tpu.sem_alloc : memref<!tpu.dma_semaphore, #tpu.memory_space<semaphore_mem>>
      %dma_start3A = arith.constant 0 : i32
      %dma_start3A_99 = tpu.memref_slice %arg23[%add3A_52, %dma_start3A] : memref<10240x8xf32, #tpu.memory_space<vmem_shared>> -> memref<64x8xf32, #tpu.memory_space<vmem_shared>>
      %dma_start3A_100 = arith.constant 0 : i32
      %dma_start3A_101 = tpu.memref_slice %arg23[%add3A_52, %dma_start3A_100] : memref<10240x8xf32, #tpu.memory_space<vmem_shared>> -> memref<64x8xf32, #tpu.memory_space<vmem_shared>>
      tpu.enqueue_dma source(%arg21 : memref<64x8xf32, #tpu.memory_space<vmem>>) target(%dma_start3A_101 : memref<64x8xf32, #tpu.memory_space<vmem_shared>>) target_semaphore(%run_scoped3A : memref<!tpu.dma_semaphore, #tpu.memory_space<semaphore_mem>>)
      %dma_wait3A = arith.constant 0 : i32
      %dma_wait3A_102 = tpu.memref_slice %arg23[%add3A_52, %dma_wait3A] : memref<10240x8xf32, #tpu.memory_space<vmem_shared>> -> memref<64x8xf32, #tpu.memory_space<vmem_shared>>
      %dma_wait3A_103 = arith.constant 0 : i32
      %dma_wait3A_104 = tpu.memref_slice %arg23[%add3A_52, %dma_wait3A_103] : memref<10240x8xf32, #tpu.memory_space<vmem_shared>> -> memref<64x8xf32, #tpu.memory_space<vmem_shared>>
      tpu.wait_dma2 semaphore(%run_scoped3A : memref<!tpu.dma_semaphore, #tpu.memory_space<semaphore_mem>>) src(%arg21 : memref<64x8xf32, #tpu.memory_space<vmem>>) dst(%dma_wait3A_104 : memref<64x8xf32, #tpu.memory_space<vmem_shared>>)
      tpu.yield
    }) : () -> ()
    %add3A_53 = arith.constant 128 : i32
    %add3A_54 = arith.addi %mul3A_31, %add3A_53 : i32
    "tpu.region"() ({
      %run_scoped3A = tpu.sem_alloc : memref<!tpu.dma_semaphore, #tpu.memory_space<semaphore_mem>>
      %dma_start3A = arith.constant 0 : i32
      %dma_start3A_99 = tpu.memref_slice %arg22[%add3A_54, %dma_start3A] : memref<10240x64xf32, #tpu.memory_space<vmem_shared>> -> memref<64x64xf32, #tpu.memory_space<vmem_shared>>
      %dma_start3A_100 = arith.constant 0 : i32
      %dma_start3A_101 = tpu.memref_slice %arg22[%add3A_54, %dma_start3A_100] : memref<10240x64xf32, #tpu.memory_space<vmem_shared>> -> memref<64x64xf32, #tpu.memory_space<vmem_shared>>
      tpu.enqueue_dma source(%arg20 : memref<64x64xf32, #tpu.memory_space<vmem>>) target(%dma_start3A_101 : memref<64x64xf32, #tpu.memory_space<vmem_shared>>) target_semaphore(%run_scoped3A : memref<!tpu.dma_semaphore, #tpu.memory_space<semaphore_mem>>)
      %dma_wait3A = arith.constant 0 : i32
      %dma_wait3A_102 = tpu.memref_slice %arg22[%add3A_54, %dma_wait3A] : memref<10240x64xf32, #tpu.memory_space<vmem_shared>> -> memref<64x64xf32, #tpu.memory_space<vmem_shared>>
      %dma_wait3A_103 = arith.constant 0 : i32
      %dma_wait3A_104 = tpu.memref_slice %arg22[%add3A_54, %dma_wait3A_103] : memref<10240x64xf32, #tpu.memory_space<vmem_shared>> -> memref<64x64xf32, #tpu.memory_space<vmem_shared>>
      tpu.wait_dma2 semaphore(%run_scoped3A : memref<!tpu.dma_semaphore, #tpu.memory_space<semaphore_mem>>) src(%arg20 : memref<64x64xf32, #tpu.memory_space<vmem>>) dst(%dma_wait3A_104 : memref<64x64xf32, #tpu.memory_space<vmem_shared>>)
      tpu.yield
    }) : () -> ()
    "tpu.region"() ({
      %run_scoped3A = tpu.sem_alloc : memref<!tpu.dma_semaphore, #tpu.memory_space<semaphore_mem>>
      %dma_start3A = arith.constant 0 : i32
      %dma_start3A_99 = tpu.memref_slice %arg23[%add3A_54, %dma_start3A] : memref<10240x8xf32, #tpu.memory_space<vmem_shared>> -> memref<64x8xf32, #tpu.memory_space<vmem_shared>>
      %dma_start3A_100 = arith.constant 0 : i32
      %dma_start3A_101 = tpu.memref_slice %arg23[%add3A_54, %dma_start3A_100] : memref<10240x8xf32, #tpu.memory_space<vmem_shared>> -> memref<64x8xf32, #tpu.memory_space<vmem_shared>>
      tpu.enqueue_dma source(%arg21 : memref<64x8xf32, #tpu.memory_space<vmem>>) target(%dma_start3A_101 : memref<64x8xf32, #tpu.memory_space<vmem_shared>>) target_semaphore(%run_scoped3A : memref<!tpu.dma_semaphore, #tpu.memory_space<semaphore_mem>>)
      %dma_wait3A = arith.constant 0 : i32
      %dma_wait3A_102 = tpu.memref_slice %arg23[%add3A_54, %dma_wait3A] : memref<10240x8xf32, #tpu.memory_space<vmem_shared>> -> memref<64x8xf32, #tpu.memory_space<vmem_shared>>
      %dma_wait3A_103 = arith.constant 0 : i32
      %dma_wait3A_104 = tpu.memref_slice %arg23[%add3A_54, %dma_wait3A_103] : memref<10240x8xf32, #tpu.memory_space<vmem_shared>> -> memref<64x8xf32, #tpu.memory_space<vmem_shared>>
      tpu.wait_dma2 semaphore(%run_scoped3A : memref<!tpu.dma_semaphore, #tpu.memory_space<semaphore_mem>>) src(%arg21 : memref<64x8xf32, #tpu.memory_space<vmem>>) dst(%dma_wait3A_104 : memref<64x8xf32, #tpu.memory_space<vmem_shared>>)
      tpu.yield
    }) : () -> ()
    %add3A_55 = arith.constant 192 : i32
    %add3A_56 = arith.addi %mul3A_31, %add3A_55 : i32
    "tpu.region"() ({
      %run_scoped3A = tpu.sem_alloc : memref<!tpu.dma_semaphore, #tpu.memory_space<semaphore_mem>>
      %dma_start3A = arith.constant 0 : i32
      %dma_start3A_99 = tpu.memref_slice %arg22[%add3A_56, %dma_start3A] : memref<10240x64xf32, #tpu.memory_space<vmem_shared>> -> memref<64x64xf32, #tpu.memory_space<vmem_shared>>
      %dma_start3A_100 = arith.constant 0 : i32
      %dma_start3A_101 = tpu.memref_slice %arg22[%add3A_56, %dma_start3A_100] : memref<10240x64xf32, #tpu.memory_space<vmem_shared>> -> memref<64x64xf32, #tpu.memory_space<vmem_shared>>
      tpu.enqueue_dma source(%arg20 : memref<64x64xf32, #tpu.memory_space<vmem>>) target(%dma_start3A_101 : memref<64x64xf32, #tpu.memory_space<vmem_shared>>) target_semaphore(%run_scoped3A : memref<!tpu.dma_semaphore, #tpu.memory_space<semaphore_mem>>)
      %dma_wait3A = arith.constant 0 : i32
      %dma_wait3A_102 = tpu.memref_slice %arg22[%add3A_56, %dma_wait3A] : memref<10240x64xf32, #tpu.memory_space<vmem_shared>> -> memref<64x64xf32, #tpu.memory_space<vmem_shared>>
      %dma_wait3A_103 = arith.constant 0 : i32
      %dma_wait3A_104 = tpu.memref_slice %arg22[%add3A_56, %dma_wait3A_103] : memref<10240x64xf32, #tpu.memory_space<vmem_shared>> -> memref<64x64xf32, #tpu.memory_space<vmem_shared>>
      tpu.wait_dma2 semaphore(%run_scoped3A : memref<!tpu.dma_semaphore, #tpu.memory_space<semaphore_mem>>) src(%arg20 : memref<64x64xf32, #tpu.memory_space<vmem>>) dst(%dma_wait3A_104 : memref<64x64xf32, #tpu.memory_space<vmem_shared>>)
      tpu.yield
    }) : () -> ()
    "tpu.region"() ({
      %run_scoped3A = tpu.sem_alloc : memref<!tpu.dma_semaphore, #tpu.memory_space<semaphore_mem>>
      %dma_start3A = arith.constant 0 : i32
      %dma_start3A_99 = tpu.memref_slice %arg23[%add3A_56, %dma_start3A] : memref<10240x8xf32, #tpu.memory_space<vmem_shared>> -> memref<64x8xf32, #tpu.memory_space<vmem_shared>>
      %dma_start3A_100 = arith.constant 0 : i32
      %dma_start3A_101 = tpu.memref_slice %arg23[%add3A_56, %dma_start3A_100] : memref<10240x8xf32, #tpu.memory_space<vmem_shared>> -> memref<64x8xf32, #tpu.memory_space<vmem_shared>>
      tpu.enqueue_dma source(%arg21 : memref<64x8xf32, #tpu.memory_space<vmem>>) target(%dma_start3A_101 : memref<64x8xf32, #tpu.memory_space<vmem_shared>>) target_semaphore(%run_scoped3A : memref<!tpu.dma_semaphore, #tpu.memory_space<semaphore_mem>>)
      %dma_wait3A = arith.constant 0 : i32
      %dma_wait3A_102 = tpu.memref_slice %arg23[%add3A_56, %dma_wait3A] : memref<10240x8xf32, #tpu.memory_space<vmem_shared>> -> memref<64x8xf32, #tpu.memory_space<vmem_shared>>
      %dma_wait3A_103 = arith.constant 0 : i32
      %dma_wait3A_104 = tpu.memref_slice %arg23[%add3A_56, %dma_wait3A_103] : memref<10240x8xf32, #tpu.memory_space<vmem_shared>> -> memref<64x8xf32, #tpu.memory_space<vmem_shared>>
      tpu.wait_dma2 semaphore(%run_scoped3A : memref<!tpu.dma_semaphore, #tpu.memory_space<semaphore_mem>>) src(%arg21 : memref<64x8xf32, #tpu.memory_space<vmem>>) dst(%dma_wait3A_104 : memref<64x8xf32, #tpu.memory_space<vmem_shared>>)
      tpu.yield
    }) : () -> ()
    %add3A_57 = arith.constant 256 : i32
    %add3A_58 = arith.addi %mul3A_31, %add3A_57 : i32
    "tpu.region"() ({
      %run_scoped3A = tpu.sem_alloc : memref<!tpu.dma_semaphore, #tpu.memory_space<semaphore_mem>>
      %dma_start3A = arith.constant 0 : i32
      %dma_start3A_99 = tpu.memref_slice %arg22[%add3A_58, %dma_start3A] : memref<10240x64xf32, #tpu.memory_space<vmem_shared>> -> memref<64x64xf32, #tpu.memory_space<vmem_shared>>
      %dma_start3A_100 = arith.constant 0 : i32
      %dma_start3A_101 = tpu.memref_slice %arg22[%add3A_58, %dma_start3A_100] : memref<10240x64xf32, #tpu.memory_space<vmem_shared>> -> memref<64x64xf32, #tpu.memory_space<vmem_shared>>
      tpu.enqueue_dma source(%arg20 : memref<64x64xf32, #tpu.memory_space<vmem>>) target(%dma_start3A_101 : memref<64x64xf32, #tpu.memory_space<vmem_shared>>) target_semaphore(%run_scoped3A : memref<!tpu.dma_semaphore, #tpu.memory_space<semaphore_mem>>)
      %dma_wait3A = arith.constant 0 : i32
      %dma_wait3A_102 = tpu.memref_slice %arg22[%add3A_58, %dma_wait3A] : memref<10240x64xf32, #tpu.memory_space<vmem_shared>> -> memref<64x64xf32, #tpu.memory_space<vmem_shared>>
      %dma_wait3A_103 = arith.constant 0 : i32
      %dma_wait3A_104 = tpu.memref_slice %arg22[%add3A_58, %dma_wait3A_103] : memref<10240x64xf32, #tpu.memory_space<vmem_shared>> -> memref<64x64xf32, #tpu.memory_space<vmem_shared>>
      tpu.wait_dma2 semaphore(%run_scoped3A : memref<!tpu.dma_semaphore, #tpu.memory_space<semaphore_mem>>) src(%arg20 : memref<64x64xf32, #tpu.memory_space<vmem>>) dst(%dma_wait3A_104 : memref<64x64xf32, #tpu.memory_space<vmem_shared>>)
      tpu.yield
    }) : () -> ()
    "tpu.region"() ({
      %run_scoped3A = tpu.sem_alloc : memref<!tpu.dma_semaphore, #tpu.memory_space<semaphore_mem>>
      %dma_start3A = arith.constant 0 : i32
      %dma_start3A_99 = tpu.memref_slice %arg23[%add3A_58, %dma_start3A] : memref<10240x8xf32, #tpu.memory_space<vmem_shared>> -> memref<64x8xf32, #tpu.memory_space<vmem_shared>>
      %dma_start3A_100 = arith.constant 0 : i32
      %dma_start3A_101 = tpu.memref_slice %arg23[%add3A_58, %dma_start3A_100] : memref<10240x8xf32, #tpu.memory_space<vmem_shared>> -> memref<64x8xf32, #tpu.memory_space<vmem_shared>>
      tpu.enqueue_dma source(%arg21 : memref<64x8xf32, #tpu.memory_space<vmem>>) target(%dma_start3A_101 : memref<64x8xf32, #tpu.memory_space<vmem_shared>>) target_semaphore(%run_scoped3A : memref<!tpu.dma_semaphore, #tpu.memory_space<semaphore_mem>>)
      %dma_wait3A = arith.constant 0 : i32
      %dma_wait3A_102 = tpu.memref_slice %arg23[%add3A_58, %dma_wait3A] : memref<10240x8xf32, #tpu.memory_space<vmem_shared>> -> memref<64x8xf32, #tpu.memory_space<vmem_shared>>
      %dma_wait3A_103 = arith.constant 0 : i32
      %dma_wait3A_104 = tpu.memref_slice %arg23[%add3A_58, %dma_wait3A_103] : memref<10240x8xf32, #tpu.memory_space<vmem_shared>> -> memref<64x8xf32, #tpu.memory_space<vmem_shared>>
      tpu.wait_dma2 semaphore(%run_scoped3A : memref<!tpu.dma_semaphore, #tpu.memory_space<semaphore_mem>>) src(%arg21 : memref<64x8xf32, #tpu.memory_space<vmem>>) dst(%dma_wait3A_104 : memref<64x8xf32, #tpu.memory_space<vmem_shared>>)
      tpu.yield
    }) : () -> ()
    %add3A_59 = arith.constant 320 : i32
    %add3A_60 = arith.addi %mul3A_31, %add3A_59 : i32
    "tpu.region"() ({
      %run_scoped3A = tpu.sem_alloc : memref<!tpu.dma_semaphore, #tpu.memory_space<semaphore_mem>>
      %dma_start3A = arith.constant 0 : i32
      %dma_start3A_99 = tpu.memref_slice %arg22[%add3A_60, %dma_start3A] : memref<10240x64xf32, #tpu.memory_space<vmem_shared>> -> memref<64x64xf32, #tpu.memory_space<vmem_shared>>
      %dma_start3A_100 = arith.constant 0 : i32
      %dma_start3A_101 = tpu.memref_slice %arg22[%add3A_60, %dma_start3A_100] : memref<10240x64xf32, #tpu.memory_space<vmem_shared>> -> memref<64x64xf32, #tpu.memory_space<vmem_shared>>
      tpu.enqueue_dma source(%arg20 : memref<64x64xf32, #tpu.memory_space<vmem>>) target(%dma_start3A_101 : memref<64x64xf32, #tpu.memory_space<vmem_shared>>) target_semaphore(%run_scoped3A : memref<!tpu.dma_semaphore, #tpu.memory_space<semaphore_mem>>)
      %dma_wait3A = arith.constant 0 : i32
      %dma_wait3A_102 = tpu.memref_slice %arg22[%add3A_60, %dma_wait3A] : memref<10240x64xf32, #tpu.memory_space<vmem_shared>> -> memref<64x64xf32, #tpu.memory_space<vmem_shared>>
      %dma_wait3A_103 = arith.constant 0 : i32
      %dma_wait3A_104 = tpu.memref_slice %arg22[%add3A_60, %dma_wait3A_103] : memref<10240x64xf32, #tpu.memory_space<vmem_shared>> -> memref<64x64xf32, #tpu.memory_space<vmem_shared>>
      tpu.wait_dma2 semaphore(%run_scoped3A : memref<!tpu.dma_semaphore, #tpu.memory_space<semaphore_mem>>) src(%arg20 : memref<64x64xf32, #tpu.memory_space<vmem>>) dst(%dma_wait3A_104 : memref<64x64xf32, #tpu.memory_space<vmem_shared>>)
      tpu.yield
    }) : () -> ()
    "tpu.region"() ({
      %run_scoped3A = tpu.sem_alloc : memref<!tpu.dma_semaphore, #tpu.memory_space<semaphore_mem>>
      %dma_start3A = arith.constant 0 : i32
      %dma_start3A_99 = tpu.memref_slice %arg23[%add3A_60, %dma_start3A] : memref<10240x8xf32, #tpu.memory_space<vmem_shared>> -> memref<64x8xf32, #tpu.memory_space<vmem_shared>>
      %dma_start3A_100 = arith.constant 0 : i32
      %dma_start3A_101 = tpu.memref_slice %arg23[%add3A_60, %dma_start3A_100] : memref<10240x8xf32, #tpu.memory_space<vmem_shared>> -> memref<64x8xf32, #tpu.memory_space<vmem_shared>>
      tpu.enqueue_dma source(%arg21 : memref<64x8xf32, #tpu.memory_space<vmem>>) target(%dma_start3A_101 : memref<64x8xf32, #tpu.memory_space<vmem_shared>>) target_semaphore(%run_scoped3A : memref<!tpu.dma_semaphore, #tpu.memory_space<semaphore_mem>>)
      %dma_wait3A = arith.constant 0 : i32
      %dma_wait3A_102 = tpu.memref_slice %arg23[%add3A_60, %dma_wait3A] : memref<10240x8xf32, #tpu.memory_space<vmem_shared>> -> memref<64x8xf32, #tpu.memory_space<vmem_shared>>
      %dma_wait3A_103 = arith.constant 0 : i32
      %dma_wait3A_104 = tpu.memref_slice %arg23[%add3A_60, %dma_wait3A_103] : memref<10240x8xf32, #tpu.memory_space<vmem_shared>> -> memref<64x8xf32, #tpu.memory_space<vmem_shared>>
      tpu.wait_dma2 semaphore(%run_scoped3A : memref<!tpu.dma_semaphore, #tpu.memory_space<semaphore_mem>>) src(%arg21 : memref<64x8xf32, #tpu.memory_space<vmem>>) dst(%dma_wait3A_104 : memref<64x8xf32, #tpu.memory_space<vmem_shared>>)
      tpu.yield
    }) : () -> ()
    %add3A_61 = arith.constant 384 : i32
    %add3A_62 = arith.addi %mul3A_31, %add3A_61 : i32
    "tpu.region"() ({
      %run_scoped3A = tpu.sem_alloc : memref<!tpu.dma_semaphore, #tpu.memory_space<semaphore_mem>>
      %dma_start3A = arith.constant 0 : i32
      %dma_start3A_99 = tpu.memref_slice %arg22[%add3A_62, %dma_start3A] : memref<10240x64xf32, #tpu.memory_space<vmem_shared>> -> memref<64x64xf32, #tpu.memory_space<vmem_shared>>
      %dma_start3A_100 = arith.constant 0 : i32
      %dma_start3A_101 = tpu.memref_slice %arg22[%add3A_62, %dma_start3A_100] : memref<10240x64xf32, #tpu.memory_space<vmem_shared>> -> memref<64x64xf32, #tpu.memory_space<vmem_shared>>
      tpu.enqueue_dma source(%arg20 : memref<64x64xf32, #tpu.memory_space<vmem>>) target(%dma_start3A_101 : memref<64x64xf32, #tpu.memory_space<vmem_shared>>) target_semaphore(%run_scoped3A : memref<!tpu.dma_semaphore, #tpu.memory_space<semaphore_mem>>)
      %dma_wait3A = arith.constant 0 : i32
      %dma_wait3A_102 = tpu.memref_slice %arg22[%add3A_62, %dma_wait3A] : memref<10240x64xf32, #tpu.memory_space<vmem_shared>> -> memref<64x64xf32, #tpu.memory_space<vmem_shared>>
      %dma_wait3A_103 = arith.constant 0 : i32
      %dma_wait3A_104 = tpu.memref_slice %arg22[%add3A_62, %dma_wait3A_103] : memref<10240x64xf32, #tpu.memory_space<vmem_shared>> -> memref<64x64xf32, #tpu.memory_space<vmem_shared>>
      tpu.wait_dma2 semaphore(%run_scoped3A : memref<!tpu.dma_semaphore, #tpu.memory_space<semaphore_mem>>) src(%arg20 : memref<64x64xf32, #tpu.memory_space<vmem>>) dst(%dma_wait3A_104 : memref<64x64xf32, #tpu.memory_space<vmem_shared>>)
      tpu.yield
    }) : () -> ()
    "tpu.region"() ({
      %run_scoped3A = tpu.sem_alloc : memref<!tpu.dma_semaphore, #tpu.memory_space<semaphore_mem>>
      %dma_start3A = arith.constant 0 : i32
      %dma_start3A_99 = tpu.memref_slice %arg23[%add3A_62, %dma_start3A] : memref<10240x8xf32, #tpu.memory_space<vmem_shared>> -> memref<64x8xf32, #tpu.memory_space<vmem_shared>>
      %dma_start3A_100 = arith.constant 0 : i32
      %dma_start3A_101 = tpu.memref_slice %arg23[%add3A_62, %dma_start3A_100] : memref<10240x8xf32, #tpu.memory_space<vmem_shared>> -> memref<64x8xf32, #tpu.memory_space<vmem_shared>>
      tpu.enqueue_dma source(%arg21 : memref<64x8xf32, #tpu.memory_space<vmem>>) target(%dma_start3A_101 : memref<64x8xf32, #tpu.memory_space<vmem_shared>>) target_semaphore(%run_scoped3A : memref<!tpu.dma_semaphore, #tpu.memory_space<semaphore_mem>>)
      %dma_wait3A = arith.constant 0 : i32
      %dma_wait3A_102 = tpu.memref_slice %arg23[%add3A_62, %dma_wait3A] : memref<10240x8xf32, #tpu.memory_space<vmem_shared>> -> memref<64x8xf32, #tpu.memory_space<vmem_shared>>
      %dma_wait3A_103 = arith.constant 0 : i32
      %dma_wait3A_104 = tpu.memref_slice %arg23[%add3A_62, %dma_wait3A_103] : memref<10240x8xf32, #tpu.memory_space<vmem_shared>> -> memref<64x8xf32, #tpu.memory_space<vmem_shared>>
      tpu.wait_dma2 semaphore(%run_scoped3A : memref<!tpu.dma_semaphore, #tpu.memory_space<semaphore_mem>>) src(%arg21 : memref<64x8xf32, #tpu.memory_space<vmem>>) dst(%dma_wait3A_104 : memref<64x8xf32, #tpu.memory_space<vmem_shared>>)
      tpu.yield
    }) : () -> ()
    %add3A_63 = arith.constant 448 : i32
    %add3A_64 = arith.addi %mul3A_31, %add3A_63 : i32
    "tpu.region"() ({
      %run_scoped3A = tpu.sem_alloc : memref<!tpu.dma_semaphore, #tpu.memory_space<semaphore_mem>>
      %dma_start3A = arith.constant 0 : i32
      %dma_start3A_99 = tpu.memref_slice %arg22[%add3A_64, %dma_start3A] : memref<10240x64xf32, #tpu.memory_space<vmem_shared>> -> memref<64x64xf32, #tpu.memory_space<vmem_shared>>
      %dma_start3A_100 = arith.constant 0 : i32
      %dma_start3A_101 = tpu.memref_slice %arg22[%add3A_64, %dma_start3A_100] : memref<10240x64xf32, #tpu.memory_space<vmem_shared>> -> memref<64x64xf32, #tpu.memory_space<vmem_shared>>
      tpu.enqueue_dma source(%arg20 : memref<64x64xf32, #tpu.memory_space<vmem>>) target(%dma_start3A_101 : memref<64x64xf32, #tpu.memory_space<vmem_shared>>) target_semaphore(%run_scoped3A : memref<!tpu.dma_semaphore, #tpu.memory_space<semaphore_mem>>)
      %dma_wait3A = arith.constant 0 : i32
      %dma_wait3A_102 = tpu.memref_slice %arg22[%add3A_64, %dma_wait3A] : memref<10240x64xf32, #tpu.memory_space<vmem_shared>> -> memref<64x64xf32, #tpu.memory_space<vmem_shared>>
      %dma_wait3A_103 = arith.constant 0 : i32
      %dma_wait3A_104 = tpu.memref_slice %arg22[%add3A_64, %dma_wait3A_103] : memref<10240x64xf32, #tpu.memory_space<vmem_shared>> -> memref<64x64xf32, #tpu.memory_space<vmem_shared>>
      tpu.wait_dma2 semaphore(%run_scoped3A : memref<!tpu.dma_semaphore, #tpu.memory_space<semaphore_mem>>) src(%arg20 : memref<64x64xf32, #tpu.memory_space<vmem>>) dst(%dma_wait3A_104 : memref<64x64xf32, #tpu.memory_space<vmem_shared>>)
      tpu.yield
    }) : () -> ()
    "tpu.region"() ({
      %run_scoped3A = tpu.sem_alloc : memref<!tpu.dma_semaphore, #tpu.memory_space<semaphore_mem>>
      %dma_start3A = arith.constant 0 : i32
      %dma_start3A_99 = tpu.memref_slice %arg23[%add3A_64, %dma_start3A] : memref<10240x8xf32, #tpu.memory_space<vmem_shared>> -> memref<64x8xf32, #tpu.memory_space<vmem_shared>>
      %dma_start3A_100 = arith.constant 0 : i32
      %dma_start3A_101 = tpu.memref_slice %arg23[%add3A_64, %dma_start3A_100] : memref<10240x8xf32, #tpu.memory_space<vmem_shared>> -> memref<64x8xf32, #tpu.memory_space<vmem_shared>>
      tpu.enqueue_dma source(%arg21 : memref<64x8xf32, #tpu.memory_space<vmem>>) target(%dma_start3A_101 : memref<64x8xf32, #tpu.memory_space<vmem_shared>>) target_semaphore(%run_scoped3A : memref<!tpu.dma_semaphore, #tpu.memory_space<semaphore_mem>>)
      %dma_wait3A = arith.constant 0 : i32
      %dma_wait3A_102 = tpu.memref_slice %arg23[%add3A_64, %dma_wait3A] : memref<10240x8xf32, #tpu.memory_space<vmem_shared>> -> memref<64x8xf32, #tpu.memory_space<vmem_shared>>
      %dma_wait3A_103 = arith.constant 0 : i32
      %dma_wait3A_104 = tpu.memref_slice %arg23[%add3A_64, %dma_wait3A_103] : memref<10240x8xf32, #tpu.memory_space<vmem_shared>> -> memref<64x8xf32, #tpu.memory_space<vmem_shared>>
      tpu.wait_dma2 semaphore(%run_scoped3A : memref<!tpu.dma_semaphore, #tpu.memory_space<semaphore_mem>>) src(%arg21 : memref<64x8xf32, #tpu.memory_space<vmem>>) dst(%dma_wait3A_104 : memref<64x8xf32, #tpu.memory_space<vmem_shared>>)
      tpu.yield
    }) : () -> ()
    %add3A_65 = arith.constant 512 : i32
    %add3A_66 = arith.addi %mul3A_31, %add3A_65 : i32
    "tpu.region"() ({
      %run_scoped3A = tpu.sem_alloc : memref<!tpu.dma_semaphore, #tpu.memory_space<semaphore_mem>>
      %dma_start3A = arith.constant 0 : i32
      %dma_start3A_99 = tpu.memref_slice %arg22[%add3A_66, %dma_start3A] : memref<10240x64xf32, #tpu.memory_space<vmem_shared>> -> memref<64x64xf32, #tpu.memory_space<vmem_shared>>
      %dma_start3A_100 = arith.constant 0 : i32
      %dma_start3A_101 = tpu.memref_slice %arg22[%add3A_66, %dma_start3A_100] : memref<10240x64xf32, #tpu.memory_space<vmem_shared>> -> memref<64x64xf32, #tpu.memory_space<vmem_shared>>
      tpu.enqueue_dma source(%arg20 : memref<64x64xf32, #tpu.memory_space<vmem>>) target(%dma_start3A_101 : memref<64x64xf32, #tpu.memory_space<vmem_shared>>) target_semaphore(%run_scoped3A : memref<!tpu.dma_semaphore, #tpu.memory_space<semaphore_mem>>)
      %dma_wait3A = arith.constant 0 : i32
      %dma_wait3A_102 = tpu.memref_slice %arg22[%add3A_66, %dma_wait3A] : memref<10240x64xf32, #tpu.memory_space<vmem_shared>> -> memref<64x64xf32, #tpu.memory_space<vmem_shared>>
      %dma_wait3A_103 = arith.constant 0 : i32
      %dma_wait3A_104 = tpu.memref_slice %arg22[%add3A_66, %dma_wait3A_103] : memref<10240x64xf32, #tpu.memory_space<vmem_shared>> -> memref<64x64xf32, #tpu.memory_space<vmem_shared>>
      tpu.wait_dma2 semaphore(%run_scoped3A : memref<!tpu.dma_semaphore, #tpu.memory_space<semaphore_mem>>) src(%arg20 : memref<64x64xf32, #tpu.memory_space<vmem>>) dst(%dma_wait3A_104 : memref<64x64xf32, #tpu.memory_space<vmem_shared>>)
      tpu.yield
    }) : () -> ()
    "tpu.region"() ({
      %run_scoped3A = tpu.sem_alloc : memref<!tpu.dma_semaphore, #tpu.memory_space<semaphore_mem>>
      %dma_start3A = arith.constant 0 : i32
      %dma_start3A_99 = tpu.memref_slice %arg23[%add3A_66, %dma_start3A] : memref<10240x8xf32, #tpu.memory_space<vmem_shared>> -> memref<64x8xf32, #tpu.memory_space<vmem_shared>>
      %dma_start3A_100 = arith.constant 0 : i32
      %dma_start3A_101 = tpu.memref_slice %arg23[%add3A_66, %dma_start3A_100] : memref<10240x8xf32, #tpu.memory_space<vmem_shared>> -> memref<64x8xf32, #tpu.memory_space<vmem_shared>>
      tpu.enqueue_dma source(%arg21 : memref<64x8xf32, #tpu.memory_space<vmem>>) target(%dma_start3A_101 : memref<64x8xf32, #tpu.memory_space<vmem_shared>>) target_semaphore(%run_scoped3A : memref<!tpu.dma_semaphore, #tpu.memory_space<semaphore_mem>>)
      %dma_wait3A = arith.constant 0 : i32
      %dma_wait3A_102 = tpu.memref_slice %arg23[%add3A_66, %dma_wait3A] : memref<10240x8xf32, #tpu.memory_space<vmem_shared>> -> memref<64x8xf32, #tpu.memory_space<vmem_shared>>
      %dma_wait3A_103 = arith.constant 0 : i32
      %dma_wait3A_104 = tpu.memref_slice %arg23[%add3A_66, %dma_wait3A_103] : memref<10240x8xf32, #tpu.memory_space<vmem_shared>> -> memref<64x8xf32, #tpu.memory_space<vmem_shared>>
      tpu.wait_dma2 semaphore(%run_scoped3A : memref<!tpu.dma_semaphore, #tpu.memory_space<semaphore_mem>>) src(%arg21 : memref<64x8xf32, #tpu.memory_space<vmem>>) dst(%dma_wait3A_104 : memref<64x8xf32, #tpu.memory_space<vmem_shared>>)
      tpu.yield
    }) : () -> ()
    %add3A_67 = arith.constant 576 : i32
    %add3A_68 = arith.addi %mul3A_31, %add3A_67 : i32
    "tpu.region"() ({
      %run_scoped3A = tpu.sem_alloc : memref<!tpu.dma_semaphore, #tpu.memory_space<semaphore_mem>>
      %dma_start3A = arith.constant 0 : i32
      %dma_start3A_99 = tpu.memref_slice %arg22[%add3A_68, %dma_start3A] : memref<10240x64xf32, #tpu.memory_space<vmem_shared>> -> memref<64x64xf32, #tpu.memory_space<vmem_shared>>
      %dma_start3A_100 = arith.constant 0 : i32
      %dma_start3A_101 = tpu.memref_slice %arg22[%add3A_68, %dma_start3A_100] : memref<10240x64xf32, #tpu.memory_space<vmem_shared>> -> memref<64x64xf32, #tpu.memory_space<vmem_shared>>
      tpu.enqueue_dma source(%arg20 : memref<64x64xf32, #tpu.memory_space<vmem>>) target(%dma_start3A_101 : memref<64x64xf32, #tpu.memory_space<vmem_shared>>) target_semaphore(%run_scoped3A : memref<!tpu.dma_semaphore, #tpu.memory_space<semaphore_mem>>)
      %dma_wait3A = arith.constant 0 : i32
      %dma_wait3A_102 = tpu.memref_slice %arg22[%add3A_68, %dma_wait3A] : memref<10240x64xf32, #tpu.memory_space<vmem_shared>> -> memref<64x64xf32, #tpu.memory_space<vmem_shared>>
      %dma_wait3A_103 = arith.constant 0 : i32
      %dma_wait3A_104 = tpu.memref_slice %arg22[%add3A_68, %dma_wait3A_103] : memref<10240x64xf32, #tpu.memory_space<vmem_shared>> -> memref<64x64xf32, #tpu.memory_space<vmem_shared>>
      tpu.wait_dma2 semaphore(%run_scoped3A : memref<!tpu.dma_semaphore, #tpu.memory_space<semaphore_mem>>) src(%arg20 : memref<64x64xf32, #tpu.memory_space<vmem>>) dst(%dma_wait3A_104 : memref<64x64xf32, #tpu.memory_space<vmem_shared>>)
      tpu.yield
    }) : () -> ()
    "tpu.region"() ({
      %run_scoped3A = tpu.sem_alloc : memref<!tpu.dma_semaphore, #tpu.memory_space<semaphore_mem>>
      %dma_start3A = arith.constant 0 : i32
      %dma_start3A_99 = tpu.memref_slice %arg23[%add3A_68, %dma_start3A] : memref<10240x8xf32, #tpu.memory_space<vmem_shared>> -> memref<64x8xf32, #tpu.memory_space<vmem_shared>>
      %dma_start3A_100 = arith.constant 0 : i32
      %dma_start3A_101 = tpu.memref_slice %arg23[%add3A_68, %dma_start3A_100] : memref<10240x8xf32, #tpu.memory_space<vmem_shared>> -> memref<64x8xf32, #tpu.memory_space<vmem_shared>>
      tpu.enqueue_dma source(%arg21 : memref<64x8xf32, #tpu.memory_space<vmem>>) target(%dma_start3A_101 : memref<64x8xf32, #tpu.memory_space<vmem_shared>>) target_semaphore(%run_scoped3A : memref<!tpu.dma_semaphore, #tpu.memory_space<semaphore_mem>>)
      %dma_wait3A = arith.constant 0 : i32
      %dma_wait3A_102 = tpu.memref_slice %arg23[%add3A_68, %dma_wait3A] : memref<10240x8xf32, #tpu.memory_space<vmem_shared>> -> memref<64x8xf32, #tpu.memory_space<vmem_shared>>
      %dma_wait3A_103 = arith.constant 0 : i32
      %dma_wait3A_104 = tpu.memref_slice %arg23[%add3A_68, %dma_wait3A_103] : memref<10240x8xf32, #tpu.memory_space<vmem_shared>> -> memref<64x8xf32, #tpu.memory_space<vmem_shared>>
      tpu.wait_dma2 semaphore(%run_scoped3A : memref<!tpu.dma_semaphore, #tpu.memory_space<semaphore_mem>>) src(%arg21 : memref<64x8xf32, #tpu.memory_space<vmem>>) dst(%dma_wait3A_104 : memref<64x8xf32, #tpu.memory_space<vmem_shared>>)
      tpu.yield
    }) : () -> ()
    %barrier3A = arith.constant 0 : index
    tpu.barrier barrier_id(%barrier3A)
    %mul3A_69 = arith.constant 10000 : i32
    %mul3A_70 = arith.muli %add3A, %mul3A_69 : i32
    %scan3A_71 = arith.constant 0 : i32
    %scan3A_72 = arith.constant 0 : i32
    %scan3A_73 = arith.constant 125 : i32
    %scan3A_74 = arith.addi %scan3A_72, %scan3A_73 : i32
    %scan3A_75 = arith.constant 1 : i32
    %scan3A_76 = scf.for %scan3A_99 = %scan3A_72 to %scan3A_74 step %scan3A_75 iter_args(%scan3A_100 = %scan3A_71) -> (i32)  : i32 {
      %mul3A_101 = arith.constant 80 : i32
      %mul3A_102 = arith.muli %scan3A_99, %mul3A_101 : i32
      %add3A_103 = arith.addi %mul3A_70, %mul3A_102 : i32
      %multiple_of3A = tpu.assume_multiple %add3A_103, 8 : i32
      %dma_start3A = tpu.memref_slice %arg2[%multiple_of3A] : memref<320000xi32, #tpu.memory_space<hbm>> -> memref<80xi32, #tpu.memory_space<hbm>>
      %dma_start3A_104 = tpu.memref_slice %arg2[%multiple_of3A] : memref<320000xi32, #tpu.memory_space<hbm>> -> memref<80xi32, #tpu.memory_space<hbm>>
      tpu.enqueue_dma source(%dma_start3A_104 : memref<80xi32, #tpu.memory_space<hbm>>) target(%arg11 : memref<80xi32, #tpu.memory_space<vmem>>) target_semaphore(%arg26 : memref<!tpu.dma_semaphore, #tpu.memory_space<semaphore_mem>>)
      %dma_start3A_105 = tpu.memref_slice %arg3[%multiple_of3A] : memref<320000xi32, #tpu.memory_space<hbm>> -> memref<80xi32, #tpu.memory_space<hbm>>
      %dma_start3A_106 = tpu.memref_slice %arg3[%multiple_of3A] : memref<320000xi32, #tpu.memory_space<hbm>> -> memref<80xi32, #tpu.memory_space<hbm>>
      tpu.enqueue_dma source(%dma_start3A_106 : memref<80xi32, #tpu.memory_space<hbm>>) target(%arg12 : memref<80xi32, #tpu.memory_space<vmem>>) target_semaphore(%arg26 : memref<!tpu.dma_semaphore, #tpu.memory_space<semaphore_mem>>)
      %dma_start3A_107 = tpu.memref_slice %arg4[%multiple_of3A] : memref<320000xf32, #tpu.memory_space<hbm>> -> memref<80xf32, #tpu.memory_space<hbm>>
      %dma_start3A_108 = tpu.memref_slice %arg4[%multiple_of3A] : memref<320000xf32, #tpu.memory_space<hbm>> -> memref<80xf32, #tpu.memory_space<hbm>>
      tpu.enqueue_dma source(%dma_start3A_108 : memref<80xf32, #tpu.memory_space<hbm>>) target(%arg13 : memref<80xf32, #tpu.memory_space<vmem>>) target_semaphore(%arg26 : memref<!tpu.dma_semaphore, #tpu.memory_space<semaphore_mem>>)
      %dma_start3A_109 = tpu.memref_slice %arg5[%multiple_of3A] : memref<320000xf32, #tpu.memory_space<hbm>> -> memref<80xf32, #tpu.memory_space<hbm>>
      %dma_start3A_110 = tpu.memref_slice %arg5[%multiple_of3A] : memref<320000xf32, #tpu.memory_space<hbm>> -> memref<80xf32, #tpu.memory_space<hbm>>
      tpu.enqueue_dma source(%dma_start3A_110 : memref<80xf32, #tpu.memory_space<hbm>>) target(%arg14 : memref<80xf32, #tpu.memory_space<vmem>>) target_semaphore(%arg26 : memref<!tpu.dma_semaphore, #tpu.memory_space<semaphore_mem>>)
      %dma_wait3A = tpu.memref_slice %arg2[%multiple_of3A] : memref<320000xi32, #tpu.memory_space<hbm>> -> memref<80xi32, #tpu.memory_space<hbm>>
      %dma_wait3A_111 = tpu.memref_slice %arg2[%multiple_of3A] : memref<320000xi32, #tpu.memory_space<hbm>> -> memref<80xi32, #tpu.memory_space<hbm>>
      tpu.wait_dma2 semaphore(%arg26 : memref<!tpu.dma_semaphore, #tpu.memory_space<semaphore_mem>>) src(%dma_wait3A_111 : memref<80xi32, #tpu.memory_space<hbm>>) dst(%arg11 : memref<80xi32, #tpu.memory_space<vmem>>)
      %dma_wait3A_112 = tpu.memref_slice %arg3[%multiple_of3A] : memref<320000xi32, #tpu.memory_space<hbm>> -> memref<80xi32, #tpu.memory_space<hbm>>
      %dma_wait3A_113 = tpu.memref_slice %arg3[%multiple_of3A] : memref<320000xi32, #tpu.memory_space<hbm>> -> memref<80xi32, #tpu.memory_space<hbm>>
      tpu.wait_dma2 semaphore(%arg26 : memref<!tpu.dma_semaphore, #tpu.memory_space<semaphore_mem>>) src(%dma_wait3A_113 : memref<80xi32, #tpu.memory_space<hbm>>) dst(%arg12 : memref<80xi32, #tpu.memory_space<vmem>>)
      %dma_start3A_114 = arith.constant 0 : i32
      %dma_start3A_115 = arith.constant 0 : i32
      %dma_start3A_116 = tpu.memref_slice %arg7[%dma_start3A_114, %dma_start3A_115] : memref<10240x72xf32, #tpu.memory_space<hbm>> -> memref<10240x72xf32, #tpu.memory_space<hbm>>
      tpu.enqueue_indirect_dma source(%dma_start3A_116 : memref<10240x72xf32, #tpu.memory_space<hbm>>) target(%arg18 : memref<80x72xf32, #tpu.memory_space<vmem>>) offsets(%arg11 : memref<80xi32, #tpu.memory_space<vmem>>) semaphore(%arg24 : memref<!tpu.dma_semaphore, #tpu.memory_space<semaphore_mem>>)
      %dma_start3A_117 = arith.constant 0 : i32
      %dma_start3A_118 = arith.constant 0 : i32
      %dma_start3A_119 = tpu.memref_slice %arg8[%dma_start3A_117, %dma_start3A_118] : memref<10240x8xf32, #tpu.memory_space<hbm>> -> memref<10240x8xf32, #tpu.memory_space<hbm>>
      tpu.enqueue_indirect_dma source(%dma_start3A_119 : memref<10240x8xf32, #tpu.memory_space<hbm>>) target(%arg16 : memref<80x8xf32, #tpu.memory_space<vmem>>) offsets(%arg12 : memref<80xi32, #tpu.memory_space<vmem>>) semaphore(%arg25 : memref<!tpu.dma_semaphore, #tpu.memory_space<semaphore_mem>>)
      %dma_wait3A_120 = tpu.memref_slice %arg4[%multiple_of3A] : memref<320000xf32, #tpu.memory_space<hbm>> -> memref<80xf32, #tpu.memory_space<hbm>>
      %dma_wait3A_121 = tpu.memref_slice %arg4[%multiple_of3A] : memref<320000xf32, #tpu.memory_space<hbm>> -> memref<80xf32, #tpu.memory_space<hbm>>
      tpu.wait_dma2 semaphore(%arg26 : memref<!tpu.dma_semaphore, #tpu.memory_space<semaphore_mem>>) src(%dma_wait3A_121 : memref<80xf32, #tpu.memory_space<hbm>>) dst(%arg13 : memref<80xf32, #tpu.memory_space<vmem>>)
      %dma_wait3A_122 = tpu.memref_slice %arg5[%multiple_of3A] : memref<320000xf32, #tpu.memory_space<hbm>> -> memref<80xf32, #tpu.memory_space<hbm>>
      %dma_wait3A_123 = tpu.memref_slice %arg5[%multiple_of3A] : memref<320000xf32, #tpu.memory_space<hbm>> -> memref<80xf32, #tpu.memory_space<hbm>>
      tpu.wait_dma2 semaphore(%arg26 : memref<!tpu.dma_semaphore, #tpu.memory_space<semaphore_mem>>) src(%dma_wait3A_123 : memref<80xf32, #tpu.memory_space<hbm>>) dst(%arg14 : memref<80xf32, #tpu.memory_space<vmem>>)
      %dma_wait3A_124 = arith.constant 0 : i32
      %dma_wait3A_125 = arith.constant 0 : i32
      %dma_wait3A_126 = tpu.memref_slice %arg7[%dma_wait3A_124, %dma_wait3A_125] : memref<10240x72xf32, #tpu.memory_space<hbm>> -> memref<10240x72xf32, #tpu.memory_space<hbm>>
      tpu.wait_indirect_dma semaphore(%arg24 : memref<!tpu.dma_semaphore, #tpu.memory_space<semaphore_mem>>) src(%dma_wait3A_126 : memref<10240x72xf32, #tpu.memory_space<hbm>>) dst(%arg18 : memref<80x72xf32, #tpu.memory_space<vmem>>)
      %dma_wait3A_127 = arith.constant 0 : i32
      %dma_wait3A_128 = arith.constant 0 : i32
      %dma_wait3A_129 = tpu.memref_slice %arg8[%dma_wait3A_127, %dma_wait3A_128] : memref<10240x8xf32, #tpu.memory_space<hbm>> -> memref<10240x8xf32, #tpu.memory_space<hbm>>
      tpu.wait_indirect_dma semaphore(%arg25 : memref<!tpu.dma_semaphore, #tpu.memory_space<semaphore_mem>>) src(%dma_wait3A_129 : memref<10240x8xf32, #tpu.memory_space<hbm>>) dst(%arg16 : memref<80x8xf32, #tpu.memory_space<vmem>>)
      %parallel_loop3A = arith.constant 0 : i32
      %parallel_loop3A_130 = arith.constant 40 : i32
      %parallel_loop3A_131 = arith.constant 1 : i32
      scf.for %parallel_loop3A_136 = %parallel_loop3A to %parallel_loop3A_130 step %parallel_loop3A_131  : i32 {
        %parallel_loop3A_137 = arith.constant 2 : i32
        %parallel_loop3A_138 = arith.muli %parallel_loop3A_137, %parallel_loop3A_136 : i32
        %parallel_loop3A_139 = vector.broadcast %parallel_loop3A_138 : i32 to vector<16xi32>
        %parallel_loop3A_140 = arith.addi %parallel_loop3A_139, %select_n3A : vector<16xi32>
        %parallel_loop3A_141 = arith.constant 64 : i32
        %parallel_loop3A_142 = vector.broadcast %parallel_loop3A_141 : i32 to vector<16xi32>
        %parallel_loop3A_143 = arith.addi %parallel_loop3A_142, %rem3A_26 : vector<16xi32>
        %parallel_loop3A_144 = tpu.vector_load_idx %arg13[%parallel_loop3A_140] : memref<80xf32, #tpu.memory_space<vmem>>[vector<16xi32>], vector<16xf32>,
        %parallel_loop3A_145 = tpu.vector_load_idx %arg14[%parallel_loop3A_140] : memref<80xf32, #tpu.memory_space<vmem>>[vector<16xi32>], vector<16xf32>,
        %parallel_loop3A_146 = tpu.vector_load_idx %arg18[%parallel_loop3A_140, %parallel_loop3A_143] : memref<80x72xf32, #tpu.memory_space<vmem>>[vector<16xi32>, vector<16xi32>], vector<16xf32>,
        %parallel_loop3A_147 = tpu.vector_load_idx %arg16[%parallel_loop3A_140, %rem3A_26] : memref<80x8xf32, #tpu.memory_space<vmem>>[vector<16xi32>, vector<16xi32>], vector<16xf32>,
        %parallel_loop3A_148 = arith.addf %parallel_loop3A_146, %parallel_loop3A_147 : vector<16xf32>
        %parallel_loop3A_149 = arith.mulf %parallel_loop3A_144, %gather3A : vector<16xf32>
        %parallel_loop3A_150 = arith.addf %parallel_loop3A_148, %parallel_loop3A_149 : vector<16xf32>
        %parallel_loop3A_151 = arith.mulf %parallel_loop3A_145, %gather3A_35 : vector<16xf32>
        %parallel_loop3A_152 = arith.addf %parallel_loop3A_150, %parallel_loop3A_151 : vector<16xf32>
        %parallel_loop3A_153 = arith.constant 0.000000e+00 : f32
        %parallel_loop3A_154 = vector.broadcast %parallel_loop3A_153 : f32 to vector<16xf32>
        %parallel_loop3A_155 = arith.cmpf oge, %parallel_loop3A_152, %parallel_loop3A_154 : vector<16xf32>
        %parallel_loop3A_156 = arith.constant 2.000000e-01 : f32
        %parallel_loop3A_157 = vector.broadcast %parallel_loop3A_156 : f32 to vector<16xf32>
        %parallel_loop3A_158 = arith.mulf %parallel_loop3A_157, %parallel_loop3A_152 : vector<16xf32>
        %parallel_loop3A_159 = arith.select %parallel_loop3A_155, %parallel_loop3A_152, %parallel_loop3A_158 : vector<16xi1>, vector<16xf32>
        %parallel_loop3A_160 = math.exp %parallel_loop3A_159 : vector<16xf32>
        tpu.vector_store_idx %arg17[%parallel_loop3A_140, %rem3A_26], %parallel_loop3A_160 : memref<80x8xf32, #tpu.memory_space<vmem>>[vector<16xi32>, vector<16xi32>], vector<16xf32>,
      } {sc.loop_unroll_factor = 2 : i64, sc.parallel_access}
      %parallel_loop3A_132 = arith.constant 0 : i32
      %parallel_loop3A_133 = arith.constant 80 : i32
      %parallel_loop3A_134 = arith.constant 1 : i32
      scf.for %parallel_loop3A_136 = %parallel_loop3A_132 to %parallel_loop3A_133 step %parallel_loop3A_134  : i32 {
        %parallel_loop3A_137 = vector.broadcast %parallel_loop3A_136 : i32 to vector<16xi32>
        %parallel_loop3A_138 = arith.constant 0 : i32
        %parallel_loop3A_139 = vector.broadcast %parallel_loop3A_138 : i32 to vector<16xi32>
        %parallel_loop3A_140 = arith.addi %parallel_loop3A_139, %select_n3A : vector<16xi32>
        %parallel_loop3A_141 = tpu.vector_load_idx %arg17[%parallel_loop3A_137, %parallel_loop3A_140] : memref<80x8xf32, #tpu.memory_space<vmem>>[vector<16xi32>, vector<16xi32>], vector<16xf32>,
        %parallel_loop3A_142 = arith.index_cast %parallel_loop3A_136 : i32 to index
        %parallel_loop3A_143 = arith.constant 0 : index
        %parallel_loop3A_144 = tpu.vector_load %arg18[%parallel_loop3A_142, %parallel_loop3A_143] {strides = array<i32>} : memref<80x72xf32, #tpu.memory_space<vmem>>, vector<16xf32>,
        %parallel_loop3A_145 = arith.mulf %parallel_loop3A_144, %parallel_loop3A_141 : vector<16xf32>
        %parallel_loop3A_146 = arith.index_cast %parallel_loop3A_136 : i32 to index
        %parallel_loop3A_147 = arith.constant 0 : index
        %parallel_loop3A_148 = tpu.vector_load %arg19[%parallel_loop3A_146, %parallel_loop3A_147] {strides = array<i32>} : memref<80x64xf32, #tpu.memory_space<vmem>>, vector<16xf32>,
        tpu.vector_store %arg19[%parallel_loop3A_146, %parallel_loop3A_147], %parallel_loop3A_145 {strides = array<i32>} : memref<80x64xf32, #tpu.memory_space<vmem>>, vector<16xf32>,
        %parallel_loop3A_149 = arith.constant 2 : i32
        %parallel_loop3A_150 = vector.broadcast %parallel_loop3A_149 : i32 to vector<16xi32>
        %parallel_loop3A_151 = arith.addi %parallel_loop3A_150, %select_n3A : vector<16xi32>
        %parallel_loop3A_152 = tpu.vector_load_idx %arg17[%parallel_loop3A_137, %parallel_loop3A_151] : memref<80x8xf32, #tpu.memory_space<vmem>>[vector<16xi32>, vector<16xi32>], vector<16xf32>,
        %parallel_loop3A_153 = arith.index_cast %parallel_loop3A_136 : i32 to index
        %parallel_loop3A_154 = arith.constant 16 : index
        %parallel_loop3A_155 = tpu.vector_load %arg18[%parallel_loop3A_153, %parallel_loop3A_154] {strides = array<i32>} : memref<80x72xf32, #tpu.memory_space<vmem>>, vector<16xf32>,
        %parallel_loop3A_156 = arith.mulf %parallel_loop3A_155, %parallel_loop3A_152 : vector<16xf32>
        %parallel_loop3A_157 = arith.index_cast %parallel_loop3A_136 : i32 to index
        %parallel_loop3A_158 = arith.constant 16 : index
        %parallel_loop3A_159 = tpu.vector_load %arg19[%parallel_loop3A_157, %parallel_loop3A_158] {strides = array<i32>} : memref<80x64xf32, #tpu.memory_space<vmem>>, vector<16xf32>,
        tpu.vector_store %arg19[%parallel_loop3A_157, %parallel_loop3A_158], %parallel_loop3A_156 {strides = array<i32>} : memref<80x64xf32, #tpu.memory_space<vmem>>, vector<16xf32>,
        %parallel_loop3A_160 = arith.constant 4 : i32
        %parallel_loop3A_161 = vector.broadcast %parallel_loop3A_160 : i32 to vector<16xi32>
        %parallel_loop3A_162 = arith.addi %parallel_loop3A_161, %select_n3A : vector<16xi32>
        %parallel_loop3A_163 = tpu.vector_load_idx %arg17[%parallel_loop3A_137, %parallel_loop3A_162] : memref<80x8xf32, #tpu.memory_space<vmem>>[vector<16xi32>, vector<16xi32>], vector<16xf32>,
        %parallel_loop3A_164 = arith.index_cast %parallel_loop3A_136 : i32 to index
        %parallel_loop3A_165 = arith.constant 32 : index
        %parallel_loop3A_166 = tpu.vector_load %arg18[%parallel_loop3A_164, %parallel_loop3A_165] {strides = array<i32>} : memref<80x72xf32, #tpu.memory_space<vmem>>, vector<16xf32>,
        %parallel_loop3A_167 = arith.mulf %parallel_loop3A_166, %parallel_loop3A_163 : vector<16xf32>
        %parallel_loop3A_168 = arith.index_cast %parallel_loop3A_136 : i32 to index
        %parallel_loop3A_169 = arith.constant 32 : index
        %parallel_loop3A_170 = tpu.vector_load %arg19[%parallel_loop3A_168, %parallel_loop3A_169] {strides = array<i32>} : memref<80x64xf32, #tpu.memory_space<vmem>>, vector<16xf32>,
        tpu.vector_store %arg19[%parallel_loop3A_168, %parallel_loop3A_169], %parallel_loop3A_167 {strides = array<i32>} : memref<80x64xf32, #tpu.memory_space<vmem>>, vector<16xf32>,
        %parallel_loop3A_171 = arith.constant 6 : i32
        %parallel_loop3A_172 = vector.broadcast %parallel_loop3A_171 : i32 to vector<16xi32>
        %parallel_loop3A_173 = arith.addi %parallel_loop3A_172, %select_n3A : vector<16xi32>
        %parallel_loop3A_174 = tpu.vector_load_idx %arg17[%parallel_loop3A_137, %parallel_loop3A_173] : memref<80x8xf32, #tpu.memory_space<vmem>>[vector<16xi32>, vector<16xi32>], vector<16xf32>,
        %parallel_loop3A_175 = arith.index_cast %parallel_loop3A_136 : i32 to index
        %parallel_loop3A_176 = arith.constant 48 : index
        %parallel_loop3A_177 = tpu.vector_load %arg18[%parallel_loop3A_175, %parallel_loop3A_176] {strides = array<i32>} : memref<80x72xf32, #tpu.memory_space<vmem>>, vector<16xf32>,
        %parallel_loop3A_178 = arith.mulf %parallel_loop3A_177, %parallel_loop3A_174 : vector<16xf32>
        %parallel_loop3A_179 = arith.index_cast %parallel_loop3A_136 : i32 to index
        %parallel_loop3A_180 = arith.constant 48 : index
        %parallel_loop3A_181 = tpu.vector_load %arg19[%parallel_loop3A_179, %parallel_loop3A_180] {strides = array<i32>} : memref<80x64xf32, #tpu.memory_space<vmem>>, vector<16xf32>,
        tpu.vector_store %arg19[%parallel_loop3A_179, %parallel_loop3A_180], %parallel_loop3A_178 {strides = array<i32>} : memref<80x64xf32, #tpu.memory_space<vmem>>, vector<16xf32>,
      } {sc.loop_unroll_factor = 2 : i64, sc.parallel_access}
      "tpu.region"() ({
        %run_scoped3A = tpu.sem_alloc : memref<!tpu.dma_semaphore, #tpu.memory_space<semaphore_mem>>
        %dma_start3A_136 = arith.constant 0 : i32
        %dma_start3A_137 = arith.constant 0 : i32
        %dma_start3A_138 = tpu.memref_slice %arg23[%dma_start3A_136, %dma_start3A_137] : memref<10240x8xf32, #tpu.memory_space<vmem_shared>> -> memref<10240x8xf32, #tpu.memory_space<vmem_shared>>
        tpu.enqueue_indirect_dma source(%arg17 : memref<80x8xf32, #tpu.memory_space<vmem>>) target(%dma_start3A_138 : memref<10240x8xf32, #tpu.memory_space<vmem_shared>>) offsets(%arg12 : memref<80xi32, #tpu.memory_space<vmem>>) semaphore(%run_scoped3A : memref<!tpu.dma_semaphore, #tpu.memory_space<semaphore_mem>>) {add = true}
        %dma_wait3A_139 = arith.constant 0 : i32
        %dma_wait3A_140 = arith.constant 0 : i32
        %dma_wait3A_141 = tpu.memref_slice %arg23[%dma_wait3A_139, %dma_wait3A_140] : memref<10240x8xf32, #tpu.memory_space<vmem_shared>> -> memref<10240x8xf32, #tpu.memory_space<vmem_shared>>
        tpu.wait_indirect_dma semaphore(%run_scoped3A : memref<!tpu.dma_semaphore, #tpu.memory_space<semaphore_mem>>) src(%arg17 : memref<80x8xf32, #tpu.memory_space<vmem>>) dst(%dma_wait3A_141 : memref<10240x8xf32, #tpu.memory_space<vmem_shared>>)
        tpu.yield
      }) : () -> ()
      "tpu.region"() ({
        %run_scoped3A = tpu.sem_alloc : memref<!tpu.dma_semaphore, #tpu.memory_space<semaphore_mem>>
        %dma_start3A_136 = arith.constant 0 : i32
        %dma_start3A_137 = arith.constant 0 : i32
        %dma_start3A_138 = tpu.memref_slice %arg22[%dma_start3A_136, %dma_start3A_137] : memref<10240x64xf32, #tpu.memory_space<vmem_shared>> -> memref<10240x64xf32, #tpu.memory_space<vmem_shared>>
        tpu.enqueue_indirect_dma source(%arg19 : memref<80x64xf32, #tpu.memory_space<vmem>>) target(%dma_start3A_138 : memref<10240x64xf32, #tpu.memory_space<vmem_shared>>) offsets(%arg12 : memref<80xi32, #tpu.memory_space<vmem>>) semaphore(%run_scoped3A : memref<!tpu.dma_semaphore, #tpu.memory_space<semaphore_mem>>) {add = true}
        %dma_wait3A_139 = arith.constant 0 : i32
        %dma_wait3A_140 = arith.constant 0 : i32
        %dma_wait3A_141 = tpu.memref_slice %arg22[%dma_wait3A_139, %dma_wait3A_140] : memref<10240x64xf32, #tpu.memory_space<vmem_shared>> -> memref<10240x64xf32, #tpu.memory_space<vmem_shared>>
        tpu.wait_indirect_dma semaphore(%run_scoped3A : memref<!tpu.dma_semaphore, #tpu.memory_space<semaphore_mem>>) src(%arg19 : memref<80x64xf32, #tpu.memory_space<vmem>>) dst(%dma_wait3A_141 : memref<10240x64xf32, #tpu.memory_space<vmem_shared>>)
        tpu.yield
      }) : () -> ()
      %scan3A_135 = arith.constant 0 : i32
      scf.yield %scan3A_135 : i32
    }
    %scan3A_77 = arith.constant 125 : i32
    %barrier3A_78 = arith.constant 0 : index
    tpu.barrier barrier_id(%barrier3A_78)
    %add3A_79 = arith.constant 0 : i32
    %add3A_80 = arith.addi %mul3A_31, %add3A_79 : i32
    "tpu.region"() ({
      %run_scoped3A = tpu.sem_alloc : memref<!tpu.dma_semaphore, #tpu.memory_space<semaphore_mem>>
      %dma_start3A = arith.constant 0 : i32
      %dma_start3A_99 = tpu.memref_slice %arg22[%add3A_80, %dma_start3A] : memref<10240x64xf32, #tpu.memory_space<vmem_shared>> -> memref<64x64xf32, #tpu.memory_space<vmem_shared>>
      %dma_start3A_100 = arith.constant 0 : i32
      %dma_start3A_101 = tpu.memref_slice %arg22[%add3A_80, %dma_start3A_100] : memref<10240x64xf32, #tpu.memory_space<vmem_shared>> -> memref<64x64xf32, #tpu.memory_space<vmem_shared>>
      tpu.enqueue_dma source(%dma_start3A_101 : memref<64x64xf32, #tpu.memory_space<vmem_shared>>) target(%arg20 : memref<64x64xf32, #tpu.memory_space<vmem>>) target_semaphore(%run_scoped3A : memref<!tpu.dma_semaphore, #tpu.memory_space<semaphore_mem>>)
      %dma_wait3A = arith.constant 0 : i32
      %dma_wait3A_102 = tpu.memref_slice %arg22[%add3A_80, %dma_wait3A] : memref<10240x64xf32, #tpu.memory_space<vmem_shared>> -> memref<64x64xf32, #tpu.memory_space<vmem_shared>>
      %dma_wait3A_103 = arith.constant 0 : i32
      %dma_wait3A_104 = tpu.memref_slice %arg22[%add3A_80, %dma_wait3A_103] : memref<10240x64xf32, #tpu.memory_space<vmem_shared>> -> memref<64x64xf32, #tpu.memory_space<vmem_shared>>
      tpu.wait_dma2 semaphore(%run_scoped3A : memref<!tpu.dma_semaphore, #tpu.memory_space<semaphore_mem>>) src(%dma_wait3A_104 : memref<64x64xf32, #tpu.memory_space<vmem_shared>>) dst(%arg20 : memref<64x64xf32, #tpu.memory_space<vmem>>)
      tpu.yield
    }) : () -> ()
    "tpu.region"() ({
      %run_scoped3A = tpu.sem_alloc : memref<!tpu.dma_semaphore, #tpu.memory_space<semaphore_mem>>
      %dma_start3A = arith.constant 0 : i32
      %dma_start3A_99 = tpu.memref_slice %arg9[%arg0, %add3A_80, %dma_start3A] : memref<2x10240x64xf32, #tpu.memory_space<hbm>> -> memref<1x64x64xf32, #tpu.memory_space<hbm>>
      %dma_start3A_100 = tpu.memref_squeeze %dma_start3A_99 : memref<1x64x64xf32, #tpu.memory_space<hbm>> -> memref<64x64xf32, #tpu.memory_space<hbm>>
      %dma_start3A_101 = arith.constant 0 : i32
      %dma_start3A_102 = tpu.memref_slice %arg9[%arg0, %add3A_80, %dma_start3A_101] : memref<2x10240x64xf32, #tpu.memory_space<hbm>> -> memref<1x64x64xf32, #tpu.memory_space<hbm>>
      %dma_start3A_103 = tpu.memref_squeeze %dma_start3A_102 : memref<1x64x64xf32, #tpu.memory_space<hbm>> -> memref<64x64xf32, #tpu.memory_space<hbm>>
      tpu.enqueue_dma source(%arg20 : memref<64x64xf32, #tpu.memory_space<vmem>>) target(%dma_start3A_103 : memref<64x64xf32, #tpu.memory_space<hbm>>) target_semaphore(%run_scoped3A : memref<!tpu.dma_semaphore, #tpu.memory_space<semaphore_mem>>)
      %dma_wait3A = arith.constant 0 : i32
      %dma_wait3A_104 = tpu.memref_slice %arg9[%arg0, %add3A_80, %dma_wait3A] : memref<2x10240x64xf32, #tpu.memory_space<hbm>> -> memref<1x64x64xf32, #tpu.memory_space<hbm>>
      %dma_wait3A_105 = tpu.memref_squeeze %dma_wait3A_104 : memref<1x64x64xf32, #tpu.memory_space<hbm>> -> memref<64x64xf32, #tpu.memory_space<hbm>>
      %dma_wait3A_106 = arith.constant 0 : i32
      %dma_wait3A_107 = tpu.memref_slice %arg9[%arg0, %add3A_80, %dma_wait3A_106] : memref<2x10240x64xf32, #tpu.memory_space<hbm>> -> memref<1x64x64xf32, #tpu.memory_space<hbm>>
      %dma_wait3A_108 = tpu.memref_squeeze %dma_wait3A_107 : memref<1x64x64xf32, #tpu.memory_space<hbm>> -> memref<64x64xf32, #tpu.memory_space<hbm>>
      tpu.wait_dma2 semaphore(%run_scoped3A : memref<!tpu.dma_semaphore, #tpu.memory_space<semaphore_mem>>) src(%arg20 : memref<64x64xf32, #tpu.memory_space<vmem>>) dst(%dma_wait3A_108 : memref<64x64xf32, #tpu.memory_space<hbm>>)
      tpu.yield
    }) : () -> ()
    "tpu.region"() ({
      %run_scoped3A = tpu.sem_alloc : memref<!tpu.dma_semaphore, #tpu.memory_space<semaphore_mem>>
      %dma_start3A = arith.constant 0 : i32
      %dma_start3A_99 = tpu.memref_slice %arg23[%add3A_80, %dma_start3A] : memref<10240x8xf32, #tpu.memory_space<vmem_shared>> -> memref<64x8xf32, #tpu.memory_space<vmem_shared>>
      %dma_start3A_100 = arith.constant 0 : i32
      %dma_start3A_101 = tpu.memref_slice %arg23[%add3A_80, %dma_start3A_100] : memref<10240x8xf32, #tpu.memory_space<vmem_shared>> -> memref<64x8xf32, #tpu.memory_space<vmem_shared>>
      tpu.enqueue_dma source(%dma_start3A_101 : memref<64x8xf32, #tpu.memory_space<vmem_shared>>) target(%arg21 : memref<64x8xf32, #tpu.memory_space<vmem>>) target_semaphore(%run_scoped3A : memref<!tpu.dma_semaphore, #tpu.memory_space<semaphore_mem>>)
      %dma_wait3A = arith.constant 0 : i32
      %dma_wait3A_102 = tpu.memref_slice %arg23[%add3A_80, %dma_wait3A] : memref<10240x8xf32, #tpu.memory_space<vmem_shared>> -> memref<64x8xf32, #tpu.memory_space<vmem_shared>>
      %dma_wait3A_103 = arith.constant 0 : i32
      %dma_wait3A_104 = tpu.memref_slice %arg23[%add3A_80, %dma_wait3A_103] : memref<10240x8xf32, #tpu.memory_space<vmem_shared>> -> memref<64x8xf32, #tpu.memory_space<vmem_shared>>
      tpu.wait_dma2 semaphore(%run_scoped3A : memref<!tpu.dma_semaphore, #tpu.memory_space<semaphore_mem>>) src(%dma_wait3A_104 : memref<64x8xf32, #tpu.memory_space<vmem_shared>>) dst(%arg21 : memref<64x8xf32, #tpu.memory_space<vmem>>)
      tpu.yield
    }) : () -> ()
    "tpu.region"() ({
      %run_scoped3A = tpu.sem_alloc : memref<!tpu.dma_semaphore, #tpu.memory_space<semaphore_mem>>
      %dma_start3A = arith.constant 0 : i32
      %dma_start3A_99 = tpu.memref_slice %arg10[%arg0, %add3A_80, %dma_start3A] : memref<2x10240x8xf32, #tpu.memory_space<hbm>> -> memref<1x64x8xf32, #tpu.memory_space<hbm>>
      %dma_start3A_100 = tpu.memref_squeeze %dma_start3A_99 : memref<1x64x8xf32, #tpu.memory_space<hbm>> -> memref<64x8xf32, #tpu.memory_space<hbm>>
      %dma_start3A_101 = arith.constant 0 : i32
      %dma_start3A_102 = tpu.memref_slice %arg10[%arg0, %add3A_80, %dma_start3A_101] : memref<2x10240x8xf32, #tpu.memory_space<hbm>> -> memref<1x64x8xf32, #tpu.memory_space<hbm>>
      %dma_start3A_103 = tpu.memref_squeeze %dma_start3A_102 : memref<1x64x8xf32, #tpu.memory_space<hbm>> -> memref<64x8xf32, #tpu.memory_space<hbm>>
      tpu.enqueue_dma source(%arg21 : memref<64x8xf32, #tpu.memory_space<vmem>>) target(%dma_start3A_103 : memref<64x8xf32, #tpu.memory_space<hbm>>) target_semaphore(%run_scoped3A : memref<!tpu.dma_semaphore, #tpu.memory_space<semaphore_mem>>)
      %dma_wait3A = arith.constant 0 : i32
      %dma_wait3A_104 = tpu.memref_slice %arg10[%arg0, %add3A_80, %dma_wait3A] : memref<2x10240x8xf32, #tpu.memory_space<hbm>> -> memref<1x64x8xf32, #tpu.memory_space<hbm>>
      %dma_wait3A_105 = tpu.memref_squeeze %dma_wait3A_104 : memref<1x64x8xf32, #tpu.memory_space<hbm>> -> memref<64x8xf32, #tpu.memory_space<hbm>>
      %dma_wait3A_106 = arith.constant 0 : i32
      %dma_wait3A_107 = tpu.memref_slice %arg10[%arg0, %add3A_80, %dma_wait3A_106] : memref<2x10240x8xf32, #tpu.memory_space<hbm>> -> memref<1x64x8xf32, #tpu.memory_space<hbm>>
      %dma_wait3A_108 = tpu.memref_squeeze %dma_wait3A_107 : memref<1x64x8xf32, #tpu.memory_space<hbm>> -> memref<64x8xf32, #tpu.memory_space<hbm>>
      tpu.wait_dma2 semaphore(%run_scoped3A : memref<!tpu.dma_semaphore, #tpu.memory_space<semaphore_mem>>) src(%arg21 : memref<64x8xf32, #tpu.memory_space<vmem>>) dst(%dma_wait3A_108 : memref<64x8xf32, #tpu.memory_space<hbm>>)
      tpu.yield
    }) : () -> ()
    %add3A_81 = arith.constant 64 : i32
    %add3A_82 = arith.addi %mul3A_31, %add3A_81 : i32
    "tpu.region"() ({
      %run_scoped3A = tpu.sem_alloc : memref<!tpu.dma_semaphore, #tpu.memory_space<semaphore_mem>>
      %dma_start3A = arith.constant 0 : i32
      %dma_start3A_99 = tpu.memref_slice %arg22[%add3A_82, %dma_start3A] : memref<10240x64xf32, #tpu.memory_space<vmem_shared>> -> memref<64x64xf32, #tpu.memory_space<vmem_shared>>
      %dma_start3A_100 = arith.constant 0 : i32
      %dma_start3A_101 = tpu.memref_slice %arg22[%add3A_82, %dma_start3A_100] : memref<10240x64xf32, #tpu.memory_space<vmem_shared>> -> memref<64x64xf32, #tpu.memory_space<vmem_shared>>
      tpu.enqueue_dma source(%dma_start3A_101 : memref<64x64xf32, #tpu.memory_space<vmem_shared>>) target(%arg20 : memref<64x64xf32, #tpu.memory_space<vmem>>) target_semaphore(%run_scoped3A : memref<!tpu.dma_semaphore, #tpu.memory_space<semaphore_mem>>)
      %dma_wait3A = arith.constant 0 : i32
      %dma_wait3A_102 = tpu.memref_slice %arg22[%add3A_82, %dma_wait3A] : memref<10240x64xf32, #tpu.memory_space<vmem_shared>> -> memref<64x64xf32, #tpu.memory_space<vmem_shared>>
      %dma_wait3A_103 = arith.constant 0 : i32
      %dma_wait3A_104 = tpu.memref_slice %arg22[%add3A_82, %dma_wait3A_103] : memref<10240x64xf32, #tpu.memory_space<vmem_shared>> -> memref<64x64xf32, #tpu.memory_space<vmem_shared>>
      tpu.wait_dma2 semaphore(%run_scoped3A : memref<!tpu.dma_semaphore, #tpu.memory_space<semaphore_mem>>) src(%dma_wait3A_104 : memref<64x64xf32, #tpu.memory_space<vmem_shared>>) dst(%arg20 : memref<64x64xf32, #tpu.memory_space<vmem>>)
      tpu.yield
    }) : () -> ()
    "tpu.region"() ({
      %run_scoped3A = tpu.sem_alloc : memref<!tpu.dma_semaphore, #tpu.memory_space<semaphore_mem>>
      %dma_start3A = arith.constant 0 : i32
      %dma_start3A_99 = tpu.memref_slice %arg9[%arg0, %add3A_82, %dma_start3A] : memref<2x10240x64xf32, #tpu.memory_space<hbm>> -> memref<1x64x64xf32, #tpu.memory_space<hbm>>
      %dma_start3A_100 = tpu.memref_squeeze %dma_start3A_99 : memref<1x64x64xf32, #tpu.memory_space<hbm>> -> memref<64x64xf32, #tpu.memory_space<hbm>>
      %dma_start3A_101 = arith.constant 0 : i32
      %dma_start3A_102 = tpu.memref_slice %arg9[%arg0, %add3A_82, %dma_start3A_101] : memref<2x10240x64xf32, #tpu.memory_space<hbm>> -> memref<1x64x64xf32, #tpu.memory_space<hbm>>
      %dma_start3A_103 = tpu.memref_squeeze %dma_start3A_102 : memref<1x64x64xf32, #tpu.memory_space<hbm>> -> memref<64x64xf32, #tpu.memory_space<hbm>>
      tpu.enqueue_dma source(%arg20 : memref<64x64xf32, #tpu.memory_space<vmem>>) target(%dma_start3A_103 : memref<64x64xf32, #tpu.memory_space<hbm>>) target_semaphore(%run_scoped3A : memref<!tpu.dma_semaphore, #tpu.memory_space<semaphore_mem>>)
      %dma_wait3A = arith.constant 0 : i32
      %dma_wait3A_104 = tpu.memref_slice %arg9[%arg0, %add3A_82, %dma_wait3A] : memref<2x10240x64xf32, #tpu.memory_space<hbm>> -> memref<1x64x64xf32, #tpu.memory_space<hbm>>
      %dma_wait3A_105 = tpu.memref_squeeze %dma_wait3A_104 : memref<1x64x64xf32, #tpu.memory_space<hbm>> -> memref<64x64xf32, #tpu.memory_space<hbm>>
      %dma_wait3A_106 = arith.constant 0 : i32
      %dma_wait3A_107 = tpu.memref_slice %arg9[%arg0, %add3A_82, %dma_wait3A_106] : memref<2x10240x64xf32, #tpu.memory_space<hbm>> -> memref<1x64x64xf32, #tpu.memory_space<hbm>>
      %dma_wait3A_108 = tpu.memref_squeeze %dma_wait3A_107 : memref<1x64x64xf32, #tpu.memory_space<hbm>> -> memref<64x64xf32, #tpu.memory_space<hbm>>
      tpu.wait_dma2 semaphore(%run_scoped3A : memref<!tpu.dma_semaphore, #tpu.memory_space<semaphore_mem>>) src(%arg20 : memref<64x64xf32, #tpu.memory_space<vmem>>) dst(%dma_wait3A_108 : memref<64x64xf32, #tpu.memory_space<hbm>>)
      tpu.yield
    }) : () -> ()
    "tpu.region"() ({
      %run_scoped3A = tpu.sem_alloc : memref<!tpu.dma_semaphore, #tpu.memory_space<semaphore_mem>>
      %dma_start3A = arith.constant 0 : i32
      %dma_start3A_99 = tpu.memref_slice %arg23[%add3A_82, %dma_start3A] : memref<10240x8xf32, #tpu.memory_space<vmem_shared>> -> memref<64x8xf32, #tpu.memory_space<vmem_shared>>
      %dma_start3A_100 = arith.constant 0 : i32
      %dma_start3A_101 = tpu.memref_slice %arg23[%add3A_82, %dma_start3A_100] : memref<10240x8xf32, #tpu.memory_space<vmem_shared>> -> memref<64x8xf32, #tpu.memory_space<vmem_shared>>
      tpu.enqueue_dma source(%dma_start3A_101 : memref<64x8xf32, #tpu.memory_space<vmem_shared>>) target(%arg21 : memref<64x8xf32, #tpu.memory_space<vmem>>) target_semaphore(%run_scoped3A : memref<!tpu.dma_semaphore, #tpu.memory_space<semaphore_mem>>)
      %dma_wait3A = arith.constant 0 : i32
      %dma_wait3A_102 = tpu.memref_slice %arg23[%add3A_82, %dma_wait3A] : memref<10240x8xf32, #tpu.memory_space<vmem_shared>> -> memref<64x8xf32, #tpu.memory_space<vmem_shared>>
      %dma_wait3A_103 = arith.constant 0 : i32
      %dma_wait3A_104 = tpu.memref_slice %arg23[%add3A_82, %dma_wait3A_103] : memref<10240x8xf32, #tpu.memory_space<vmem_shared>> -> memref<64x8xf32, #tpu.memory_space<vmem_shared>>
      tpu.wait_dma2 semaphore(%run_scoped3A : memref<!tpu.dma_semaphore, #tpu.memory_space<semaphore_mem>>) src(%dma_wait3A_104 : memref<64x8xf32, #tpu.memory_space<vmem_shared>>) dst(%arg21 : memref<64x8xf32, #tpu.memory_space<vmem>>)
      tpu.yield
    }) : () -> ()
    "tpu.region"() ({
      %run_scoped3A = tpu.sem_alloc : memref<!tpu.dma_semaphore, #tpu.memory_space<semaphore_mem>>
      %dma_start3A = arith.constant 0 : i32
      %dma_start3A_99 = tpu.memref_slice %arg10[%arg0, %add3A_82, %dma_start3A] : memref<2x10240x8xf32, #tpu.memory_space<hbm>> -> memref<1x64x8xf32, #tpu.memory_space<hbm>>
      %dma_start3A_100 = tpu.memref_squeeze %dma_start3A_99 : memref<1x64x8xf32, #tpu.memory_space<hbm>> -> memref<64x8xf32, #tpu.memory_space<hbm>>
      %dma_start3A_101 = arith.constant 0 : i32
      %dma_start3A_102 = tpu.memref_slice %arg10[%arg0, %add3A_82, %dma_start3A_101] : memref<2x10240x8xf32, #tpu.memory_space<hbm>> -> memref<1x64x8xf32, #tpu.memory_space<hbm>>
      %dma_start3A_103 = tpu.memref_squeeze %dma_start3A_102 : memref<1x64x8xf32, #tpu.memory_space<hbm>> -> memref<64x8xf32, #tpu.memory_space<hbm>>
      tpu.enqueue_dma source(%arg21 : memref<64x8xf32, #tpu.memory_space<vmem>>) target(%dma_start3A_103 : memref<64x8xf32, #tpu.memory_space<hbm>>) target_semaphore(%run_scoped3A : memref<!tpu.dma_semaphore, #tpu.memory_space<semaphore_mem>>)
      %dma_wait3A = arith.constant 0 : i32
      %dma_wait3A_104 = tpu.memref_slice %arg10[%arg0, %add3A_82, %dma_wait3A] : memref<2x10240x8xf32, #tpu.memory_space<hbm>> -> memref<1x64x8xf32, #tpu.memory_space<hbm>>
      %dma_wait3A_105 = tpu.memref_squeeze %dma_wait3A_104 : memref<1x64x8xf32, #tpu.memory_space<hbm>> -> memref<64x8xf32, #tpu.memory_space<hbm>>
      %dma_wait3A_106 = arith.constant 0 : i32
      %dma_wait3A_107 = tpu.memref_slice %arg10[%arg0, %add3A_82, %dma_wait3A_106] : memref<2x10240x8xf32, #tpu.memory_space<hbm>> -> memref<1x64x8xf32, #tpu.memory_space<hbm>>
      %dma_wait3A_108 = tpu.memref_squeeze %dma_wait3A_107 : memref<1x64x8xf32, #tpu.memory_space<hbm>> -> memref<64x8xf32, #tpu.memory_space<hbm>>
      tpu.wait_dma2 semaphore(%run_scoped3A : memref<!tpu.dma_semaphore, #tpu.memory_space<semaphore_mem>>) src(%arg21 : memref<64x8xf32, #tpu.memory_space<vmem>>) dst(%dma_wait3A_108 : memref<64x8xf32, #tpu.memory_space<hbm>>)
      tpu.yield
    }) : () -> ()
    %add3A_83 = arith.constant 128 : i32
    %add3A_84 = arith.addi %mul3A_31, %add3A_83 : i32
    "tpu.region"() ({
      %run_scoped3A = tpu.sem_alloc : memref<!tpu.dma_semaphore, #tpu.memory_space<semaphore_mem>>
      %dma_start3A = arith.constant 0 : i32
      %dma_start3A_99 = tpu.memref_slice %arg22[%add3A_84, %dma_start3A] : memref<10240x64xf32, #tpu.memory_space<vmem_shared>> -> memref<64x64xf32, #tpu.memory_space<vmem_shared>>
      %dma_start3A_100 = arith.constant 0 : i32
      %dma_start3A_101 = tpu.memref_slice %arg22[%add3A_84, %dma_start3A_100] : memref<10240x64xf32, #tpu.memory_space<vmem_shared>> -> memref<64x64xf32, #tpu.memory_space<vmem_shared>>
      tpu.enqueue_dma source(%dma_start3A_101 : memref<64x64xf32, #tpu.memory_space<vmem_shared>>) target(%arg20 : memref<64x64xf32, #tpu.memory_space<vmem>>) target_semaphore(%run_scoped3A : memref<!tpu.dma_semaphore, #tpu.memory_space<semaphore_mem>>)
      %dma_wait3A = arith.constant 0 : i32
      %dma_wait3A_102 = tpu.memref_slice %arg22[%add3A_84, %dma_wait3A] : memref<10240x64xf32, #tpu.memory_space<vmem_shared>> -> memref<64x64xf32, #tpu.memory_space<vmem_shared>>
      %dma_wait3A_103 = arith.constant 0 : i32
      %dma_wait3A_104 = tpu.memref_slice %arg22[%add3A_84, %dma_wait3A_103] : memref<10240x64xf32, #tpu.memory_space<vmem_shared>> -> memref<64x64xf32, #tpu.memory_space<vmem_shared>>
      tpu.wait_dma2 semaphore(%run_scoped3A : memref<!tpu.dma_semaphore, #tpu.memory_space<semaphore_mem>>) src(%dma_wait3A_104 : memref<64x64xf32, #tpu.memory_space<vmem_shared>>) dst(%arg20 : memref<64x64xf32, #tpu.memory_space<vmem>>)
      tpu.yield
    }) : () -> ()
    "tpu.region"() ({
      %run_scoped3A = tpu.sem_alloc : memref<!tpu.dma_semaphore, #tpu.memory_space<semaphore_mem>>
      %dma_start3A = arith.constant 0 : i32
      %dma_start3A_99 = tpu.memref_slice %arg9[%arg0, %add3A_84, %dma_start3A] : memref<2x10240x64xf32, #tpu.memory_space<hbm>> -> memref<1x64x64xf32, #tpu.memory_space<hbm>>
      %dma_start3A_100 = tpu.memref_squeeze %dma_start3A_99 : memref<1x64x64xf32, #tpu.memory_space<hbm>> -> memref<64x64xf32, #tpu.memory_space<hbm>>
      %dma_start3A_101 = arith.constant 0 : i32
      %dma_start3A_102 = tpu.memref_slice %arg9[%arg0, %add3A_84, %dma_start3A_101] : memref<2x10240x64xf32, #tpu.memory_space<hbm>> -> memref<1x64x64xf32, #tpu.memory_space<hbm>>
      %dma_start3A_103 = tpu.memref_squeeze %dma_start3A_102 : memref<1x64x64xf32, #tpu.memory_space<hbm>> -> memref<64x64xf32, #tpu.memory_space<hbm>>
      tpu.enqueue_dma source(%arg20 : memref<64x64xf32, #tpu.memory_space<vmem>>) target(%dma_start3A_103 : memref<64x64xf32, #tpu.memory_space<hbm>>) target_semaphore(%run_scoped3A : memref<!tpu.dma_semaphore, #tpu.memory_space<semaphore_mem>>)
      %dma_wait3A = arith.constant 0 : i32
      %dma_wait3A_104 = tpu.memref_slice %arg9[%arg0, %add3A_84, %dma_wait3A] : memref<2x10240x64xf32, #tpu.memory_space<hbm>> -> memref<1x64x64xf32, #tpu.memory_space<hbm>>
      %dma_wait3A_105 = tpu.memref_squeeze %dma_wait3A_104 : memref<1x64x64xf32, #tpu.memory_space<hbm>> -> memref<64x64xf32, #tpu.memory_space<hbm>>
      %dma_wait3A_106 = arith.constant 0 : i32
      %dma_wait3A_107 = tpu.memref_slice %arg9[%arg0, %add3A_84, %dma_wait3A_106] : memref<2x10240x64xf32, #tpu.memory_space<hbm>> -> memref<1x64x64xf32, #tpu.memory_space<hbm>>
      %dma_wait3A_108 = tpu.memref_squeeze %dma_wait3A_107 : memref<1x64x64xf32, #tpu.memory_space<hbm>> -> memref<64x64xf32, #tpu.memory_space<hbm>>
      tpu.wait_dma2 semaphore(%run_scoped3A : memref<!tpu.dma_semaphore, #tpu.memory_space<semaphore_mem>>) src(%arg20 : memref<64x64xf32, #tpu.memory_space<vmem>>) dst(%dma_wait3A_108 : memref<64x64xf32, #tpu.memory_space<hbm>>)
      tpu.yield
    }) : () -> ()
    "tpu.region"() ({
      %run_scoped3A = tpu.sem_alloc : memref<!tpu.dma_semaphore, #tpu.memory_space<semaphore_mem>>
      %dma_start3A = arith.constant 0 : i32
      %dma_start3A_99 = tpu.memref_slice %arg23[%add3A_84, %dma_start3A] : memref<10240x8xf32, #tpu.memory_space<vmem_shared>> -> memref<64x8xf32, #tpu.memory_space<vmem_shared>>
      %dma_start3A_100 = arith.constant 0 : i32
      %dma_start3A_101 = tpu.memref_slice %arg23[%add3A_84, %dma_start3A_100] : memref<10240x8xf32, #tpu.memory_space<vmem_shared>> -> memref<64x8xf32, #tpu.memory_space<vmem_shared>>
      tpu.enqueue_dma source(%dma_start3A_101 : memref<64x8xf32, #tpu.memory_space<vmem_shared>>) target(%arg21 : memref<64x8xf32, #tpu.memory_space<vmem>>) target_semaphore(%run_scoped3A : memref<!tpu.dma_semaphore, #tpu.memory_space<semaphore_mem>>)
      %dma_wait3A = arith.constant 0 : i32
      %dma_wait3A_102 = tpu.memref_slice %arg23[%add3A_84, %dma_wait3A] : memref<10240x8xf32, #tpu.memory_space<vmem_shared>> -> memref<64x8xf32, #tpu.memory_space<vmem_shared>>
      %dma_wait3A_103 = arith.constant 0 : i32
      %dma_wait3A_104 = tpu.memref_slice %arg23[%add3A_84, %dma_wait3A_103] : memref<10240x8xf32, #tpu.memory_space<vmem_shared>> -> memref<64x8xf32, #tpu.memory_space<vmem_shared>>
      tpu.wait_dma2 semaphore(%run_scoped3A : memref<!tpu.dma_semaphore, #tpu.memory_space<semaphore_mem>>) src(%dma_wait3A_104 : memref<64x8xf32, #tpu.memory_space<vmem_shared>>) dst(%arg21 : memref<64x8xf32, #tpu.memory_space<vmem>>)
      tpu.yield
    }) : () -> ()
    "tpu.region"() ({
      %run_scoped3A = tpu.sem_alloc : memref<!tpu.dma_semaphore, #tpu.memory_space<semaphore_mem>>
      %dma_start3A = arith.constant 0 : i32
      %dma_start3A_99 = tpu.memref_slice %arg10[%arg0, %add3A_84, %dma_start3A] : memref<2x10240x8xf32, #tpu.memory_space<hbm>> -> memref<1x64x8xf32, #tpu.memory_space<hbm>>
      %dma_start3A_100 = tpu.memref_squeeze %dma_start3A_99 : memref<1x64x8xf32, #tpu.memory_space<hbm>> -> memref<64x8xf32, #tpu.memory_space<hbm>>
      %dma_start3A_101 = arith.constant 0 : i32
      %dma_start3A_102 = tpu.memref_slice %arg10[%arg0, %add3A_84, %dma_start3A_101] : memref<2x10240x8xf32, #tpu.memory_space<hbm>> -> memref<1x64x8xf32, #tpu.memory_space<hbm>>
      %dma_start3A_103 = tpu.memref_squeeze %dma_start3A_102 : memref<1x64x8xf32, #tpu.memory_space<hbm>> -> memref<64x8xf32, #tpu.memory_space<hbm>>
      tpu.enqueue_dma source(%arg21 : memref<64x8xf32, #tpu.memory_space<vmem>>) target(%dma_start3A_103 : memref<64x8xf32, #tpu.memory_space<hbm>>) target_semaphore(%run_scoped3A : memref<!tpu.dma_semaphore, #tpu.memory_space<semaphore_mem>>)
      %dma_wait3A = arith.constant 0 : i32
      %dma_wait3A_104 = tpu.memref_slice %arg10[%arg0, %add3A_84, %dma_wait3A] : memref<2x10240x8xf32, #tpu.memory_space<hbm>> -> memref<1x64x8xf32, #tpu.memory_space<hbm>>
      %dma_wait3A_105 = tpu.memref_squeeze %dma_wait3A_104 : memref<1x64x8xf32, #tpu.memory_space<hbm>> -> memref<64x8xf32, #tpu.memory_space<hbm>>
      %dma_wait3A_106 = arith.constant 0 : i32
      %dma_wait3A_107 = tpu.memref_slice %arg10[%arg0, %add3A_84, %dma_wait3A_106] : memref<2x10240x8xf32, #tpu.memory_space<hbm>> -> memref<1x64x8xf32, #tpu.memory_space<hbm>>
      %dma_wait3A_108 = tpu.memref_squeeze %dma_wait3A_107 : memref<1x64x8xf32, #tpu.memory_space<hbm>> -> memref<64x8xf32, #tpu.memory_space<hbm>>
      tpu.wait_dma2 semaphore(%run_scoped3A : memref<!tpu.dma_semaphore, #tpu.memory_space<semaphore_mem>>) src(%arg21 : memref<64x8xf32, #tpu.memory_space<vmem>>) dst(%dma_wait3A_108 : memref<64x8xf32, #tpu.memory_space<hbm>>)
      tpu.yield
    }) : () -> ()
    %add3A_85 = arith.constant 192 : i32
    %add3A_86 = arith.addi %mul3A_31, %add3A_85 : i32
    "tpu.region"() ({
      %run_scoped3A = tpu.sem_alloc : memref<!tpu.dma_semaphore, #tpu.memory_space<semaphore_mem>>
      %dma_start3A = arith.constant 0 : i32
      %dma_start3A_99 = tpu.memref_slice %arg22[%add3A_86, %dma_start3A] : memref<10240x64xf32, #tpu.memory_space<vmem_shared>> -> memref<64x64xf32, #tpu.memory_space<vmem_shared>>
      %dma_start3A_100 = arith.constant 0 : i32
      %dma_start3A_101 = tpu.memref_slice %arg22[%add3A_86, %dma_start3A_100] : memref<10240x64xf32, #tpu.memory_space<vmem_shared>> -> memref<64x64xf32, #tpu.memory_space<vmem_shared>>
      tpu.enqueue_dma source(%dma_start3A_101 : memref<64x64xf32, #tpu.memory_space<vmem_shared>>) target(%arg20 : memref<64x64xf32, #tpu.memory_space<vmem>>) target_semaphore(%run_scoped3A : memref<!tpu.dma_semaphore, #tpu.memory_space<semaphore_mem>>)
      %dma_wait3A = arith.constant 0 : i32
      %dma_wait3A_102 = tpu.memref_slice %arg22[%add3A_86, %dma_wait3A] : memref<10240x64xf32, #tpu.memory_space<vmem_shared>> -> memref<64x64xf32, #tpu.memory_space<vmem_shared>>
      %dma_wait3A_103 = arith.constant 0 : i32
      %dma_wait3A_104 = tpu.memref_slice %arg22[%add3A_86, %dma_wait3A_103] : memref<10240x64xf32, #tpu.memory_space<vmem_shared>> -> memref<64x64xf32, #tpu.memory_space<vmem_shared>>
      tpu.wait_dma2 semaphore(%run_scoped3A : memref<!tpu.dma_semaphore, #tpu.memory_space<semaphore_mem>>) src(%dma_wait3A_104 : memref<64x64xf32, #tpu.memory_space<vmem_shared>>) dst(%arg20 : memref<64x64xf32, #tpu.memory_space<vmem>>)
      tpu.yield
    }) : () -> ()
    "tpu.region"() ({
      %run_scoped3A = tpu.sem_alloc : memref<!tpu.dma_semaphore, #tpu.memory_space<semaphore_mem>>
      %dma_start3A = arith.constant 0 : i32
      %dma_start3A_99 = tpu.memref_slice %arg9[%arg0, %add3A_86, %dma_start3A] : memref<2x10240x64xf32, #tpu.memory_space<hbm>> -> memref<1x64x64xf32, #tpu.memory_space<hbm>>
      %dma_start3A_100 = tpu.memref_squeeze %dma_start3A_99 : memref<1x64x64xf32, #tpu.memory_space<hbm>> -> memref<64x64xf32, #tpu.memory_space<hbm>>
      %dma_start3A_101 = arith.constant 0 : i32
      %dma_start3A_102 = tpu.memref_slice %arg9[%arg0, %add3A_86, %dma_start3A_101] : memref<2x10240x64xf32, #tpu.memory_space<hbm>> -> memref<1x64x64xf32, #tpu.memory_space<hbm>>
      %dma_start3A_103 = tpu.memref_squeeze %dma_start3A_102 : memref<1x64x64xf32, #tpu.memory_space<hbm>> -> memref<64x64xf32, #tpu.memory_space<hbm>>
      tpu.enqueue_dma source(%arg20 : memref<64x64xf32, #tpu.memory_space<vmem>>) target(%dma_start3A_103 : memref<64x64xf32, #tpu.memory_space<hbm>>) target_semaphore(%run_scoped3A : memref<!tpu.dma_semaphore, #tpu.memory_space<semaphore_mem>>)
      %dma_wait3A = arith.constant 0 : i32
      %dma_wait3A_104 = tpu.memref_slice %arg9[%arg0, %add3A_86, %dma_wait3A] : memref<2x10240x64xf32, #tpu.memory_space<hbm>> -> memref<1x64x64xf32, #tpu.memory_space<hbm>>
      %dma_wait3A_105 = tpu.memref_squeeze %dma_wait3A_104 : memref<1x64x64xf32, #tpu.memory_space<hbm>> -> memref<64x64xf32, #tpu.memory_space<hbm>>
      %dma_wait3A_106 = arith.constant 0 : i32
      %dma_wait3A_107 = tpu.memref_slice %arg9[%arg0, %add3A_86, %dma_wait3A_106] : memref<2x10240x64xf32, #tpu.memory_space<hbm>> -> memref<1x64x64xf32, #tpu.memory_space<hbm>>
      %dma_wait3A_108 = tpu.memref_squeeze %dma_wait3A_107 : memref<1x64x64xf32, #tpu.memory_space<hbm>> -> memref<64x64xf32, #tpu.memory_space<hbm>>
      tpu.wait_dma2 semaphore(%run_scoped3A : memref<!tpu.dma_semaphore, #tpu.memory_space<semaphore_mem>>) src(%arg20 : memref<64x64xf32, #tpu.memory_space<vmem>>) dst(%dma_wait3A_108 : memref<64x64xf32, #tpu.memory_space<hbm>>)
      tpu.yield
    }) : () -> ()
    "tpu.region"() ({
      %run_scoped3A = tpu.sem_alloc : memref<!tpu.dma_semaphore, #tpu.memory_space<semaphore_mem>>
      %dma_start3A = arith.constant 0 : i32
      %dma_start3A_99 = tpu.memref_slice %arg23[%add3A_86, %dma_start3A] : memref<10240x8xf32, #tpu.memory_space<vmem_shared>> -> memref<64x8xf32, #tpu.memory_space<vmem_shared>>
      %dma_start3A_100 = arith.constant 0 : i32
      %dma_start3A_101 = tpu.memref_slice %arg23[%add3A_86, %dma_start3A_100] : memref<10240x8xf32, #tpu.memory_space<vmem_shared>> -> memref<64x8xf32, #tpu.memory_space<vmem_shared>>
      tpu.enqueue_dma source(%dma_start3A_101 : memref<64x8xf32, #tpu.memory_space<vmem_shared>>) target(%arg21 : memref<64x8xf32, #tpu.memory_space<vmem>>) target_semaphore(%run_scoped3A : memref<!tpu.dma_semaphore, #tpu.memory_space<semaphore_mem>>)
      %dma_wait3A = arith.constant 0 : i32
      %dma_wait3A_102 = tpu.memref_slice %arg23[%add3A_86, %dma_wait3A] : memref<10240x8xf32, #tpu.memory_space<vmem_shared>> -> memref<64x8xf32, #tpu.memory_space<vmem_shared>>
      %dma_wait3A_103 = arith.constant 0 : i32
      %dma_wait3A_104 = tpu.memref_slice %arg23[%add3A_86, %dma_wait3A_103] : memref<10240x8xf32, #tpu.memory_space<vmem_shared>> -> memref<64x8xf32, #tpu.memory_space<vmem_shared>>
      tpu.wait_dma2 semaphore(%run_scoped3A : memref<!tpu.dma_semaphore, #tpu.memory_space<semaphore_mem>>) src(%dma_wait3A_104 : memref<64x8xf32, #tpu.memory_space<vmem_shared>>) dst(%arg21 : memref<64x8xf32, #tpu.memory_space<vmem>>)
      tpu.yield
    }) : () -> ()
    "tpu.region"() ({
      %run_scoped3A = tpu.sem_alloc : memref<!tpu.dma_semaphore, #tpu.memory_space<semaphore_mem>>
      %dma_start3A = arith.constant 0 : i32
      %dma_start3A_99 = tpu.memref_slice %arg10[%arg0, %add3A_86, %dma_start3A] : memref<2x10240x8xf32, #tpu.memory_space<hbm>> -> memref<1x64x8xf32, #tpu.memory_space<hbm>>
      %dma_start3A_100 = tpu.memref_squeeze %dma_start3A_99 : memref<1x64x8xf32, #tpu.memory_space<hbm>> -> memref<64x8xf32, #tpu.memory_space<hbm>>
      %dma_start3A_101 = arith.constant 0 : i32
      %dma_start3A_102 = tpu.memref_slice %arg10[%arg0, %add3A_86, %dma_start3A_101] : memref<2x10240x8xf32, #tpu.memory_space<hbm>> -> memref<1x64x8xf32, #tpu.memory_space<hbm>>
      %dma_start3A_103 = tpu.memref_squeeze %dma_start3A_102 : memref<1x64x8xf32, #tpu.memory_space<hbm>> -> memref<64x8xf32, #tpu.memory_space<hbm>>
      tpu.enqueue_dma source(%arg21 : memref<64x8xf32, #tpu.memory_space<vmem>>) target(%dma_start3A_103 : memref<64x8xf32, #tpu.memory_space<hbm>>) target_semaphore(%run_scoped3A : memref<!tpu.dma_semaphore, #tpu.memory_space<semaphore_mem>>)
      %dma_wait3A = arith.constant 0 : i32
      %dma_wait3A_104 = tpu.memref_slice %arg10[%arg0, %add3A_86, %dma_wait3A] : memref<2x10240x8xf32, #tpu.memory_space<hbm>> -> memref<1x64x8xf32, #tpu.memory_space<hbm>>
      %dma_wait3A_105 = tpu.memref_squeeze %dma_wait3A_104 : memref<1x64x8xf32, #tpu.memory_space<hbm>> -> memref<64x8xf32, #tpu.memory_space<hbm>>
      %dma_wait3A_106 = arith.constant 0 : i32
      %dma_wait3A_107 = tpu.memref_slice %arg10[%arg0, %add3A_86, %dma_wait3A_106] : memref<2x10240x8xf32, #tpu.memory_space<hbm>> -> memref<1x64x8xf32, #tpu.memory_space<hbm>>
      %dma_wait3A_108 = tpu.memref_squeeze %dma_wait3A_107 : memref<1x64x8xf32, #tpu.memory_space<hbm>> -> memref<64x8xf32, #tpu.memory_space<hbm>>
      tpu.wait_dma2 semaphore(%run_scoped3A : memref<!tpu.dma_semaphore, #tpu.memory_space<semaphore_mem>>) src(%arg21 : memref<64x8xf32, #tpu.memory_space<vmem>>) dst(%dma_wait3A_108 : memref<64x8xf32, #tpu.memory_space<hbm>>)
      tpu.yield
    }) : () -> ()
    %add3A_87 = arith.constant 256 : i32
    %add3A_88 = arith.addi %mul3A_31, %add3A_87 : i32
    "tpu.region"() ({
      %run_scoped3A = tpu.sem_alloc : memref<!tpu.dma_semaphore, #tpu.memory_space<semaphore_mem>>
      %dma_start3A = arith.constant 0 : i32
      %dma_start3A_99 = tpu.memref_slice %arg22[%add3A_88, %dma_start3A] : memref<10240x64xf32, #tpu.memory_space<vmem_shared>> -> memref<64x64xf32, #tpu.memory_space<vmem_shared>>
      %dma_start3A_100 = arith.constant 0 : i32
      %dma_start3A_101 = tpu.memref_slice %arg22[%add3A_88, %dma_start3A_100] : memref<10240x64xf32, #tpu.memory_space<vmem_shared>> -> memref<64x64xf32, #tpu.memory_space<vmem_shared>>
      tpu.enqueue_dma source(%dma_start3A_101 : memref<64x64xf32, #tpu.memory_space<vmem_shared>>) target(%arg20 : memref<64x64xf32, #tpu.memory_space<vmem>>) target_semaphore(%run_scoped3A : memref<!tpu.dma_semaphore, #tpu.memory_space<semaphore_mem>>)
      %dma_wait3A = arith.constant 0 : i32
      %dma_wait3A_102 = tpu.memref_slice %arg22[%add3A_88, %dma_wait3A] : memref<10240x64xf32, #tpu.memory_space<vmem_shared>> -> memref<64x64xf32, #tpu.memory_space<vmem_shared>>
      %dma_wait3A_103 = arith.constant 0 : i32
      %dma_wait3A_104 = tpu.memref_slice %arg22[%add3A_88, %dma_wait3A_103] : memref<10240x64xf32, #tpu.memory_space<vmem_shared>> -> memref<64x64xf32, #tpu.memory_space<vmem_shared>>
      tpu.wait_dma2 semaphore(%run_scoped3A : memref<!tpu.dma_semaphore, #tpu.memory_space<semaphore_mem>>) src(%dma_wait3A_104 : memref<64x64xf32, #tpu.memory_space<vmem_shared>>) dst(%arg20 : memref<64x64xf32, #tpu.memory_space<vmem>>)
      tpu.yield
    }) : () -> ()
    "tpu.region"() ({
      %run_scoped3A = tpu.sem_alloc : memref<!tpu.dma_semaphore, #tpu.memory_space<semaphore_mem>>
      %dma_start3A = arith.constant 0 : i32
      %dma_start3A_99 = tpu.memref_slice %arg9[%arg0, %add3A_88, %dma_start3A] : memref<2x10240x64xf32, #tpu.memory_space<hbm>> -> memref<1x64x64xf32, #tpu.memory_space<hbm>>
      %dma_start3A_100 = tpu.memref_squeeze %dma_start3A_99 : memref<1x64x64xf32, #tpu.memory_space<hbm>> -> memref<64x64xf32, #tpu.memory_space<hbm>>
      %dma_start3A_101 = arith.constant 0 : i32
      %dma_start3A_102 = tpu.memref_slice %arg9[%arg0, %add3A_88, %dma_start3A_101] : memref<2x10240x64xf32, #tpu.memory_space<hbm>> -> memref<1x64x64xf32, #tpu.memory_space<hbm>>
      %dma_start3A_103 = tpu.memref_squeeze %dma_start3A_102 : memref<1x64x64xf32, #tpu.memory_space<hbm>> -> memref<64x64xf32, #tpu.memory_space<hbm>>
      tpu.enqueue_dma source(%arg20 : memref<64x64xf32, #tpu.memory_space<vmem>>) target(%dma_start3A_103 : memref<64x64xf32, #tpu.memory_space<hbm>>) target_semaphore(%run_scoped3A : memref<!tpu.dma_semaphore, #tpu.memory_space<semaphore_mem>>)
      %dma_wait3A = arith.constant 0 : i32
      %dma_wait3A_104 = tpu.memref_slice %arg9[%arg0, %add3A_88, %dma_wait3A] : memref<2x10240x64xf32, #tpu.memory_space<hbm>> -> memref<1x64x64xf32, #tpu.memory_space<hbm>>
      %dma_wait3A_105 = tpu.memref_squeeze %dma_wait3A_104 : memref<1x64x64xf32, #tpu.memory_space<hbm>> -> memref<64x64xf32, #tpu.memory_space<hbm>>
      %dma_wait3A_106 = arith.constant 0 : i32
      %dma_wait3A_107 = tpu.memref_slice %arg9[%arg0, %add3A_88, %dma_wait3A_106] : memref<2x10240x64xf32, #tpu.memory_space<hbm>> -> memref<1x64x64xf32, #tpu.memory_space<hbm>>
      %dma_wait3A_108 = tpu.memref_squeeze %dma_wait3A_107 : memref<1x64x64xf32, #tpu.memory_space<hbm>> -> memref<64x64xf32, #tpu.memory_space<hbm>>
      tpu.wait_dma2 semaphore(%run_scoped3A : memref<!tpu.dma_semaphore, #tpu.memory_space<semaphore_mem>>) src(%arg20 : memref<64x64xf32, #tpu.memory_space<vmem>>) dst(%dma_wait3A_108 : memref<64x64xf32, #tpu.memory_space<hbm>>)
      tpu.yield
    }) : () -> ()
    "tpu.region"() ({
      %run_scoped3A = tpu.sem_alloc : memref<!tpu.dma_semaphore, #tpu.memory_space<semaphore_mem>>
      %dma_start3A = arith.constant 0 : i32
      %dma_start3A_99 = tpu.memref_slice %arg23[%add3A_88, %dma_start3A] : memref<10240x8xf32, #tpu.memory_space<vmem_shared>> -> memref<64x8xf32, #tpu.memory_space<vmem_shared>>
      %dma_start3A_100 = arith.constant 0 : i32
      %dma_start3A_101 = tpu.memref_slice %arg23[%add3A_88, %dma_start3A_100] : memref<10240x8xf32, #tpu.memory_space<vmem_shared>> -> memref<64x8xf32, #tpu.memory_space<vmem_shared>>
      tpu.enqueue_dma source(%dma_start3A_101 : memref<64x8xf32, #tpu.memory_space<vmem_shared>>) target(%arg21 : memref<64x8xf32, #tpu.memory_space<vmem>>) target_semaphore(%run_scoped3A : memref<!tpu.dma_semaphore, #tpu.memory_space<semaphore_mem>>)
      %dma_wait3A = arith.constant 0 : i32
      %dma_wait3A_102 = tpu.memref_slice %arg23[%add3A_88, %dma_wait3A] : memref<10240x8xf32, #tpu.memory_space<vmem_shared>> -> memref<64x8xf32, #tpu.memory_space<vmem_shared>>
      %dma_wait3A_103 = arith.constant 0 : i32
      %dma_wait3A_104 = tpu.memref_slice %arg23[%add3A_88, %dma_wait3A_103] : memref<10240x8xf32, #tpu.memory_space<vmem_shared>> -> memref<64x8xf32, #tpu.memory_space<vmem_shared>>
      tpu.wait_dma2 semaphore(%run_scoped3A : memref<!tpu.dma_semaphore, #tpu.memory_space<semaphore_mem>>) src(%dma_wait3A_104 : memref<64x8xf32, #tpu.memory_space<vmem_shared>>) dst(%arg21 : memref<64x8xf32, #tpu.memory_space<vmem>>)
      tpu.yield
    }) : () -> ()
    "tpu.region"() ({
      %run_scoped3A = tpu.sem_alloc : memref<!tpu.dma_semaphore, #tpu.memory_space<semaphore_mem>>
      %dma_start3A = arith.constant 0 : i32
      %dma_start3A_99 = tpu.memref_slice %arg10[%arg0, %add3A_88, %dma_start3A] : memref<2x10240x8xf32, #tpu.memory_space<hbm>> -> memref<1x64x8xf32, #tpu.memory_space<hbm>>
      %dma_start3A_100 = tpu.memref_squeeze %dma_start3A_99 : memref<1x64x8xf32, #tpu.memory_space<hbm>> -> memref<64x8xf32, #tpu.memory_space<hbm>>
      %dma_start3A_101 = arith.constant 0 : i32
      %dma_start3A_102 = tpu.memref_slice %arg10[%arg0, %add3A_88, %dma_start3A_101] : memref<2x10240x8xf32, #tpu.memory_space<hbm>> -> memref<1x64x8xf32, #tpu.memory_space<hbm>>
      %dma_start3A_103 = tpu.memref_squeeze %dma_start3A_102 : memref<1x64x8xf32, #tpu.memory_space<hbm>> -> memref<64x8xf32, #tpu.memory_space<hbm>>
      tpu.enqueue_dma source(%arg21 : memref<64x8xf32, #tpu.memory_space<vmem>>) target(%dma_start3A_103 : memref<64x8xf32, #tpu.memory_space<hbm>>) target_semaphore(%run_scoped3A : memref<!tpu.dma_semaphore, #tpu.memory_space<semaphore_mem>>)
      %dma_wait3A = arith.constant 0 : i32
      %dma_wait3A_104 = tpu.memref_slice %arg10[%arg0, %add3A_88, %dma_wait3A] : memref<2x10240x8xf32, #tpu.memory_space<hbm>> -> memref<1x64x8xf32, #tpu.memory_space<hbm>>
      %dma_wait3A_105 = tpu.memref_squeeze %dma_wait3A_104 : memref<1x64x8xf32, #tpu.memory_space<hbm>> -> memref<64x8xf32, #tpu.memory_space<hbm>>
      %dma_wait3A_106 = arith.constant 0 : i32
      %dma_wait3A_107 = tpu.memref_slice %arg10[%arg0, %add3A_88, %dma_wait3A_106] : memref<2x10240x8xf32, #tpu.memory_space<hbm>> -> memref<1x64x8xf32, #tpu.memory_space<hbm>>
      %dma_wait3A_108 = tpu.memref_squeeze %dma_wait3A_107 : memref<1x64x8xf32, #tpu.memory_space<hbm>> -> memref<64x8xf32, #tpu.memory_space<hbm>>
      tpu.wait_dma2 semaphore(%run_scoped3A : memref<!tpu.dma_semaphore, #tpu.memory_space<semaphore_mem>>) src(%arg21 : memref<64x8xf32, #tpu.memory_space<vmem>>) dst(%dma_wait3A_108 : memref<64x8xf32, #tpu.memory_space<hbm>>)
      tpu.yield
    }) : () -> ()
    %add3A_89 = arith.constant 320 : i32
    %add3A_90 = arith.addi %mul3A_31, %add3A_89 : i32
    "tpu.region"() ({
      %run_scoped3A = tpu.sem_alloc : memref<!tpu.dma_semaphore, #tpu.memory_space<semaphore_mem>>
      %dma_start3A = arith.constant 0 : i32
      %dma_start3A_99 = tpu.memref_slice %arg22[%add3A_90, %dma_start3A] : memref<10240x64xf32, #tpu.memory_space<vmem_shared>> -> memref<64x64xf32, #tpu.memory_space<vmem_shared>>
      %dma_start3A_100 = arith.constant 0 : i32
      %dma_start3A_101 = tpu.memref_slice %arg22[%add3A_90, %dma_start3A_100] : memref<10240x64xf32, #tpu.memory_space<vmem_shared>> -> memref<64x64xf32, #tpu.memory_space<vmem_shared>>
      tpu.enqueue_dma source(%dma_start3A_101 : memref<64x64xf32, #tpu.memory_space<vmem_shared>>) target(%arg20 : memref<64x64xf32, #tpu.memory_space<vmem>>) target_semaphore(%run_scoped3A : memref<!tpu.dma_semaphore, #tpu.memory_space<semaphore_mem>>)
      %dma_wait3A = arith.constant 0 : i32
      %dma_wait3A_102 = tpu.memref_slice %arg22[%add3A_90, %dma_wait3A] : memref<10240x64xf32, #tpu.memory_space<vmem_shared>> -> memref<64x64xf32, #tpu.memory_space<vmem_shared>>
      %dma_wait3A_103 = arith.constant 0 : i32
      %dma_wait3A_104 = tpu.memref_slice %arg22[%add3A_90, %dma_wait3A_103] : memref<10240x64xf32, #tpu.memory_space<vmem_shared>> -> memref<64x64xf32, #tpu.memory_space<vmem_shared>>
      tpu.wait_dma2 semaphore(%run_scoped3A : memref<!tpu.dma_semaphore, #tpu.memory_space<semaphore_mem>>) src(%dma_wait3A_104 : memref<64x64xf32, #tpu.memory_space<vmem_shared>>) dst(%arg20 : memref<64x64xf32, #tpu.memory_space<vmem>>)
      tpu.yield
    }) : () -> ()
    "tpu.region"() ({
      %run_scoped3A = tpu.sem_alloc : memref<!tpu.dma_semaphore, #tpu.memory_space<semaphore_mem>>
      %dma_start3A = arith.constant 0 : i32
      %dma_start3A_99 = tpu.memref_slice %arg9[%arg0, %add3A_90, %dma_start3A] : memref<2x10240x64xf32, #tpu.memory_space<hbm>> -> memref<1x64x64xf32, #tpu.memory_space<hbm>>
      %dma_start3A_100 = tpu.memref_squeeze %dma_start3A_99 : memref<1x64x64xf32, #tpu.memory_space<hbm>> -> memref<64x64xf32, #tpu.memory_space<hbm>>
      %dma_start3A_101 = arith.constant 0 : i32
      %dma_start3A_102 = tpu.memref_slice %arg9[%arg0, %add3A_90, %dma_start3A_101] : memref<2x10240x64xf32, #tpu.memory_space<hbm>> -> memref<1x64x64xf32, #tpu.memory_space<hbm>>
      %dma_start3A_103 = tpu.memref_squeeze %dma_start3A_102 : memref<1x64x64xf32, #tpu.memory_space<hbm>> -> memref<64x64xf32, #tpu.memory_space<hbm>>
      tpu.enqueue_dma source(%arg20 : memref<64x64xf32, #tpu.memory_space<vmem>>) target(%dma_start3A_103 : memref<64x64xf32, #tpu.memory_space<hbm>>) target_semaphore(%run_scoped3A : memref<!tpu.dma_semaphore, #tpu.memory_space<semaphore_mem>>)
      %dma_wait3A = arith.constant 0 : i32
      %dma_wait3A_104 = tpu.memref_slice %arg9[%arg0, %add3A_90, %dma_wait3A] : memref<2x10240x64xf32, #tpu.memory_space<hbm>> -> memref<1x64x64xf32, #tpu.memory_space<hbm>>
      %dma_wait3A_105 = tpu.memref_squeeze %dma_wait3A_104 : memref<1x64x64xf32, #tpu.memory_space<hbm>> -> memref<64x64xf32, #tpu.memory_space<hbm>>
      %dma_wait3A_106 = arith.constant 0 : i32
      %dma_wait3A_107 = tpu.memref_slice %arg9[%arg0, %add3A_90, %dma_wait3A_106] : memref<2x10240x64xf32, #tpu.memory_space<hbm>> -> memref<1x64x64xf32, #tpu.memory_space<hbm>>
      %dma_wait3A_108 = tpu.memref_squeeze %dma_wait3A_107 : memref<1x64x64xf32, #tpu.memory_space<hbm>> -> memref<64x64xf32, #tpu.memory_space<hbm>>
      tpu.wait_dma2 semaphore(%run_scoped3A : memref<!tpu.dma_semaphore, #tpu.memory_space<semaphore_mem>>) src(%arg20 : memref<64x64xf32, #tpu.memory_space<vmem>>) dst(%dma_wait3A_108 : memref<64x64xf32, #tpu.memory_space<hbm>>)
      tpu.yield
    }) : () -> ()
    "tpu.region"() ({
      %run_scoped3A = tpu.sem_alloc : memref<!tpu.dma_semaphore, #tpu.memory_space<semaphore_mem>>
      %dma_start3A = arith.constant 0 : i32
      %dma_start3A_99 = tpu.memref_slice %arg23[%add3A_90, %dma_start3A] : memref<10240x8xf32, #tpu.memory_space<vmem_shared>> -> memref<64x8xf32, #tpu.memory_space<vmem_shared>>
      %dma_start3A_100 = arith.constant 0 : i32
      %dma_start3A_101 = tpu.memref_slice %arg23[%add3A_90, %dma_start3A_100] : memref<10240x8xf32, #tpu.memory_space<vmem_shared>> -> memref<64x8xf32, #tpu.memory_space<vmem_shared>>
      tpu.enqueue_dma source(%dma_start3A_101 : memref<64x8xf32, #tpu.memory_space<vmem_shared>>) target(%arg21 : memref<64x8xf32, #tpu.memory_space<vmem>>) target_semaphore(%run_scoped3A : memref<!tpu.dma_semaphore, #tpu.memory_space<semaphore_mem>>)
      %dma_wait3A = arith.constant 0 : i32
      %dma_wait3A_102 = tpu.memref_slice %arg23[%add3A_90, %dma_wait3A] : memref<10240x8xf32, #tpu.memory_space<vmem_shared>> -> memref<64x8xf32, #tpu.memory_space<vmem_shared>>
      %dma_wait3A_103 = arith.constant 0 : i32
      %dma_wait3A_104 = tpu.memref_slice %arg23[%add3A_90, %dma_wait3A_103] : memref<10240x8xf32, #tpu.memory_space<vmem_shared>> -> memref<64x8xf32, #tpu.memory_space<vmem_shared>>
      tpu.wait_dma2 semaphore(%run_scoped3A : memref<!tpu.dma_semaphore, #tpu.memory_space<semaphore_mem>>) src(%dma_wait3A_104 : memref<64x8xf32, #tpu.memory_space<vmem_shared>>) dst(%arg21 : memref<64x8xf32, #tpu.memory_space<vmem>>)
      tpu.yield
    }) : () -> ()
    "tpu.region"() ({
      %run_scoped3A = tpu.sem_alloc : memref<!tpu.dma_semaphore, #tpu.memory_space<semaphore_mem>>
      %dma_start3A = arith.constant 0 : i32
      %dma_start3A_99 = tpu.memref_slice %arg10[%arg0, %add3A_90, %dma_start3A] : memref<2x10240x8xf32, #tpu.memory_space<hbm>> -> memref<1x64x8xf32, #tpu.memory_space<hbm>>
      %dma_start3A_100 = tpu.memref_squeeze %dma_start3A_99 : memref<1x64x8xf32, #tpu.memory_space<hbm>> -> memref<64x8xf32, #tpu.memory_space<hbm>>
      %dma_start3A_101 = arith.constant 0 : i32
      %dma_start3A_102 = tpu.memref_slice %arg10[%arg0, %add3A_90, %dma_start3A_101] : memref<2x10240x8xf32, #tpu.memory_space<hbm>> -> memref<1x64x8xf32, #tpu.memory_space<hbm>>
      %dma_start3A_103 = tpu.memref_squeeze %dma_start3A_102 : memref<1x64x8xf32, #tpu.memory_space<hbm>> -> memref<64x8xf32, #tpu.memory_space<hbm>>
      tpu.enqueue_dma source(%arg21 : memref<64x8xf32, #tpu.memory_space<vmem>>) target(%dma_start3A_103 : memref<64x8xf32, #tpu.memory_space<hbm>>) target_semaphore(%run_scoped3A : memref<!tpu.dma_semaphore, #tpu.memory_space<semaphore_mem>>)
      %dma_wait3A = arith.constant 0 : i32
      %dma_wait3A_104 = tpu.memref_slice %arg10[%arg0, %add3A_90, %dma_wait3A] : memref<2x10240x8xf32, #tpu.memory_space<hbm>> -> memref<1x64x8xf32, #tpu.memory_space<hbm>>
      %dma_wait3A_105 = tpu.memref_squeeze %dma_wait3A_104 : memref<1x64x8xf32, #tpu.memory_space<hbm>> -> memref<64x8xf32, #tpu.memory_space<hbm>>
      %dma_wait3A_106 = arith.constant 0 : i32
      %dma_wait3A_107 = tpu.memref_slice %arg10[%arg0, %add3A_90, %dma_wait3A_106] : memref<2x10240x8xf32, #tpu.memory_space<hbm>> -> memref<1x64x8xf32, #tpu.memory_space<hbm>>
      %dma_wait3A_108 = tpu.memref_squeeze %dma_wait3A_107 : memref<1x64x8xf32, #tpu.memory_space<hbm>> -> memref<64x8xf32, #tpu.memory_space<hbm>>
      tpu.wait_dma2 semaphore(%run_scoped3A : memref<!tpu.dma_semaphore, #tpu.memory_space<semaphore_mem>>) src(%arg21 : memref<64x8xf32, #tpu.memory_space<vmem>>) dst(%dma_wait3A_108 : memref<64x8xf32, #tpu.memory_space<hbm>>)
      tpu.yield
    }) : () -> ()
    %add3A_91 = arith.constant 384 : i32
    %add3A_92 = arith.addi %mul3A_31, %add3A_91 : i32
    "tpu.region"() ({
      %run_scoped3A = tpu.sem_alloc : memref<!tpu.dma_semaphore, #tpu.memory_space<semaphore_mem>>
      %dma_start3A = arith.constant 0 : i32
      %dma_start3A_99 = tpu.memref_slice %arg22[%add3A_92, %dma_start3A] : memref<10240x64xf32, #tpu.memory_space<vmem_shared>> -> memref<64x64xf32, #tpu.memory_space<vmem_shared>>
      %dma_start3A_100 = arith.constant 0 : i32
      %dma_start3A_101 = tpu.memref_slice %arg22[%add3A_92, %dma_start3A_100] : memref<10240x64xf32, #tpu.memory_space<vmem_shared>> -> memref<64x64xf32, #tpu.memory_space<vmem_shared>>
      tpu.enqueue_dma source(%dma_start3A_101 : memref<64x64xf32, #tpu.memory_space<vmem_shared>>) target(%arg20 : memref<64x64xf32, #tpu.memory_space<vmem>>) target_semaphore(%run_scoped3A : memref<!tpu.dma_semaphore, #tpu.memory_space<semaphore_mem>>)
      %dma_wait3A = arith.constant 0 : i32
      %dma_wait3A_102 = tpu.memref_slice %arg22[%add3A_92, %dma_wait3A] : memref<10240x64xf32, #tpu.memory_space<vmem_shared>> -> memref<64x64xf32, #tpu.memory_space<vmem_shared>>
      %dma_wait3A_103 = arith.constant 0 : i32
      %dma_wait3A_104 = tpu.memref_slice %arg22[%add3A_92, %dma_wait3A_103] : memref<10240x64xf32, #tpu.memory_space<vmem_shared>> -> memref<64x64xf32, #tpu.memory_space<vmem_shared>>
      tpu.wait_dma2 semaphore(%run_scoped3A : memref<!tpu.dma_semaphore, #tpu.memory_space<semaphore_mem>>) src(%dma_wait3A_104 : memref<64x64xf32, #tpu.memory_space<vmem_shared>>) dst(%arg20 : memref<64x64xf32, #tpu.memory_space<vmem>>)
      tpu.yield
    }) : () -> ()
    "tpu.region"() ({
      %run_scoped3A = tpu.sem_alloc : memref<!tpu.dma_semaphore, #tpu.memory_space<semaphore_mem>>
      %dma_start3A = arith.constant 0 : i32
      %dma_start3A_99 = tpu.memref_slice %arg9[%arg0, %add3A_92, %dma_start3A] : memref<2x10240x64xf32, #tpu.memory_space<hbm>> -> memref<1x64x64xf32, #tpu.memory_space<hbm>>
      %dma_start3A_100 = tpu.memref_squeeze %dma_start3A_99 : memref<1x64x64xf32, #tpu.memory_space<hbm>> -> memref<64x64xf32, #tpu.memory_space<hbm>>
      %dma_start3A_101 = arith.constant 0 : i32
      %dma_start3A_102 = tpu.memref_slice %arg9[%arg0, %add3A_92, %dma_start3A_101] : memref<2x10240x64xf32, #tpu.memory_space<hbm>> -> memref<1x64x64xf32, #tpu.memory_space<hbm>>
      %dma_start3A_103 = tpu.memref_squeeze %dma_start3A_102 : memref<1x64x64xf32, #tpu.memory_space<hbm>> -> memref<64x64xf32, #tpu.memory_space<hbm>>
      tpu.enqueue_dma source(%arg20 : memref<64x64xf32, #tpu.memory_space<vmem>>) target(%dma_start3A_103 : memref<64x64xf32, #tpu.memory_space<hbm>>) target_semaphore(%run_scoped3A : memref<!tpu.dma_semaphore, #tpu.memory_space<semaphore_mem>>)
      %dma_wait3A = arith.constant 0 : i32
      %dma_wait3A_104 = tpu.memref_slice %arg9[%arg0, %add3A_92, %dma_wait3A] : memref<2x10240x64xf32, #tpu.memory_space<hbm>> -> memref<1x64x64xf32, #tpu.memory_space<hbm>>
      %dma_wait3A_105 = tpu.memref_squeeze %dma_wait3A_104 : memref<1x64x64xf32, #tpu.memory_space<hbm>> -> memref<64x64xf32, #tpu.memory_space<hbm>>
      %dma_wait3A_106 = arith.constant 0 : i32
      %dma_wait3A_107 = tpu.memref_slice %arg9[%arg0, %add3A_92, %dma_wait3A_106] : memref<2x10240x64xf32, #tpu.memory_space<hbm>> -> memref<1x64x64xf32, #tpu.memory_space<hbm>>
      %dma_wait3A_108 = tpu.memref_squeeze %dma_wait3A_107 : memref<1x64x64xf32, #tpu.memory_space<hbm>> -> memref<64x64xf32, #tpu.memory_space<hbm>>
      tpu.wait_dma2 semaphore(%run_scoped3A : memref<!tpu.dma_semaphore, #tpu.memory_space<semaphore_mem>>) src(%arg20 : memref<64x64xf32, #tpu.memory_space<vmem>>) dst(%dma_wait3A_108 : memref<64x64xf32, #tpu.memory_space<hbm>>)
      tpu.yield
    }) : () -> ()
    "tpu.region"() ({
      %run_scoped3A = tpu.sem_alloc : memref<!tpu.dma_semaphore, #tpu.memory_space<semaphore_mem>>
      %dma_start3A = arith.constant 0 : i32
      %dma_start3A_99 = tpu.memref_slice %arg23[%add3A_92, %dma_start3A] : memref<10240x8xf32, #tpu.memory_space<vmem_shared>> -> memref<64x8xf32, #tpu.memory_space<vmem_shared>>
      %dma_start3A_100 = arith.constant 0 : i32
      %dma_start3A_101 = tpu.memref_slice %arg23[%add3A_92, %dma_start3A_100] : memref<10240x8xf32, #tpu.memory_space<vmem_shared>> -> memref<64x8xf32, #tpu.memory_space<vmem_shared>>
      tpu.enqueue_dma source(%dma_start3A_101 : memref<64x8xf32, #tpu.memory_space<vmem_shared>>) target(%arg21 : memref<64x8xf32, #tpu.memory_space<vmem>>) target_semaphore(%run_scoped3A : memref<!tpu.dma_semaphore, #tpu.memory_space<semaphore_mem>>)
      %dma_wait3A = arith.constant 0 : i32
      %dma_wait3A_102 = tpu.memref_slice %arg23[%add3A_92, %dma_wait3A] : memref<10240x8xf32, #tpu.memory_space<vmem_shared>> -> memref<64x8xf32, #tpu.memory_space<vmem_shared>>
      %dma_wait3A_103 = arith.constant 0 : i32
      %dma_wait3A_104 = tpu.memref_slice %arg23[%add3A_92, %dma_wait3A_103] : memref<10240x8xf32, #tpu.memory_space<vmem_shared>> -> memref<64x8xf32, #tpu.memory_space<vmem_shared>>
      tpu.wait_dma2 semaphore(%run_scoped3A : memref<!tpu.dma_semaphore, #tpu.memory_space<semaphore_mem>>) src(%dma_wait3A_104 : memref<64x8xf32, #tpu.memory_space<vmem_shared>>) dst(%arg21 : memref<64x8xf32, #tpu.memory_space<vmem>>)
      tpu.yield
    }) : () -> ()
    "tpu.region"() ({
      %run_scoped3A = tpu.sem_alloc : memref<!tpu.dma_semaphore, #tpu.memory_space<semaphore_mem>>
      %dma_start3A = arith.constant 0 : i32
      %dma_start3A_99 = tpu.memref_slice %arg10[%arg0, %add3A_92, %dma_start3A] : memref<2x10240x8xf32, #tpu.memory_space<hbm>> -> memref<1x64x8xf32, #tpu.memory_space<hbm>>
      %dma_start3A_100 = tpu.memref_squeeze %dma_start3A_99 : memref<1x64x8xf32, #tpu.memory_space<hbm>> -> memref<64x8xf32, #tpu.memory_space<hbm>>
      %dma_start3A_101 = arith.constant 0 : i32
      %dma_start3A_102 = tpu.memref_slice %arg10[%arg0, %add3A_92, %dma_start3A_101] : memref<2x10240x8xf32, #tpu.memory_space<hbm>> -> memref<1x64x8xf32, #tpu.memory_space<hbm>>
      %dma_start3A_103 = tpu.memref_squeeze %dma_start3A_102 : memref<1x64x8xf32, #tpu.memory_space<hbm>> -> memref<64x8xf32, #tpu.memory_space<hbm>>
      tpu.enqueue_dma source(%arg21 : memref<64x8xf32, #tpu.memory_space<vmem>>) target(%dma_start3A_103 : memref<64x8xf32, #tpu.memory_space<hbm>>) target_semaphore(%run_scoped3A : memref<!tpu.dma_semaphore, #tpu.memory_space<semaphore_mem>>)
      %dma_wait3A = arith.constant 0 : i32
      %dma_wait3A_104 = tpu.memref_slice %arg10[%arg0, %add3A_92, %dma_wait3A] : memref<2x10240x8xf32, #tpu.memory_space<hbm>> -> memref<1x64x8xf32, #tpu.memory_space<hbm>>
      %dma_wait3A_105 = tpu.memref_squeeze %dma_wait3A_104 : memref<1x64x8xf32, #tpu.memory_space<hbm>> -> memref<64x8xf32, #tpu.memory_space<hbm>>
      %dma_wait3A_106 = arith.constant 0 : i32
      %dma_wait3A_107 = tpu.memref_slice %arg10[%arg0, %add3A_92, %dma_wait3A_106] : memref<2x10240x8xf32, #tpu.memory_space<hbm>> -> memref<1x64x8xf32, #tpu.memory_space<hbm>>
      %dma_wait3A_108 = tpu.memref_squeeze %dma_wait3A_107 : memref<1x64x8xf32, #tpu.memory_space<hbm>> -> memref<64x8xf32, #tpu.memory_space<hbm>>
      tpu.wait_dma2 semaphore(%run_scoped3A : memref<!tpu.dma_semaphore, #tpu.memory_space<semaphore_mem>>) src(%arg21 : memref<64x8xf32, #tpu.memory_space<vmem>>) dst(%dma_wait3A_108 : memref<64x8xf32, #tpu.memory_space<hbm>>)
      tpu.yield
    }) : () -> ()
    %add3A_93 = arith.constant 448 : i32
    %add3A_94 = arith.addi %mul3A_31, %add3A_93 : i32
    "tpu.region"() ({
      %run_scoped3A = tpu.sem_alloc : memref<!tpu.dma_semaphore, #tpu.memory_space<semaphore_mem>>
      %dma_start3A = arith.constant 0 : i32
      %dma_start3A_99 = tpu.memref_slice %arg22[%add3A_94, %dma_start3A] : memref<10240x64xf32, #tpu.memory_space<vmem_shared>> -> memref<64x64xf32, #tpu.memory_space<vmem_shared>>
      %dma_start3A_100 = arith.constant 0 : i32
      %dma_start3A_101 = tpu.memref_slice %arg22[%add3A_94, %dma_start3A_100] : memref<10240x64xf32, #tpu.memory_space<vmem_shared>> -> memref<64x64xf32, #tpu.memory_space<vmem_shared>>
      tpu.enqueue_dma source(%dma_start3A_101 : memref<64x64xf32, #tpu.memory_space<vmem_shared>>) target(%arg20 : memref<64x64xf32, #tpu.memory_space<vmem>>) target_semaphore(%run_scoped3A : memref<!tpu.dma_semaphore, #tpu.memory_space<semaphore_mem>>)
      %dma_wait3A = arith.constant 0 : i32
      %dma_wait3A_102 = tpu.memref_slice %arg22[%add3A_94, %dma_wait3A] : memref<10240x64xf32, #tpu.memory_space<vmem_shared>> -> memref<64x64xf32, #tpu.memory_space<vmem_shared>>
      %dma_wait3A_103 = arith.constant 0 : i32
      %dma_wait3A_104 = tpu.memref_slice %arg22[%add3A_94, %dma_wait3A_103] : memref<10240x64xf32, #tpu.memory_space<vmem_shared>> -> memref<64x64xf32, #tpu.memory_space<vmem_shared>>
      tpu.wait_dma2 semaphore(%run_scoped3A : memref<!tpu.dma_semaphore, #tpu.memory_space<semaphore_mem>>) src(%dma_wait3A_104 : memref<64x64xf32, #tpu.memory_space<vmem_shared>>) dst(%arg20 : memref<64x64xf32, #tpu.memory_space<vmem>>)
      tpu.yield
    }) : () -> ()
    "tpu.region"() ({
      %run_scoped3A = tpu.sem_alloc : memref<!tpu.dma_semaphore, #tpu.memory_space<semaphore_mem>>
      %dma_start3A = arith.constant 0 : i32
      %dma_start3A_99 = tpu.memref_slice %arg9[%arg0, %add3A_94, %dma_start3A] : memref<2x10240x64xf32, #tpu.memory_space<hbm>> -> memref<1x64x64xf32, #tpu.memory_space<hbm>>
      %dma_start3A_100 = tpu.memref_squeeze %dma_start3A_99 : memref<1x64x64xf32, #tpu.memory_space<hbm>> -> memref<64x64xf32, #tpu.memory_space<hbm>>
      %dma_start3A_101 = arith.constant 0 : i32
      %dma_start3A_102 = tpu.memref_slice %arg9[%arg0, %add3A_94, %dma_start3A_101] : memref<2x10240x64xf32, #tpu.memory_space<hbm>> -> memref<1x64x64xf32, #tpu.memory_space<hbm>>
      %dma_start3A_103 = tpu.memref_squeeze %dma_start3A_102 : memref<1x64x64xf32, #tpu.memory_space<hbm>> -> memref<64x64xf32, #tpu.memory_space<hbm>>
      tpu.enqueue_dma source(%arg20 : memref<64x64xf32, #tpu.memory_space<vmem>>) target(%dma_start3A_103 : memref<64x64xf32, #tpu.memory_space<hbm>>) target_semaphore(%run_scoped3A : memref<!tpu.dma_semaphore, #tpu.memory_space<semaphore_mem>>)
      %dma_wait3A = arith.constant 0 : i32
      %dma_wait3A_104 = tpu.memref_slice %arg9[%arg0, %add3A_94, %dma_wait3A] : memref<2x10240x64xf32, #tpu.memory_space<hbm>> -> memref<1x64x64xf32, #tpu.memory_space<hbm>>
      %dma_wait3A_105 = tpu.memref_squeeze %dma_wait3A_104 : memref<1x64x64xf32, #tpu.memory_space<hbm>> -> memref<64x64xf32, #tpu.memory_space<hbm>>
      %dma_wait3A_106 = arith.constant 0 : i32
      %dma_wait3A_107 = tpu.memref_slice %arg9[%arg0, %add3A_94, %dma_wait3A_106] : memref<2x10240x64xf32, #tpu.memory_space<hbm>> -> memref<1x64x64xf32, #tpu.memory_space<hbm>>
      %dma_wait3A_108 = tpu.memref_squeeze %dma_wait3A_107 : memref<1x64x64xf32, #tpu.memory_space<hbm>> -> memref<64x64xf32, #tpu.memory_space<hbm>>
      tpu.wait_dma2 semaphore(%run_scoped3A : memref<!tpu.dma_semaphore, #tpu.memory_space<semaphore_mem>>) src(%arg20 : memref<64x64xf32, #tpu.memory_space<vmem>>) dst(%dma_wait3A_108 : memref<64x64xf32, #tpu.memory_space<hbm>>)
      tpu.yield
    }) : () -> ()
    "tpu.region"() ({
      %run_scoped3A = tpu.sem_alloc : memref<!tpu.dma_semaphore, #tpu.memory_space<semaphore_mem>>
      %dma_start3A = arith.constant 0 : i32
      %dma_start3A_99 = tpu.memref_slice %arg23[%add3A_94, %dma_start3A] : memref<10240x8xf32, #tpu.memory_space<vmem_shared>> -> memref<64x8xf32, #tpu.memory_space<vmem_shared>>
      %dma_start3A_100 = arith.constant 0 : i32
      %dma_start3A_101 = tpu.memref_slice %arg23[%add3A_94, %dma_start3A_100] : memref<10240x8xf32, #tpu.memory_space<vmem_shared>> -> memref<64x8xf32, #tpu.memory_space<vmem_shared>>
      tpu.enqueue_dma source(%dma_start3A_101 : memref<64x8xf32, #tpu.memory_space<vmem_shared>>) target(%arg21 : memref<64x8xf32, #tpu.memory_space<vmem>>) target_semaphore(%run_scoped3A : memref<!tpu.dma_semaphore, #tpu.memory_space<semaphore_mem>>)
      %dma_wait3A = arith.constant 0 : i32
      %dma_wait3A_102 = tpu.memref_slice %arg23[%add3A_94, %dma_wait3A] : memref<10240x8xf32, #tpu.memory_space<vmem_shared>> -> memref<64x8xf32, #tpu.memory_space<vmem_shared>>
      %dma_wait3A_103 = arith.constant 0 : i32
      %dma_wait3A_104 = tpu.memref_slice %arg23[%add3A_94, %dma_wait3A_103] : memref<10240x8xf32, #tpu.memory_space<vmem_shared>> -> memref<64x8xf32, #tpu.memory_space<vmem_shared>>
      tpu.wait_dma2 semaphore(%run_scoped3A : memref<!tpu.dma_semaphore, #tpu.memory_space<semaphore_mem>>) src(%dma_wait3A_104 : memref<64x8xf32, #tpu.memory_space<vmem_shared>>) dst(%arg21 : memref<64x8xf32, #tpu.memory_space<vmem>>)
      tpu.yield
    }) : () -> ()
    "tpu.region"() ({
      %run_scoped3A = tpu.sem_alloc : memref<!tpu.dma_semaphore, #tpu.memory_space<semaphore_mem>>
      %dma_start3A = arith.constant 0 : i32
      %dma_start3A_99 = tpu.memref_slice %arg10[%arg0, %add3A_94, %dma_start3A] : memref<2x10240x8xf32, #tpu.memory_space<hbm>> -> memref<1x64x8xf32, #tpu.memory_space<hbm>>
      %dma_start3A_100 = tpu.memref_squeeze %dma_start3A_99 : memref<1x64x8xf32, #tpu.memory_space<hbm>> -> memref<64x8xf32, #tpu.memory_space<hbm>>
      %dma_start3A_101 = arith.constant 0 : i32
      %dma_start3A_102 = tpu.memref_slice %arg10[%arg0, %add3A_94, %dma_start3A_101] : memref<2x10240x8xf32, #tpu.memory_space<hbm>> -> memref<1x64x8xf32, #tpu.memory_space<hbm>>
      %dma_start3A_103 = tpu.memref_squeeze %dma_start3A_102 : memref<1x64x8xf32, #tpu.memory_space<hbm>> -> memref<64x8xf32, #tpu.memory_space<hbm>>
      tpu.enqueue_dma source(%arg21 : memref<64x8xf32, #tpu.memory_space<vmem>>) target(%dma_start3A_103 : memref<64x8xf32, #tpu.memory_space<hbm>>) target_semaphore(%run_scoped3A : memref<!tpu.dma_semaphore, #tpu.memory_space<semaphore_mem>>)
      %dma_wait3A = arith.constant 0 : i32
      %dma_wait3A_104 = tpu.memref_slice %arg10[%arg0, %add3A_94, %dma_wait3A] : memref<2x10240x8xf32, #tpu.memory_space<hbm>> -> memref<1x64x8xf32, #tpu.memory_space<hbm>>
      %dma_wait3A_105 = tpu.memref_squeeze %dma_wait3A_104 : memref<1x64x8xf32, #tpu.memory_space<hbm>> -> memref<64x8xf32, #tpu.memory_space<hbm>>
      %dma_wait3A_106 = arith.constant 0 : i32
      %dma_wait3A_107 = tpu.memref_slice %arg10[%arg0, %add3A_94, %dma_wait3A_106] : memref<2x10240x8xf32, #tpu.memory_space<hbm>> -> memref<1x64x8xf32, #tpu.memory_space<hbm>>
      %dma_wait3A_108 = tpu.memref_squeeze %dma_wait3A_107 : memref<1x64x8xf32, #tpu.memory_space<hbm>> -> memref<64x8xf32, #tpu.memory_space<hbm>>
      tpu.wait_dma2 semaphore(%run_scoped3A : memref<!tpu.dma_semaphore, #tpu.memory_space<semaphore_mem>>) src(%arg21 : memref<64x8xf32, #tpu.memory_space<vmem>>) dst(%dma_wait3A_108 : memref<64x8xf32, #tpu.memory_space<hbm>>)
      tpu.yield
    }) : () -> ()
    %add3A_95 = arith.constant 512 : i32
    %add3A_96 = arith.addi %mul3A_31, %add3A_95 : i32
    "tpu.region"() ({
      %run_scoped3A = tpu.sem_alloc : memref<!tpu.dma_semaphore, #tpu.memory_space<semaphore_mem>>
      %dma_start3A = arith.constant 0 : i32
      %dma_start3A_99 = tpu.memref_slice %arg22[%add3A_96, %dma_start3A] : memref<10240x64xf32, #tpu.memory_space<vmem_shared>> -> memref<64x64xf32, #tpu.memory_space<vmem_shared>>
      %dma_start3A_100 = arith.constant 0 : i32
      %dma_start3A_101 = tpu.memref_slice %arg22[%add3A_96, %dma_start3A_100] : memref<10240x64xf32, #tpu.memory_space<vmem_shared>> -> memref<64x64xf32, #tpu.memory_space<vmem_shared>>
      tpu.enqueue_dma source(%dma_start3A_101 : memref<64x64xf32, #tpu.memory_space<vmem_shared>>) target(%arg20 : memref<64x64xf32, #tpu.memory_space<vmem>>) target_semaphore(%run_scoped3A : memref<!tpu.dma_semaphore, #tpu.memory_space<semaphore_mem>>)
      %dma_wait3A = arith.constant 0 : i32
      %dma_wait3A_102 = tpu.memref_slice %arg22[%add3A_96, %dma_wait3A] : memref<10240x64xf32, #tpu.memory_space<vmem_shared>> -> memref<64x64xf32, #tpu.memory_space<vmem_shared>>
      %dma_wait3A_103 = arith.constant 0 : i32
      %dma_wait3A_104 = tpu.memref_slice %arg22[%add3A_96, %dma_wait3A_103] : memref<10240x64xf32, #tpu.memory_space<vmem_shared>> -> memref<64x64xf32, #tpu.memory_space<vmem_shared>>
      tpu.wait_dma2 semaphore(%run_scoped3A : memref<!tpu.dma_semaphore, #tpu.memory_space<semaphore_mem>>) src(%dma_wait3A_104 : memref<64x64xf32, #tpu.memory_space<vmem_shared>>) dst(%arg20 : memref<64x64xf32, #tpu.memory_space<vmem>>)
      tpu.yield
    }) : () -> ()
    "tpu.region"() ({
      %run_scoped3A = tpu.sem_alloc : memref<!tpu.dma_semaphore, #tpu.memory_space<semaphore_mem>>
      %dma_start3A = arith.constant 0 : i32
      %dma_start3A_99 = tpu.memref_slice %arg9[%arg0, %add3A_96, %dma_start3A] : memref<2x10240x64xf32, #tpu.memory_space<hbm>> -> memref<1x64x64xf32, #tpu.memory_space<hbm>>
      %dma_start3A_100 = tpu.memref_squeeze %dma_start3A_99 : memref<1x64x64xf32, #tpu.memory_space<hbm>> -> memref<64x64xf32, #tpu.memory_space<hbm>>
      %dma_start3A_101 = arith.constant 0 : i32
      %dma_start3A_102 = tpu.memref_slice %arg9[%arg0, %add3A_96, %dma_start3A_101] : memref<2x10240x64xf32, #tpu.memory_space<hbm>> -> memref<1x64x64xf32, #tpu.memory_space<hbm>>
      %dma_start3A_103 = tpu.memref_squeeze %dma_start3A_102 : memref<1x64x64xf32, #tpu.memory_space<hbm>> -> memref<64x64xf32, #tpu.memory_space<hbm>>
      tpu.enqueue_dma source(%arg20 : memref<64x64xf32, #tpu.memory_space<vmem>>) target(%dma_start3A_103 : memref<64x64xf32, #tpu.memory_space<hbm>>) target_semaphore(%run_scoped3A : memref<!tpu.dma_semaphore, #tpu.memory_space<semaphore_mem>>)
      %dma_wait3A = arith.constant 0 : i32
      %dma_wait3A_104 = tpu.memref_slice %arg9[%arg0, %add3A_96, %dma_wait3A] : memref<2x10240x64xf32, #tpu.memory_space<hbm>> -> memref<1x64x64xf32, #tpu.memory_space<hbm>>
      %dma_wait3A_105 = tpu.memref_squeeze %dma_wait3A_104 : memref<1x64x64xf32, #tpu.memory_space<hbm>> -> memref<64x64xf32, #tpu.memory_space<hbm>>
      %dma_wait3A_106 = arith.constant 0 : i32
      %dma_wait3A_107 = tpu.memref_slice %arg9[%arg0, %add3A_96, %dma_wait3A_106] : memref<2x10240x64xf32, #tpu.memory_space<hbm>> -> memref<1x64x64xf32, #tpu.memory_space<hbm>>
      %dma_wait3A_108 = tpu.memref_squeeze %dma_wait3A_107 : memref<1x64x64xf32, #tpu.memory_space<hbm>> -> memref<64x64xf32, #tpu.memory_space<hbm>>
      tpu.wait_dma2 semaphore(%run_scoped3A : memref<!tpu.dma_semaphore, #tpu.memory_space<semaphore_mem>>) src(%arg20 : memref<64x64xf32, #tpu.memory_space<vmem>>) dst(%dma_wait3A_108 : memref<64x64xf32, #tpu.memory_space<hbm>>)
      tpu.yield
    }) : () -> ()
    "tpu.region"() ({
      %run_scoped3A = tpu.sem_alloc : memref<!tpu.dma_semaphore, #tpu.memory_space<semaphore_mem>>
      %dma_start3A = arith.constant 0 : i32
      %dma_start3A_99 = tpu.memref_slice %arg23[%add3A_96, %dma_start3A] : memref<10240x8xf32, #tpu.memory_space<vmem_shared>> -> memref<64x8xf32, #tpu.memory_space<vmem_shared>>
      %dma_start3A_100 = arith.constant 0 : i32
      %dma_start3A_101 = tpu.memref_slice %arg23[%add3A_96, %dma_start3A_100] : memref<10240x8xf32, #tpu.memory_space<vmem_shared>> -> memref<64x8xf32, #tpu.memory_space<vmem_shared>>
      tpu.enqueue_dma source(%dma_start3A_101 : memref<64x8xf32, #tpu.memory_space<vmem_shared>>) target(%arg21 : memref<64x8xf32, #tpu.memory_space<vmem>>) target_semaphore(%run_scoped3A : memref<!tpu.dma_semaphore, #tpu.memory_space<semaphore_mem>>)
      %dma_wait3A = arith.constant 0 : i32
      %dma_wait3A_102 = tpu.memref_slice %arg23[%add3A_96, %dma_wait3A] : memref<10240x8xf32, #tpu.memory_space<vmem_shared>> -> memref<64x8xf32, #tpu.memory_space<vmem_shared>>
      %dma_wait3A_103 = arith.constant 0 : i32
      %dma_wait3A_104 = tpu.memref_slice %arg23[%add3A_96, %dma_wait3A_103] : memref<10240x8xf32, #tpu.memory_space<vmem_shared>> -> memref<64x8xf32, #tpu.memory_space<vmem_shared>>
      tpu.wait_dma2 semaphore(%run_scoped3A : memref<!tpu.dma_semaphore, #tpu.memory_space<semaphore_mem>>) src(%dma_wait3A_104 : memref<64x8xf32, #tpu.memory_space<vmem_shared>>) dst(%arg21 : memref<64x8xf32, #tpu.memory_space<vmem>>)
      tpu.yield
    }) : () -> ()
    "tpu.region"() ({
      %run_scoped3A = tpu.sem_alloc : memref<!tpu.dma_semaphore, #tpu.memory_space<semaphore_mem>>
      %dma_start3A = arith.constant 0 : i32
      %dma_start3A_99 = tpu.memref_slice %arg10[%arg0, %add3A_96, %dma_start3A] : memref<2x10240x8xf32, #tpu.memory_space<hbm>> -> memref<1x64x8xf32, #tpu.memory_space<hbm>>
      %dma_start3A_100 = tpu.memref_squeeze %dma_start3A_99 : memref<1x64x8xf32, #tpu.memory_space<hbm>> -> memref<64x8xf32, #tpu.memory_space<hbm>>
      %dma_start3A_101 = arith.constant 0 : i32
      %dma_start3A_102 = tpu.memref_slice %arg10[%arg0, %add3A_96, %dma_start3A_101] : memref<2x10240x8xf32, #tpu.memory_space<hbm>> -> memref<1x64x8xf32, #tpu.memory_space<hbm>>
      %dma_start3A_103 = tpu.memref_squeeze %dma_start3A_102 : memref<1x64x8xf32, #tpu.memory_space<hbm>> -> memref<64x8xf32, #tpu.memory_space<hbm>>
      tpu.enqueue_dma source(%arg21 : memref<64x8xf32, #tpu.memory_space<vmem>>) target(%dma_start3A_103 : memref<64x8xf32, #tpu.memory_space<hbm>>) target_semaphore(%run_scoped3A : memref<!tpu.dma_semaphore, #tpu.memory_space<semaphore_mem>>)
      %dma_wait3A = arith.constant 0 : i32
      %dma_wait3A_104 = tpu.memref_slice %arg10[%arg0, %add3A_96, %dma_wait3A] : memref<2x10240x8xf32, #tpu.memory_space<hbm>> -> memref<1x64x8xf32, #tpu.memory_space<hbm>>
      %dma_wait3A_105 = tpu.memref_squeeze %dma_wait3A_104 : memref<1x64x8xf32, #tpu.memory_space<hbm>> -> memref<64x8xf32, #tpu.memory_space<hbm>>
      %dma_wait3A_106 = arith.constant 0 : i32
      %dma_wait3A_107 = tpu.memref_slice %arg10[%arg0, %add3A_96, %dma_wait3A_106] : memref<2x10240x8xf32, #tpu.memory_space<hbm>> -> memref<1x64x8xf32, #tpu.memory_space<hbm>>
      %dma_wait3A_108 = tpu.memref_squeeze %dma_wait3A_107 : memref<1x64x8xf32, #tpu.memory_space<hbm>> -> memref<64x8xf32, #tpu.memory_space<hbm>>
      tpu.wait_dma2 semaphore(%run_scoped3A : memref<!tpu.dma_semaphore, #tpu.memory_space<semaphore_mem>>) src(%arg21 : memref<64x8xf32, #tpu.memory_space<vmem>>) dst(%dma_wait3A_108 : memref<64x8xf32, #tpu.memory_space<hbm>>)
      tpu.yield
    }) : () -> ()
    %add3A_97 = arith.constant 576 : i32
    %add3A_98 = arith.addi %mul3A_31, %add3A_97 : i32
    "tpu.region"() ({
      %run_scoped3A = tpu.sem_alloc : memref<!tpu.dma_semaphore, #tpu.memory_space<semaphore_mem>>
      %dma_start3A = arith.constant 0 : i32
      %dma_start3A_99 = tpu.memref_slice %arg22[%add3A_98, %dma_start3A] : memref<10240x64xf32, #tpu.memory_space<vmem_shared>> -> memref<64x64xf32, #tpu.memory_space<vmem_shared>>
      %dma_start3A_100 = arith.constant 0 : i32
      %dma_start3A_101 = tpu.memref_slice %arg22[%add3A_98, %dma_start3A_100] : memref<10240x64xf32, #tpu.memory_space<vmem_shared>> -> memref<64x64xf32, #tpu.memory_space<vmem_shared>>
      tpu.enqueue_dma source(%dma_start3A_101 : memref<64x64xf32, #tpu.memory_space<vmem_shared>>) target(%arg20 : memref<64x64xf32, #tpu.memory_space<vmem>>) target_semaphore(%run_scoped3A : memref<!tpu.dma_semaphore, #tpu.memory_space<semaphore_mem>>)
      %dma_wait3A = arith.constant 0 : i32
      %dma_wait3A_102 = tpu.memref_slice %arg22[%add3A_98, %dma_wait3A] : memref<10240x64xf32, #tpu.memory_space<vmem_shared>> -> memref<64x64xf32, #tpu.memory_space<vmem_shared>>
      %dma_wait3A_103 = arith.constant 0 : i32
      %dma_wait3A_104 = tpu.memref_slice %arg22[%add3A_98, %dma_wait3A_103] : memref<10240x64xf32, #tpu.memory_space<vmem_shared>> -> memref<64x64xf32, #tpu.memory_space<vmem_shared>>
      tpu.wait_dma2 semaphore(%run_scoped3A : memref<!tpu.dma_semaphore, #tpu.memory_space<semaphore_mem>>) src(%dma_wait3A_104 : memref<64x64xf32, #tpu.memory_space<vmem_shared>>) dst(%arg20 : memref<64x64xf32, #tpu.memory_space<vmem>>)
      tpu.yield
    }) : () -> ()
    "tpu.region"() ({
      %run_scoped3A = tpu.sem_alloc : memref<!tpu.dma_semaphore, #tpu.memory_space<semaphore_mem>>
      %dma_start3A = arith.constant 0 : i32
      %dma_start3A_99 = tpu.memref_slice %arg9[%arg0, %add3A_98, %dma_start3A] : memref<2x10240x64xf32, #tpu.memory_space<hbm>> -> memref<1x64x64xf32, #tpu.memory_space<hbm>>
      %dma_start3A_100 = tpu.memref_squeeze %dma_start3A_99 : memref<1x64x64xf32, #tpu.memory_space<hbm>> -> memref<64x64xf32, #tpu.memory_space<hbm>>
      %dma_start3A_101 = arith.constant 0 : i32
      %dma_start3A_102 = tpu.memref_slice %arg9[%arg0, %add3A_98, %dma_start3A_101] : memref<2x10240x64xf32, #tpu.memory_space<hbm>> -> memref<1x64x64xf32, #tpu.memory_space<hbm>>
      %dma_start3A_103 = tpu.memref_squeeze %dma_start3A_102 : memref<1x64x64xf32, #tpu.memory_space<hbm>> -> memref<64x64xf32, #tpu.memory_space<hbm>>
      tpu.enqueue_dma source(%arg20 : memref<64x64xf32, #tpu.memory_space<vmem>>) target(%dma_start3A_103 : memref<64x64xf32, #tpu.memory_space<hbm>>) target_semaphore(%run_scoped3A : memref<!tpu.dma_semaphore, #tpu.memory_space<semaphore_mem>>)
      %dma_wait3A = arith.constant 0 : i32
      %dma_wait3A_104 = tpu.memref_slice %arg9[%arg0, %add3A_98, %dma_wait3A] : memref<2x10240x64xf32, #tpu.memory_space<hbm>> -> memref<1x64x64xf32, #tpu.memory_space<hbm>>
      %dma_wait3A_105 = tpu.memref_squeeze %dma_wait3A_104 : memref<1x64x64xf32, #tpu.memory_space<hbm>> -> memref<64x64xf32, #tpu.memory_space<hbm>>
      %dma_wait3A_106 = arith.constant 0 : i32
      %dma_wait3A_107 = tpu.memref_slice %arg9[%arg0, %add3A_98, %dma_wait3A_106] : memref<2x10240x64xf32, #tpu.memory_space<hbm>> -> memref<1x64x64xf32, #tpu.memory_space<hbm>>
      %dma_wait3A_108 = tpu.memref_squeeze %dma_wait3A_107 : memref<1x64x64xf32, #tpu.memory_space<hbm>> -> memref<64x64xf32, #tpu.memory_space<hbm>>
      tpu.wait_dma2 semaphore(%run_scoped3A : memref<!tpu.dma_semaphore, #tpu.memory_space<semaphore_mem>>) src(%arg20 : memref<64x64xf32, #tpu.memory_space<vmem>>) dst(%dma_wait3A_108 : memref<64x64xf32, #tpu.memory_space<hbm>>)
      tpu.yield
    }) : () -> ()
    "tpu.region"() ({
      %run_scoped3A = tpu.sem_alloc : memref<!tpu.dma_semaphore, #tpu.memory_space<semaphore_mem>>
      %dma_start3A = arith.constant 0 : i32
      %dma_start3A_99 = tpu.memref_slice %arg23[%add3A_98, %dma_start3A] : memref<10240x8xf32, #tpu.memory_space<vmem_shared>> -> memref<64x8xf32, #tpu.memory_space<vmem_shared>>
      %dma_start3A_100 = arith.constant 0 : i32
      %dma_start3A_101 = tpu.memref_slice %arg23[%add3A_98, %dma_start3A_100] : memref<10240x8xf32, #tpu.memory_space<vmem_shared>> -> memref<64x8xf32, #tpu.memory_space<vmem_shared>>
      tpu.enqueue_dma source(%dma_start3A_101 : memref<64x8xf32, #tpu.memory_space<vmem_shared>>) target(%arg21 : memref<64x8xf32, #tpu.memory_space<vmem>>) target_semaphore(%run_scoped3A : memref<!tpu.dma_semaphore, #tpu.memory_space<semaphore_mem>>)
      %dma_wait3A = arith.constant 0 : i32
      %dma_wait3A_102 = tpu.memref_slice %arg23[%add3A_98, %dma_wait3A] : memref<10240x8xf32, #tpu.memory_space<vmem_shared>> -> memref<64x8xf32, #tpu.memory_space<vmem_shared>>
      %dma_wait3A_103 = arith.constant 0 : i32
      %dma_wait3A_104 = tpu.memref_slice %arg23[%add3A_98, %dma_wait3A_103] : memref<10240x8xf32, #tpu.memory_space<vmem_shared>> -> memref<64x8xf32, #tpu.memory_space<vmem_shared>>
      tpu.wait_dma2 semaphore(%run_scoped3A : memref<!tpu.dma_semaphore, #tpu.memory_space<semaphore_mem>>) src(%dma_wait3A_104 : memref<64x8xf32, #tpu.memory_space<vmem_shared>>) dst(%arg21 : memref<64x8xf32, #tpu.memory_space<vmem>>)
      tpu.yield
    }) : () -> ()
    "tpu.region"() ({
      %run_scoped3A = tpu.sem_alloc : memref<!tpu.dma_semaphore, #tpu.memory_space<semaphore_mem>>
      %dma_start3A = arith.constant 0 : i32
      %dma_start3A_99 = tpu.memref_slice %arg10[%arg0, %add3A_98, %dma_start3A] : memref<2x10240x8xf32, #tpu.memory_space<hbm>> -> memref<1x64x8xf32, #tpu.memory_space<hbm>>
      %dma_start3A_100 = tpu.memref_squeeze %dma_start3A_99 : memref<1x64x8xf32, #tpu.memory_space<hbm>> -> memref<64x8xf32, #tpu.memory_space<hbm>>
      %dma_start3A_101 = arith.constant 0 : i32
      %dma_start3A_102 = tpu.memref_slice %arg10[%arg0, %add3A_98, %dma_start3A_101] : memref<2x10240x8xf32, #tpu.memory_space<hbm>> -> memref<1x64x8xf32, #tpu.memory_space<hbm>>
      %dma_start3A_103 = tpu.memref_squeeze %dma_start3A_102 : memref<1x64x8xf32, #tpu.memory_space<hbm>> -> memref<64x8xf32, #tpu.memory_space<hbm>>
      tpu.enqueue_dma source(%arg21 : memref<64x8xf32, #tpu.memory_space<vmem>>) target(%dma_start3A_103 : memref<64x8xf32, #tpu.memory_space<hbm>>) target_semaphore(%run_scoped3A : memref<!tpu.dma_semaphore, #tpu.memory_space<semaphore_mem>>)
      %dma_wait3A = arith.constant 0 : i32
      %dma_wait3A_104 = tpu.memref_slice %arg10[%arg0, %add3A_98, %dma_wait3A] : memref<2x10240x8xf32, #tpu.memory_space<hbm>> -> memref<1x64x8xf32, #tpu.memory_space<hbm>>
      %dma_wait3A_105 = tpu.memref_squeeze %dma_wait3A_104 : memref<1x64x8xf32, #tpu.memory_space<hbm>> -> memref<64x8xf32, #tpu.memory_space<hbm>>
      %dma_wait3A_106 = arith.constant 0 : i32
      %dma_wait3A_107 = tpu.memref_slice %arg10[%arg0, %add3A_98, %dma_wait3A_106] : memref<2x10240x8xf32, #tpu.memory_space<hbm>> -> memref<1x64x8xf32, #tpu.memory_space<hbm>>
      %dma_wait3A_108 = tpu.memref_squeeze %dma_wait3A_107 : memref<1x64x8xf32, #tpu.memory_space<hbm>> -> memref<64x8xf32, #tpu.memory_space<hbm>>
      tpu.wait_dma2 semaphore(%run_scoped3A : memref<!tpu.dma_semaphore, #tpu.memory_space<semaphore_mem>>) src(%arg21 : memref<64x8xf32, #tpu.memory_space<vmem>>) dst(%dma_wait3A_108 : memref<64x8xf32, #tpu.memory_space<hbm>>)
      tpu.yield
    }) : () -> ()
    return
  }
}

module attributes {stable_mosaic.version = 14 : i64} {
  func.func @_prep_body(%arg0: memref<10000x128xf32, #tpu.memory_space<vmem>>, %arg1: memref<128x64xf32, #tpu.memory_space<vmem>>, %arg2: memref<8x8xf32, #tpu.memory_space<vmem>>, %arg3: memref<8x8xf32, #tpu.memory_space<vmem>>, %arg4: memref<2x320000xf32, #tpu.memory_space<vmem>>, %arg5: memref<2x64xf32, #tpu.memory_space<vmem>>, %arg6: memref<8x8xf32, #tpu.memory_space<vmem>>, %arg7: memref<10240x72xf32, #tpu.memory_space<vmem>>, %arg8: memref<10240x8xf32, #tpu.memory_space<vmem>>, %arg9: memref<2x8xf32, #tpu.memory_space<vmem>>, %arg10: memref<1x8xf32, #tpu.memory_space<vmem>>) attributes {dimension_semantics = [], scalar_prefetch = 0 : i64, scratch_operands = 0 : i64, tpu.core_type = #tpu.core_type<tc>} {
    %get3A = arith.constant 0 : index
    %get3A_0 = arith.constant 0 : index
    %get3A_1 = vector.load %arg1[%get3A, %get3A_0] : memref<128x64xf32, #tpu.memory_space<vmem>>, vector<128x8xf32>
    %get3A_2 = arith.constant 0 : index
    %get3A_3 = arith.constant 0 : index
    %get3A_4 = vector.load %arg2[%get3A_2, %get3A_3] : memref<8x8xf32, #tpu.memory_space<vmem>>, vector<1x8xf32>
    %mul3A = vector.broadcast %get3A_4 : vector<1x8xf32> to vector<128x8xf32>
    %mul3A_5 = arith.mulf %get3A_1, %mul3A : vector<128x8xf32>
    %reduce_sum3A = arith.constant dense<0.000000e+00> : vector<128xf32>
    %reduce_sum3A_6 = vector.multi_reduction <add>, %mul3A_5, %reduce_sum3A [1] : vector<128x8xf32> to vector<128xf32>
    %broadcast_in_dim3A = vector.shape_cast %reduce_sum3A_6 : vector<128xf32> to vector<128x1xf32>
    %get3A_7 = arith.constant 0 : index
    %get3A_8 = arith.constant 0 : index
    %get3A_9 = vector.load %arg3[%get3A_7, %get3A_8] : memref<8x8xf32, #tpu.memory_space<vmem>>, vector<1x8xf32>
    %mul3A_10 = vector.broadcast %get3A_9 : vector<1x8xf32> to vector<128x8xf32>
    %mul3A_11 = arith.mulf %get3A_1, %mul3A_10 : vector<128x8xf32>
    %reduce_sum3A_12 = arith.constant dense<0.000000e+00> : vector<128xf32>
    %reduce_sum3A_13 = vector.multi_reduction <add>, %mul3A_11, %reduce_sum3A_12 [1] : vector<128x8xf32> to vector<128xf32>
    %broadcast_in_dim3A_14 = vector.shape_cast %reduce_sum3A_13 : vector<128xf32> to vector<128x1xf32>
    %get3A_15 = arith.constant 0 : index
    %get3A_16 = arith.constant 8 : index
    %get3A_17 = vector.load %arg1[%get3A_15, %get3A_16] : memref<128x64xf32, #tpu.memory_space<vmem>>, vector<128x8xf32>
    %get3A_18 = arith.constant 1 : index
    %get3A_19 = arith.constant 0 : index
    %get3A_20 = vector.load %arg2[%get3A_18, %get3A_19] : memref<8x8xf32, #tpu.memory_space<vmem>>, vector<1x8xf32>
    %mul3A_21 = vector.broadcast %get3A_20 : vector<1x8xf32> to vector<128x8xf32>
    %mul3A_22 = arith.mulf %get3A_17, %mul3A_21 : vector<128x8xf32>
    %reduce_sum3A_23 = arith.constant dense<0.000000e+00> : vector<128xf32>
    %reduce_sum3A_24 = vector.multi_reduction <add>, %mul3A_22, %reduce_sum3A_23 [1] : vector<128x8xf32> to vector<128xf32>
    %broadcast_in_dim3A_25 = vector.shape_cast %reduce_sum3A_24 : vector<128xf32> to vector<128x1xf32>
    %get3A_26 = arith.constant 1 : index
    %get3A_27 = arith.constant 0 : index
    %get3A_28 = vector.load %arg3[%get3A_26, %get3A_27] : memref<8x8xf32, #tpu.memory_space<vmem>>, vector<1x8xf32>
    %mul3A_29 = vector.broadcast %get3A_28 : vector<1x8xf32> to vector<128x8xf32>
    %mul3A_30 = arith.mulf %get3A_17, %mul3A_29 : vector<128x8xf32>
    %reduce_sum3A_31 = arith.constant dense<0.000000e+00> : vector<128xf32>
    %reduce_sum3A_32 = vector.multi_reduction <add>, %mul3A_30, %reduce_sum3A_31 [1] : vector<128x8xf32> to vector<128xf32>
    %broadcast_in_dim3A_33 = vector.shape_cast %reduce_sum3A_32 : vector<128xf32> to vector<128x1xf32>
    %get3A_34 = arith.constant 0 : index
    %get3A_35 = arith.constant 16 : index
    %get3A_36 = vector.load %arg1[%get3A_34, %get3A_35] : memref<128x64xf32, #tpu.memory_space<vmem>>, vector<128x8xf32>
    %get3A_37 = arith.constant 2 : index
    %get3A_38 = arith.constant 0 : index
    %get3A_39 = vector.load %arg2[%get3A_37, %get3A_38] : memref<8x8xf32, #tpu.memory_space<vmem>>, vector<1x8xf32>
    %mul3A_40 = vector.broadcast %get3A_39 : vector<1x8xf32> to vector<128x8xf32>
    %mul3A_41 = arith.mulf %get3A_36, %mul3A_40 : vector<128x8xf32>
    %reduce_sum3A_42 = arith.constant dense<0.000000e+00> : vector<128xf32>
    %reduce_sum3A_43 = vector.multi_reduction <add>, %mul3A_41, %reduce_sum3A_42 [1] : vector<128x8xf32> to vector<128xf32>
    %broadcast_in_dim3A_44 = vector.shape_cast %reduce_sum3A_43 : vector<128xf32> to vector<128x1xf32>
    %get3A_45 = arith.constant 2 : index
    %get3A_46 = arith.constant 0 : index
    %get3A_47 = vector.load %arg3[%get3A_45, %get3A_46] : memref<8x8xf32, #tpu.memory_space<vmem>>, vector<1x8xf32>
    %mul3A_48 = vector.broadcast %get3A_47 : vector<1x8xf32> to vector<128x8xf32>
    %mul3A_49 = arith.mulf %get3A_36, %mul3A_48 : vector<128x8xf32>
    %reduce_sum3A_50 = arith.constant dense<0.000000e+00> : vector<128xf32>
    %reduce_sum3A_51 = vector.multi_reduction <add>, %mul3A_49, %reduce_sum3A_50 [1] : vector<128x8xf32> to vector<128xf32>
    %broadcast_in_dim3A_52 = vector.shape_cast %reduce_sum3A_51 : vector<128xf32> to vector<128x1xf32>
    %get3A_53 = arith.constant 0 : index
    %get3A_54 = arith.constant 24 : index
    %get3A_55 = vector.load %arg1[%get3A_53, %get3A_54] : memref<128x64xf32, #tpu.memory_space<vmem>>, vector<128x8xf32>
    %get3A_56 = arith.constant 3 : index
    %get3A_57 = arith.constant 0 : index
    %get3A_58 = vector.load %arg2[%get3A_56, %get3A_57] : memref<8x8xf32, #tpu.memory_space<vmem>>, vector<1x8xf32>
    %mul3A_59 = vector.broadcast %get3A_58 : vector<1x8xf32> to vector<128x8xf32>
    %mul3A_60 = arith.mulf %get3A_55, %mul3A_59 : vector<128x8xf32>
    %reduce_sum3A_61 = arith.constant dense<0.000000e+00> : vector<128xf32>
    %reduce_sum3A_62 = vector.multi_reduction <add>, %mul3A_60, %reduce_sum3A_61 [1] : vector<128x8xf32> to vector<128xf32>
    %broadcast_in_dim3A_63 = vector.shape_cast %reduce_sum3A_62 : vector<128xf32> to vector<128x1xf32>
    %get3A_64 = arith.constant 3 : index
    %get3A_65 = arith.constant 0 : index
    %get3A_66 = vector.load %arg3[%get3A_64, %get3A_65] : memref<8x8xf32, #tpu.memory_space<vmem>>, vector<1x8xf32>
    %mul3A_67 = vector.broadcast %get3A_66 : vector<1x8xf32> to vector<128x8xf32>
    %mul3A_68 = arith.mulf %get3A_55, %mul3A_67 : vector<128x8xf32>
    %reduce_sum3A_69 = arith.constant dense<0.000000e+00> : vector<128xf32>
    %reduce_sum3A_70 = vector.multi_reduction <add>, %mul3A_68, %reduce_sum3A_69 [1] : vector<128x8xf32> to vector<128xf32>
    %broadcast_in_dim3A_71 = vector.shape_cast %reduce_sum3A_70 : vector<128xf32> to vector<128x1xf32>
    %get3A_72 = arith.constant 0 : index
    %get3A_73 = arith.constant 32 : index
    %get3A_74 = vector.load %arg1[%get3A_72, %get3A_73] : memref<128x64xf32, #tpu.memory_space<vmem>>, vector<128x8xf32>
    %get3A_75 = arith.constant 4 : index
    %get3A_76 = arith.constant 0 : index
    %get3A_77 = vector.load %arg2[%get3A_75, %get3A_76] : memref<8x8xf32, #tpu.memory_space<vmem>>, vector<1x8xf32>
    %mul3A_78 = vector.broadcast %get3A_77 : vector<1x8xf32> to vector<128x8xf32>
    %mul3A_79 = arith.mulf %get3A_74, %mul3A_78 : vector<128x8xf32>
    %reduce_sum3A_80 = arith.constant dense<0.000000e+00> : vector<128xf32>
    %reduce_sum3A_81 = vector.multi_reduction <add>, %mul3A_79, %reduce_sum3A_80 [1] : vector<128x8xf32> to vector<128xf32>
    %broadcast_in_dim3A_82 = vector.shape_cast %reduce_sum3A_81 : vector<128xf32> to vector<128x1xf32>
    %get3A_83 = arith.constant 4 : index
    %get3A_84 = arith.constant 0 : index
    %get3A_85 = vector.load %arg3[%get3A_83, %get3A_84] : memref<8x8xf32, #tpu.memory_space<vmem>>, vector<1x8xf32>
    %mul3A_86 = vector.broadcast %get3A_85 : vector<1x8xf32> to vector<128x8xf32>
    %mul3A_87 = arith.mulf %get3A_74, %mul3A_86 : vector<128x8xf32>
    %reduce_sum3A_88 = arith.constant dense<0.000000e+00> : vector<128xf32>
    %reduce_sum3A_89 = vector.multi_reduction <add>, %mul3A_87, %reduce_sum3A_88 [1] : vector<128x8xf32> to vector<128xf32>
    %broadcast_in_dim3A_90 = vector.shape_cast %reduce_sum3A_89 : vector<128xf32> to vector<128x1xf32>
    %get3A_91 = arith.constant 0 : index
    %get3A_92 = arith.constant 40 : index
    %get3A_93 = vector.load %arg1[%get3A_91, %get3A_92] : memref<128x64xf32, #tpu.memory_space<vmem>>, vector<128x8xf32>
    %get3A_94 = arith.constant 5 : index
    %get3A_95 = arith.constant 0 : index
    %get3A_96 = vector.load %arg2[%get3A_94, %get3A_95] : memref<8x8xf32, #tpu.memory_space<vmem>>, vector<1x8xf32>
    %mul3A_97 = vector.broadcast %get3A_96 : vector<1x8xf32> to vector<128x8xf32>
    %mul3A_98 = arith.mulf %get3A_93, %mul3A_97 : vector<128x8xf32>
    %reduce_sum3A_99 = arith.constant dense<0.000000e+00> : vector<128xf32>
    %reduce_sum3A_100 = vector.multi_reduction <add>, %mul3A_98, %reduce_sum3A_99 [1] : vector<128x8xf32> to vector<128xf32>
    %broadcast_in_dim3A_101 = vector.shape_cast %reduce_sum3A_100 : vector<128xf32> to vector<128x1xf32>
    %get3A_102 = arith.constant 5 : index
    %get3A_103 = arith.constant 0 : index
    %get3A_104 = vector.load %arg3[%get3A_102, %get3A_103] : memref<8x8xf32, #tpu.memory_space<vmem>>, vector<1x8xf32>
    %mul3A_105 = vector.broadcast %get3A_104 : vector<1x8xf32> to vector<128x8xf32>
    %mul3A_106 = arith.mulf %get3A_93, %mul3A_105 : vector<128x8xf32>
    %reduce_sum3A_107 = arith.constant dense<0.000000e+00> : vector<128xf32>
    %reduce_sum3A_108 = vector.multi_reduction <add>, %mul3A_106, %reduce_sum3A_107 [1] : vector<128x8xf32> to vector<128xf32>
    %broadcast_in_dim3A_109 = vector.shape_cast %reduce_sum3A_108 : vector<128xf32> to vector<128x1xf32>
    %get3A_110 = arith.constant 0 : index
    %get3A_111 = arith.constant 48 : index
    %get3A_112 = vector.load %arg1[%get3A_110, %get3A_111] : memref<128x64xf32, #tpu.memory_space<vmem>>, vector<128x8xf32>
    %get3A_113 = arith.constant 6 : index
    %get3A_114 = arith.constant 0 : index
    %get3A_115 = vector.load %arg2[%get3A_113, %get3A_114] : memref<8x8xf32, #tpu.memory_space<vmem>>, vector<1x8xf32>
    %mul3A_116 = vector.broadcast %get3A_115 : vector<1x8xf32> to vector<128x8xf32>
    %mul3A_117 = arith.mulf %get3A_112, %mul3A_116 : vector<128x8xf32>
    %reduce_sum3A_118 = arith.constant dense<0.000000e+00> : vector<128xf32>
    %reduce_sum3A_119 = vector.multi_reduction <add>, %mul3A_117, %reduce_sum3A_118 [1] : vector<128x8xf32> to vector<128xf32>
    %broadcast_in_dim3A_120 = vector.shape_cast %reduce_sum3A_119 : vector<128xf32> to vector<128x1xf32>
    %get3A_121 = arith.constant 6 : index
    %get3A_122 = arith.constant 0 : index
    %get3A_123 = vector.load %arg3[%get3A_121, %get3A_122] : memref<8x8xf32, #tpu.memory_space<vmem>>, vector<1x8xf32>
    %mul3A_124 = vector.broadcast %get3A_123 : vector<1x8xf32> to vector<128x8xf32>
    %mul3A_125 = arith.mulf %get3A_112, %mul3A_124 : vector<128x8xf32>
    %reduce_sum3A_126 = arith.constant dense<0.000000e+00> : vector<128xf32>
    %reduce_sum3A_127 = vector.multi_reduction <add>, %mul3A_125, %reduce_sum3A_126 [1] : vector<128x8xf32> to vector<128xf32>
    %broadcast_in_dim3A_128 = vector.shape_cast %reduce_sum3A_127 : vector<128xf32> to vector<128x1xf32>
    %get3A_129 = arith.constant 0 : index
    %get3A_130 = arith.constant 56 : index
    %get3A_131 = vector.load %arg1[%get3A_129, %get3A_130] : memref<128x64xf32, #tpu.memory_space<vmem>>, vector<128x8xf32>
    %get3A_132 = arith.constant 7 : index
    %get3A_133 = arith.constant 0 : index
    %get3A_134 = vector.load %arg2[%get3A_132, %get3A_133] : memref<8x8xf32, #tpu.memory_space<vmem>>, vector<1x8xf32>
    %mul3A_135 = vector.broadcast %get3A_134 : vector<1x8xf32> to vector<128x8xf32>
    %mul3A_136 = arith.mulf %get3A_131, %mul3A_135 : vector<128x8xf32>
    %reduce_sum3A_137 = arith.constant dense<0.000000e+00> : vector<128xf32>
    %reduce_sum3A_138 = vector.multi_reduction <add>, %mul3A_136, %reduce_sum3A_137 [1] : vector<128x8xf32> to vector<128xf32>
    %broadcast_in_dim3A_139 = vector.shape_cast %reduce_sum3A_138 : vector<128xf32> to vector<128x1xf32>
    %get3A_140 = arith.constant 7 : index
    %get3A_141 = arith.constant 0 : index
    %get3A_142 = vector.load %arg3[%get3A_140, %get3A_141] : memref<8x8xf32, #tpu.memory_space<vmem>>, vector<1x8xf32>
    %mul3A_143 = vector.broadcast %get3A_142 : vector<1x8xf32> to vector<128x8xf32>
    %mul3A_144 = arith.mulf %get3A_131, %mul3A_143 : vector<128x8xf32>
    %reduce_sum3A_145 = arith.constant dense<0.000000e+00> : vector<128xf32>
    %reduce_sum3A_146 = vector.multi_reduction <add>, %mul3A_144, %reduce_sum3A_145 [1] : vector<128x8xf32> to vector<128xf32>
    %broadcast_in_dim3A_147 = vector.shape_cast %reduce_sum3A_146 : vector<128xf32> to vector<128x1xf32>
    %get3A_148 = arith.constant 0 : index
    %get3A_149 = arith.constant 0 : index
    %get3A_150 = vector.load %arg1[%get3A_148, %get3A_149] : memref<128x64xf32, #tpu.memory_space<vmem>>, vector<128x64xf32>
    %concatenate3A = tpu.concatenate %get3A_150, %broadcast_in_dim3A, %broadcast_in_dim3A_25, %broadcast_in_dim3A_44, %broadcast_in_dim3A_63, %broadcast_in_dim3A_82, %broadcast_in_dim3A_101, %broadcast_in_dim3A_120, %broadcast_in_dim3A_139, %broadcast_in_dim3A_14, %broadcast_in_dim3A_33, %broadcast_in_dim3A_52, %broadcast_in_dim3A_71, %broadcast_in_dim3A_90, %broadcast_in_dim3A_109, %broadcast_in_dim3A_128, %broadcast_in_dim3A_147 in 1 : vector<128x64xf32>, vector<128x1xf32>, vector<128x1xf32>, vector<128x1xf32>, vector<128x1xf32>, vector<128x1xf32>, vector<128x1xf32>, vector<128x1xf32>, vector<128x1xf32>, vector<128x1xf32>, vector<128x1xf32>, vector<128x1xf32>, vector<128x1xf32>, vector<128x1xf32>, vector<128x1xf32>, vector<128x1xf32>, vector<128x1xf32> -> vector<128x80xf32>
    %get3A_151 = arith.constant 0 : index
    %get3A_152 = arith.constant 0 : index
    %get3A_153 = vector.load %arg0[%get3A_151, %get3A_152] : memref<10000x128xf32, #tpu.memory_space<vmem>>, vector<10000x128xf32>
    %dot_general3A = arith.constant dense<0.000000e+00> : vector<10000x80xf32>
    %dot_general3A_154 = tpu.matmul %get3A_153, %concatenate3A, %dot_general3A {dimension_numbers = #tpu.dot_dimension_numbers<[1], [0], [0], [1], [0, 0, 1, 1], [], []>, transpose_lhs_hint = false} : vector<10000x128xf32>, vector<128x80xf32>, vector<10000x80xf32> -> vector<10000x80xf32>
    %slice3A = vector.extract_strided_slice %dot_general3A_154 {offsets = [0, 0], sizes = [10000, 72], strides = [1, 1]} : vector<10000x80xf32> to vector<10000x72xf32>
    %swap3A = arith.constant 0 : index
    %swap3A_155 = arith.constant 0 : index
    %swap3A_156 = vector.load %arg7[%swap3A, %swap3A_155] : memref<10240x72xf32, #tpu.memory_space<vmem>>, vector<10000x72xf32>
    tpu.vector_store %arg7[%swap3A, %swap3A_155], %slice3A {strides = array<i32>} : memref<10240x72xf32, #tpu.memory_space<vmem>>, vector<10000x72xf32>,
    %broadcast_in_dim3A_157 = arith.constant 0.000000e+00 : f32
    %broadcast_in_dim3A_158 = vector.broadcast %broadcast_in_dim3A_157 : f32 to vector<240x72xf32>
    %swap3A_159 = arith.constant 10000 : index
    %swap3A_160 = arith.constant 0 : index
    %swap3A_161 = vector.load %arg7[%swap3A_159, %swap3A_160] : memref<10240x72xf32, #tpu.memory_space<vmem>>, vector<240x72xf32>
    tpu.vector_store %arg7[%swap3A_159, %swap3A_160], %broadcast_in_dim3A_158 {strides = array<i32>} : memref<10240x72xf32, #tpu.memory_space<vmem>>, vector<240x72xf32>,
    %slice3A_162 = vector.extract_strided_slice %dot_general3A_154 {offsets = [0, 72], sizes = [10000, 8], strides = [1, 1]} : vector<10000x80xf32> to vector<10000x8xf32>
    %swap3A_163 = arith.constant 0 : index
    %swap3A_164 = arith.constant 0 : index
    %swap3A_165 = vector.load %arg8[%swap3A_163, %swap3A_164] : memref<10240x8xf32, #tpu.memory_space<vmem>>, vector<10000x8xf32>
    tpu.vector_store %arg8[%swap3A_163, %swap3A_164], %slice3A_162 {strides = array<i32>} : memref<10240x8xf32, #tpu.memory_space<vmem>>, vector<10000x8xf32>,
    %broadcast_in_dim3A_166 = arith.constant 0.000000e+00 : f32
    %broadcast_in_dim3A_167 = vector.broadcast %broadcast_in_dim3A_166 : f32 to vector<240x8xf32>
    %swap3A_168 = arith.constant 10000 : index
    %swap3A_169 = arith.constant 0 : index
    %swap3A_170 = vector.load %arg8[%swap3A_168, %swap3A_169] : memref<10240x8xf32, #tpu.memory_space<vmem>>, vector<240x8xf32>
    tpu.vector_store %arg8[%swap3A_168, %swap3A_169], %broadcast_in_dim3A_167 {strides = array<i32>} : memref<10240x8xf32, #tpu.memory_space<vmem>>, vector<240x8xf32>,
    %get3A_171 = arith.constant 0 : index
    %get3A_172 = arith.constant 0 : index
    %get3A_173 = vector.load %arg5[%get3A_171, %get3A_172] : memref<2x64xf32, #tpu.memory_space<vmem>>, vector<2x8xf32>
    %get3A_174 = arith.constant 0 : index
    %get3A_175 = arith.constant 0 : index
    %get3A_176 = vector.load %arg6[%get3A_174, %get3A_175] : memref<8x8xf32, #tpu.memory_space<vmem>>, vector<1x8xf32>
    %mul3A_177 = vector.broadcast %get3A_176 : vector<1x8xf32> to vector<2x8xf32>
    %mul3A_178 = arith.mulf %get3A_173, %mul3A_177 : vector<2x8xf32>
    %reduce_sum3A_179 = arith.constant dense<0.000000e+00> : vector<2xf32>
    %reduce_sum3A_180 = vector.multi_reduction <add>, %mul3A_178, %reduce_sum3A_179 [1] : vector<2x8xf32> to vector<2xf32>
    %broadcast_in_dim3A_181 = vector.shape_cast %reduce_sum3A_180 : vector<2xf32> to vector<2x1xf32>
    %get3A_182 = arith.constant 0 : index
    %get3A_183 = arith.constant 8 : index
    %get3A_184 = vector.load %arg5[%get3A_182, %get3A_183] : memref<2x64xf32, #tpu.memory_space<vmem>>, vector<2x8xf32>
    %get3A_185 = arith.constant 1 : index
    %get3A_186 = arith.constant 0 : index
    %get3A_187 = vector.load %arg6[%get3A_185, %get3A_186] : memref<8x8xf32, #tpu.memory_space<vmem>>, vector<1x8xf32>
    %mul3A_188 = vector.broadcast %get3A_187 : vector<1x8xf32> to vector<2x8xf32>
    %mul3A_189 = arith.mulf %get3A_184, %mul3A_188 : vector<2x8xf32>
    %reduce_sum3A_190 = arith.constant dense<0.000000e+00> : vector<2xf32>
    %reduce_sum3A_191 = vector.multi_reduction <add>, %mul3A_189, %reduce_sum3A_190 [1] : vector<2x8xf32> to vector<2xf32>
    %broadcast_in_dim3A_192 = vector.shape_cast %reduce_sum3A_191 : vector<2xf32> to vector<2x1xf32>
    %get3A_193 = arith.constant 0 : index
    %get3A_194 = arith.constant 16 : index
    %get3A_195 = vector.load %arg5[%get3A_193, %get3A_194] : memref<2x64xf32, #tpu.memory_space<vmem>>, vector<2x8xf32>
    %get3A_196 = arith.constant 2 : index
    %get3A_197 = arith.constant 0 : index
    %get3A_198 = vector.load %arg6[%get3A_196, %get3A_197] : memref<8x8xf32, #tpu.memory_space<vmem>>, vector<1x8xf32>
    %mul3A_199 = vector.broadcast %get3A_198 : vector<1x8xf32> to vector<2x8xf32>
    %mul3A_200 = arith.mulf %get3A_195, %mul3A_199 : vector<2x8xf32>
    %reduce_sum3A_201 = arith.constant dense<0.000000e+00> : vector<2xf32>
    %reduce_sum3A_202 = vector.multi_reduction <add>, %mul3A_200, %reduce_sum3A_201 [1] : vector<2x8xf32> to vector<2xf32>
    %broadcast_in_dim3A_203 = vector.shape_cast %reduce_sum3A_202 : vector<2xf32> to vector<2x1xf32>
    %get3A_204 = arith.constant 0 : index
    %get3A_205 = arith.constant 24 : index
    %get3A_206 = vector.load %arg5[%get3A_204, %get3A_205] : memref<2x64xf32, #tpu.memory_space<vmem>>, vector<2x8xf32>
    %get3A_207 = arith.constant 3 : index
    %get3A_208 = arith.constant 0 : index
    %get3A_209 = vector.load %arg6[%get3A_207, %get3A_208] : memref<8x8xf32, #tpu.memory_space<vmem>>, vector<1x8xf32>
    %mul3A_210 = vector.broadcast %get3A_209 : vector<1x8xf32> to vector<2x8xf32>
    %mul3A_211 = arith.mulf %get3A_206, %mul3A_210 : vector<2x8xf32>
    %reduce_sum3A_212 = arith.constant dense<0.000000e+00> : vector<2xf32>
    %reduce_sum3A_213 = vector.multi_reduction <add>, %mul3A_211, %reduce_sum3A_212 [1] : vector<2x8xf32> to vector<2xf32>
    %broadcast_in_dim3A_214 = vector.shape_cast %reduce_sum3A_213 : vector<2xf32> to vector<2x1xf32>
    %get3A_215 = arith.constant 0 : index
    %get3A_216 = arith.constant 32 : index
    %get3A_217 = vector.load %arg5[%get3A_215, %get3A_216] : memref<2x64xf32, #tpu.memory_space<vmem>>, vector<2x8xf32>
    %get3A_218 = arith.constant 4 : index
    %get3A_219 = arith.constant 0 : index
    %get3A_220 = vector.load %arg6[%get3A_218, %get3A_219] : memref<8x8xf32, #tpu.memory_space<vmem>>, vector<1x8xf32>
    %mul3A_221 = vector.broadcast %get3A_220 : vector<1x8xf32> to vector<2x8xf32>
    %mul3A_222 = arith.mulf %get3A_217, %mul3A_221 : vector<2x8xf32>
    %reduce_sum3A_223 = arith.constant dense<0.000000e+00> : vector<2xf32>
    %reduce_sum3A_224 = vector.multi_reduction <add>, %mul3A_222, %reduce_sum3A_223 [1] : vector<2x8xf32> to vector<2xf32>
    %broadcast_in_dim3A_225 = vector.shape_cast %reduce_sum3A_224 : vector<2xf32> to vector<2x1xf32>
    %get3A_226 = arith.constant 0 : index
    %get3A_227 = arith.constant 40 : index
    %get3A_228 = vector.load %arg5[%get3A_226, %get3A_227] : memref<2x64xf32, #tpu.memory_space<vmem>>, vector<2x8xf32>
    %get3A_229 = arith.constant 5 : index
    %get3A_230 = arith.constant 0 : index
    %get3A_231 = vector.load %arg6[%get3A_229, %get3A_230] : memref<8x8xf32, #tpu.memory_space<vmem>>, vector<1x8xf32>
    %mul3A_232 = vector.broadcast %get3A_231 : vector<1x8xf32> to vector<2x8xf32>
    %mul3A_233 = arith.mulf %get3A_228, %mul3A_232 : vector<2x8xf32>
    %reduce_sum3A_234 = arith.constant dense<0.000000e+00> : vector<2xf32>
    %reduce_sum3A_235 = vector.multi_reduction <add>, %mul3A_233, %reduce_sum3A_234 [1] : vector<2x8xf32> to vector<2xf32>
    %broadcast_in_dim3A_236 = vector.shape_cast %reduce_sum3A_235 : vector<2xf32> to vector<2x1xf32>
    %get3A_237 = arith.constant 0 : index
    %get3A_238 = arith.constant 48 : index
    %get3A_239 = vector.load %arg5[%get3A_237, %get3A_238] : memref<2x64xf32, #tpu.memory_space<vmem>>, vector<2x8xf32>
    %get3A_240 = arith.constant 6 : index
    %get3A_241 = arith.constant 0 : index
    %get3A_242 = vector.load %arg6[%get3A_240, %get3A_241] : memref<8x8xf32, #tpu.memory_space<vmem>>, vector<1x8xf32>
    %mul3A_243 = vector.broadcast %get3A_242 : vector<1x8xf32> to vector<2x8xf32>
    %mul3A_244 = arith.mulf %get3A_239, %mul3A_243 : vector<2x8xf32>
    %reduce_sum3A_245 = arith.constant dense<0.000000e+00> : vector<2xf32>
    %reduce_sum3A_246 = vector.multi_reduction <add>, %mul3A_244, %reduce_sum3A_245 [1] : vector<2x8xf32> to vector<2xf32>
    %broadcast_in_dim3A_247 = vector.shape_cast %reduce_sum3A_246 : vector<2xf32> to vector<2x1xf32>
    %get3A_248 = arith.constant 0 : index
    %get3A_249 = arith.constant 56 : index
    %get3A_250 = vector.load %arg5[%get3A_248, %get3A_249] : memref<2x64xf32, #tpu.memory_space<vmem>>, vector<2x8xf32>
    %get3A_251 = arith.constant 7 : index
    %get3A_252 = arith.constant 0 : index
    %get3A_253 = vector.load %arg6[%get3A_251, %get3A_252] : memref<8x8xf32, #tpu.memory_space<vmem>>, vector<1x8xf32>
    %mul3A_254 = vector.broadcast %get3A_253 : vector<1x8xf32> to vector<2x8xf32>
    %mul3A_255 = arith.mulf %get3A_250, %mul3A_254 : vector<2x8xf32>
    %reduce_sum3A_256 = arith.constant dense<0.000000e+00> : vector<2xf32>
    %reduce_sum3A_257 = vector.multi_reduction <add>, %mul3A_255, %reduce_sum3A_256 [1] : vector<2x8xf32> to vector<2xf32>
    %broadcast_in_dim3A_258 = vector.shape_cast %reduce_sum3A_257 : vector<2xf32> to vector<2x1xf32>
    %concatenate3A_259 = tpu.concatenate %broadcast_in_dim3A_181, %broadcast_in_dim3A_192, %broadcast_in_dim3A_203, %broadcast_in_dim3A_214, %broadcast_in_dim3A_225, %broadcast_in_dim3A_236, %broadcast_in_dim3A_247, %broadcast_in_dim3A_258 in 1 : vector<2x1xf32>, vector<2x1xf32>, vector<2x1xf32>, vector<2x1xf32>, vector<2x1xf32>, vector<2x1xf32>, vector<2x1xf32>, vector<2x1xf32> -> vector<2x8xf32>
    %swap3A_260 = arith.constant 0 : index
    %swap3A_261 = arith.constant 0 : index
    %swap3A_262 = vector.load %arg9[%swap3A_260, %swap3A_261] : memref<2x8xf32, #tpu.memory_space<vmem>>, vector<2x8xf32>
    tpu.vector_store %arg9[%swap3A_260, %swap3A_261], %concatenate3A_259 {strides = array<i32>} : memref<2x8xf32, #tpu.memory_space<vmem>>, vector<2x8xf32>,
    %get3A_263 = arith.constant 0 : index
    %get3A_264 = arith.constant 0 : index
    %get3A_265 = vector.load %arg4[%get3A_263, %get3A_264] : memref<2x320000xf32, #tpu.memory_space<vmem>>, vector<2x320000xf32>
    %reduce_sum3A_266 = arith.constant dense<0.000000e+00> : vector<2xf32>
    %reduce_sum3A_267 = vector.multi_reduction <add>, %get3A_265, %reduce_sum3A_266 [1] : vector<2x320000xf32> to vector<2xf32>
    %broadcast_in_dim3A_268 = vector.shape_cast %reduce_sum3A_267 : vector<2xf32> to vector<2x1xf32>
    %div3A = arith.constant 3.200000e+05 : f32
    %div3A_269 = vector.broadcast %div3A : f32 to vector<2x1xf32>
    %div3A_270 = arith.divf %broadcast_in_dim3A_268, %div3A_269 : vector<2x1xf32>
    %slice3A_271 = vector.extract_strided_slice %div3A_270 {offsets = [0, 0], sizes = [1, 1], strides = [1, 1]} : vector<2x1xf32> to vector<1x1xf32>
    %slice3A_272 = vector.extract_strided_slice %concatenate3A_259 {offsets = [0, 0], sizes = [1, 8], strides = [1, 1]} : vector<2x8xf32> to vector<1x8xf32>
    %mul3A_273 = vector.broadcast %slice3A_271 : vector<1x1xf32> to vector<1x8xf32>
    %mul3A_274 = arith.mulf %mul3A_273, %slice3A_272 : vector<1x8xf32>
    %slice3A_275 = vector.extract_strided_slice %div3A_270 {offsets = [1, 0], sizes = [1, 1], strides = [1, 1]} : vector<2x1xf32> to vector<1x1xf32>
    %slice3A_276 = vector.extract_strided_slice %concatenate3A_259 {offsets = [1, 0], sizes = [1, 8], strides = [1, 1]} : vector<2x8xf32> to vector<1x8xf32>
    %mul3A_277 = vector.broadcast %slice3A_275 : vector<1x1xf32> to vector<1x8xf32>
    %mul3A_278 = arith.mulf %mul3A_277, %slice3A_276 : vector<1x8xf32>
    %add3A = arith.addf %mul3A_274, %mul3A_278 : vector<1x8xf32>
    %swap3A_279 = arith.constant 0 : index
    %swap3A_280 = arith.constant 0 : index
    %swap3A_281 = vector.load %arg10[%swap3A_279, %swap3A_280] : memref<1x8xf32, #tpu.memory_space<vmem>>, vector<1x8xf32>
    tpu.vector_store %arg10[%swap3A_279, %swap3A_280], %add3A {strides = array<i32>} : memref<1x8xf32, #tpu.memory_space<vmem>>, vector<1x8xf32>,
    return
  }
}

module attributes {stable_mosaic.version = 14 : i64} {
  func.func @_final_body(%arg0: memref<2x10240x64xf32, #tpu.memory_space<vmem>>, %arg1: memref<2x10240x8xf32, #tpu.memory_space<vmem>>, %arg2: memref<10240x72xf32, #tpu.memory_space<vmem>>, %arg3: memref<10240x8xf32, #tpu.memory_space<vmem>>, %arg4: memref<1x8xf32, #tpu.memory_space<vmem>>, %arg5: memref<1x64xf32, #tpu.memory_space<vmem>>, %arg6: memref<1x64xf32, #tpu.memory_space<vmem>>, %arg7: memref<1x64xf32, #tpu.memory_space<vmem>>, %arg8: memref<10000x64xf32, #tpu.memory_space<vmem>>) attributes {dimension_semantics = [], scalar_prefetch = 0 : i64, scratch_operands = 0 : i64, tpu.core_type = #tpu.core_type<tc>} {
    %iota3A = tpu.iota {dimensions = array<i32: 0>} : vector<72x64xi32>
    %iota3A_0 = tpu.iota {dimensions = array<i32: 1>} : vector<72x64xi32>
    %jit3A = arith.constant 8 : i32
    %div3A = vector.broadcast %jit3A : i32 to vector<72x64xi32>
    %div3A_1 = arith.divsi %iota3A_0, %div3A : vector<72x64xi32>
    %sign3A = arith.constant 0 : i32
    %sign3A_2 = vector.broadcast %sign3A : i32 to vector<72x64xi32>
    %sign3A_3 = arith.cmpi sgt, %iota3A_0, %sign3A_2 : vector<72x64xi32>
    %sign3A_4 = arith.extui %sign3A_3 : vector<72x64xi1> to vector<72x64xi32>
    %sign3A_5 = arith.constant 0 : i32
    %sign3A_6 = vector.broadcast %sign3A_5 : i32 to vector<72x64xi32>
    %sign3A_7 = arith.cmpi slt, %iota3A_0, %sign3A_6 : vector<72x64xi32>
    %sign3A_8 = arith.extui %sign3A_7 : vector<72x64xi1> to vector<72x64xi32>
    %sign3A_9 = arith.subi %sign3A_4, %sign3A_8 : vector<72x64xi32>
    %sign3A_10 = arith.constant 0 : i32
    %sign3A_11 = arith.cmpi sgt, %jit3A, %sign3A_10 : i32
    %sign3A_12 = arith.extui %sign3A_11 : i1 to i32
    %sign3A_13 = arith.constant 0 : i32
    %sign3A_14 = arith.cmpi slt, %jit3A, %sign3A_13 : i32
    %sign3A_15 = arith.extui %sign3A_14 : i1 to i32
    %sign3A_16 = arith.subi %sign3A_12, %sign3A_15 : i32
    %ne3A = vector.broadcast %sign3A_16 : i32 to vector<72x64xi32>
    %ne3A_17 = arith.cmpi ne, %sign3A_9, %ne3A : vector<72x64xi32>
    %rem3A = vector.broadcast %jit3A : i32 to vector<72x64xi32>
    %rem3A_18 = arith.remsi %iota3A_0, %rem3A : vector<72x64xi32>
    %ne3A_19 = arith.constant 0 : i32
    %ne3A_20 = vector.broadcast %ne3A_19 : i32 to vector<72x64xi32>
    %ne3A_21 = arith.cmpi ne, %rem3A_18, %ne3A_20 : vector<72x64xi32>
    %and3A = arith.andi %ne3A_17, %ne3A_21 : vector<72x64xi1>
    %sub3A = arith.constant 1 : i32
    %sub3A_22 = vector.broadcast %sub3A : i32 to vector<72x64xi32>
    %sub3A_23 = arith.subi %div3A_1, %sub3A_22 : vector<72x64xi32>
    %select_n3A = arith.select %and3A, %sub3A_23, %div3A_1 : vector<72x64xi1>, vector<72x64xi32>
    %add3A = arith.constant 64 : i32
    %add3A_24 = vector.broadcast %add3A : i32 to vector<72x64xi32>
    %add3A_25 = arith.addi %add3A_24, %select_n3A : vector<72x64xi32>
    %eq3A = arith.cmpi eq, %iota3A, %add3A_25 : vector<72x64xi32>
    %jit3A_26 = arith.constant 1.000000e+00 : f32
    %jit3A_27 = arith.constant 0.000000e+00 : f32
    %broadcast_in_dim3A = vector.broadcast %jit3A_26 : f32 to vector<72x64xf32>
    %broadcast_in_dim3A_28 = vector.broadcast %jit3A_27 : f32 to vector<72x64xf32>
    %select_n3A_29 = arith.select %eq3A, %broadcast_in_dim3A, %broadcast_in_dim3A_28 : vector<72x64xi1>, vector<72x64xf32>
    %iota3A_30 = tpu.iota {dimensions = array<i32: 0>} : vector<8x64xi32>
    %iota3A_31 = tpu.iota {dimensions = array<i32: 1>} : vector<8x64xi32>
    %jit3A_32 = arith.constant 8 : i32
    %div3A_33 = vector.broadcast %jit3A_32 : i32 to vector<8x64xi32>
    %div3A_34 = arith.divsi %iota3A_31, %div3A_33 : vector<8x64xi32>
    %sign3A_35 = arith.constant 0 : i32
    %sign3A_36 = vector.broadcast %sign3A_35 : i32 to vector<8x64xi32>
    %sign3A_37 = arith.cmpi sgt, %iota3A_31, %sign3A_36 : vector<8x64xi32>
    %sign3A_38 = arith.extui %sign3A_37 : vector<8x64xi1> to vector<8x64xi32>
    %sign3A_39 = arith.constant 0 : i32
    %sign3A_40 = vector.broadcast %sign3A_39 : i32 to vector<8x64xi32>
    %sign3A_41 = arith.cmpi slt, %iota3A_31, %sign3A_40 : vector<8x64xi32>
    %sign3A_42 = arith.extui %sign3A_41 : vector<8x64xi1> to vector<8x64xi32>
    %sign3A_43 = arith.subi %sign3A_38, %sign3A_42 : vector<8x64xi32>
    %sign3A_44 = arith.constant 0 : i32
    %sign3A_45 = arith.cmpi sgt, %jit3A_32, %sign3A_44 : i32
    %sign3A_46 = arith.extui %sign3A_45 : i1 to i32
    %sign3A_47 = arith.constant 0 : i32
    %sign3A_48 = arith.cmpi slt, %jit3A_32, %sign3A_47 : i32
    %sign3A_49 = arith.extui %sign3A_48 : i1 to i32
    %sign3A_50 = arith.subi %sign3A_46, %sign3A_49 : i32
    %ne3A_51 = vector.broadcast %sign3A_50 : i32 to vector<8x64xi32>
    %ne3A_52 = arith.cmpi ne, %sign3A_43, %ne3A_51 : vector<8x64xi32>
    %rem3A_53 = vector.broadcast %jit3A_32 : i32 to vector<8x64xi32>
    %rem3A_54 = arith.remsi %iota3A_31, %rem3A_53 : vector<8x64xi32>
    %ne3A_55 = arith.constant 0 : i32
    %ne3A_56 = vector.broadcast %ne3A_55 : i32 to vector<8x64xi32>
    %ne3A_57 = arith.cmpi ne, %rem3A_54, %ne3A_56 : vector<8x64xi32>
    %and3A_58 = arith.andi %ne3A_52, %ne3A_57 : vector<8x64xi1>
    %sub3A_59 = arith.constant 1 : i32
    %sub3A_60 = vector.broadcast %sub3A_59 : i32 to vector<8x64xi32>
    %sub3A_61 = arith.subi %div3A_34, %sub3A_60 : vector<8x64xi32>
    %select_n3A_62 = arith.select %and3A_58, %sub3A_61, %div3A_34 : vector<8x64xi1>, vector<8x64xi32>
    %eq3A_63 = arith.cmpi eq, %iota3A_30, %select_n3A_62 : vector<8x64xi32>
    %jit3A_64 = arith.constant 1.000000e+00 : f32
    %jit3A_65 = arith.constant 0.000000e+00 : f32
    %broadcast_in_dim3A_66 = vector.broadcast %jit3A_64 : f32 to vector<8x64xf32>
    %broadcast_in_dim3A_67 = vector.broadcast %jit3A_65 : f32 to vector<8x64xf32>
    %select_n3A_68 = arith.select %eq3A_63, %broadcast_in_dim3A_66, %broadcast_in_dim3A_67 : vector<8x64xi1>, vector<8x64xf32>
    %get3A = arith.constant 0 : index
    %get3A_69 = arith.constant 0 : index
    %get3A_70 = vector.load %arg2[%get3A, %get3A_69] : memref<10240x72xf32, #tpu.memory_space<vmem>>, vector<10000x72xf32>
    %slice3A = vector.extract_strided_slice %get3A_70 {offsets = [0, 0], sizes = [10000, 64], strides = [1, 1]} : vector<10000x72xf32> to vector<10000x64xf32>
    %dot_general3A = arith.constant dense<0.000000e+00> : vector<10000x64xf32>
    %dot_general3A_71 = tpu.matmul %get3A_70, %select_n3A_29, %dot_general3A {dimension_numbers = #tpu.dot_dimension_numbers<[1], [0], [0], [1], [0, 0, 1, 1], [], []>, transpose_lhs_hint = false} : vector<10000x72xf32>, vector<72x64xf32>, vector<10000x64xf32> -> vector<10000x64xf32>
    %get3A_72 = arith.constant 0 : index
    %get3A_73 = arith.constant 0 : index
    %get3A_74 = vector.load %arg3[%get3A_72, %get3A_73] : memref<10240x8xf32, #tpu.memory_space<vmem>>, vector<10000x8xf32>
    %dot_general3A_75 = arith.constant dense<0.000000e+00> : vector<10000x64xf32>
    %dot_general3A_76 = tpu.matmul %get3A_74, %select_n3A_68, %dot_general3A_75 {dimension_numbers = #tpu.dot_dimension_numbers<[1], [0], [0], [1], [0, 0, 1, 1], [], []>, transpose_lhs_hint = false} : vector<10000x8xf32>, vector<8x64xf32>, vector<10000x64xf32> -> vector<10000x64xf32>
    %add3A_77 = arith.addf %dot_general3A_71, %dot_general3A_76 : vector<10000x64xf32>
    %get3A_78 = arith.constant 0 : index
    %get3A_79 = arith.constant 0 : index
    %get3A_80 = vector.load %arg4[%get3A_78, %get3A_79] : memref<1x8xf32, #tpu.memory_space<vmem>>, vector<1x8xf32>
    %dot_general3A_81 = arith.constant dense<0.000000e+00> : vector<1x64xf32>
    %dot_general3A_82 = tpu.matmul %get3A_80, %select_n3A_68, %dot_general3A_81 {dimension_numbers = #tpu.dot_dimension_numbers<[1], [0], [0], [1], [0, 0, 1, 1], [], []>, transpose_lhs_hint = false} : vector<1x8xf32>, vector<8x64xf32>, vector<1x64xf32> -> vector<1x64xf32>
    %add3A_83 = vector.broadcast %dot_general3A_82 : vector<1x64xf32> to vector<10000x64xf32>
    %add3A_84 = arith.addf %add3A_77, %add3A_83 : vector<10000x64xf32>
    %ge3A = arith.constant 0.000000e+00 : f32
    %ge3A_85 = vector.broadcast %ge3A : f32 to vector<10000x64xf32>
    %ge3A_86 = arith.cmpf oge, %add3A_84, %ge3A_85 : vector<10000x64xf32>
    %mul3A = arith.constant 2.000000e-01 : f32
    %mul3A_87 = vector.broadcast %mul3A : f32 to vector<10000x64xf32>
    %mul3A_88 = arith.mulf %mul3A_87, %add3A_84 : vector<10000x64xf32>
    %select_n3A_89 = arith.select %ge3A_86, %add3A_84, %mul3A_88 : vector<10000x64xi1>, vector<10000x64xf32>
    %exp3A = math.exp %select_n3A_89 : vector<10000x64xf32>
    %get3A_90 = arith.constant 0 : index
    %get3A_91 = arith.constant 0 : index
    %get3A_92 = arith.constant 0 : index
    %get3A_93 = vector.load %arg1[%get3A_90, %get3A_91, %get3A_92] : memref<2x10240x8xf32, #tpu.memory_space<vmem>>, vector<1x10000x8xf32>
    %get3A_94 = vector.shape_cast %get3A_93 : vector<1x10000x8xf32> to vector<10000x8xf32>
    %get3A_95 = arith.constant 1 : index
    %get3A_96 = arith.constant 0 : index
    %get3A_97 = arith.constant 0 : index
    %get3A_98 = vector.load %arg1[%get3A_95, %get3A_96, %get3A_97] : memref<2x10240x8xf32, #tpu.memory_space<vmem>>, vector<1x10000x8xf32>
    %get3A_99 = vector.shape_cast %get3A_98 : vector<1x10000x8xf32> to vector<10000x8xf32>
    %add3A_100 = arith.addf %get3A_94, %get3A_99 : vector<10000x8xf32>
    %dot_general3A_101 = arith.constant dense<0.000000e+00> : vector<10000x64xf32>
    %dot_general3A_102 = tpu.matmul %add3A_100, %select_n3A_68, %dot_general3A_101 {dimension_numbers = #tpu.dot_dimension_numbers<[1], [0], [0], [1], [0, 0, 1, 1], [], []>, transpose_lhs_hint = false} : vector<10000x8xf32>, vector<8x64xf32>, vector<10000x64xf32> -> vector<10000x64xf32>
    %add3A_103 = arith.addf %dot_general3A_102, %exp3A : vector<10000x64xf32>
    %add3A_104 = arith.constant 1.000000e-16 : f32
    %add3A_105 = vector.broadcast %add3A_104 : f32 to vector<10000x64xf32>
    %add3A_106 = arith.addf %add3A_103, %add3A_105 : vector<10000x64xf32>
    %get3A_107 = arith.constant 0 : index
    %get3A_108 = arith.constant 0 : index
    %get3A_109 = arith.constant 0 : index
    %get3A_110 = vector.load %arg0[%get3A_107, %get3A_108, %get3A_109] : memref<2x10240x64xf32, #tpu.memory_space<vmem>>, vector<1x10000x64xf32>
    %get3A_111 = vector.shape_cast %get3A_110 : vector<1x10000x64xf32> to vector<10000x64xf32>
    %get3A_112 = arith.constant 1 : index
    %get3A_113 = arith.constant 0 : index
    %get3A_114 = arith.constant 0 : index
    %get3A_115 = vector.load %arg0[%get3A_112, %get3A_113, %get3A_114] : memref<2x10240x64xf32, #tpu.memory_space<vmem>>, vector<1x10000x64xf32>
    %get3A_116 = vector.shape_cast %get3A_115 : vector<1x10000x64xf32> to vector<10000x64xf32>
    %add3A_117 = arith.addf %get3A_111, %get3A_116 : vector<10000x64xf32>
    %mul3A_118 = arith.mulf %slice3A, %exp3A : vector<10000x64xf32>
    %add3A_119 = arith.addf %add3A_117, %mul3A_118 : vector<10000x64xf32>
    %div3A_120 = arith.divf %add3A_119, %add3A_106 : vector<10000x64xf32>
    %get3A_121 = arith.constant 0 : index
    %get3A_122 = arith.constant 0 : index
    %get3A_123 = vector.load %arg5[%get3A_121, %get3A_122] : memref<1x64xf32, #tpu.memory_space<vmem>>, vector<1x64xf32>
    %add3A_124 = vector.broadcast %get3A_123 : vector<1x64xf32> to vector<10000x64xf32>
    %add3A_125 = arith.addf %div3A_120, %add3A_124 : vector<10000x64xf32>
    %reduce_sum3A = arith.constant dense<0.000000e+00> : vector<64xf32>
    %reduce_sum3A_126 = vector.multi_reduction <add>, %add3A_125, %reduce_sum3A [0] : vector<10000x64xf32> to vector<64xf32>
    %broadcast_in_dim3A_127 = vector.shape_cast %reduce_sum3A_126 : vector<64xf32> to vector<1x64xf32>
    %div3A_128 = arith.constant 1.000000e+04 : f32
    %div3A_129 = vector.broadcast %div3A_128 : f32 to vector<1x64xf32>
    %div3A_130 = arith.divf %broadcast_in_dim3A_127, %div3A_129 : vector<1x64xf32>
    %sub3A_131 = vector.broadcast %div3A_130 : vector<1x64xf32> to vector<10000x64xf32>
    %sub3A_132 = arith.subf %add3A_125, %sub3A_131 : vector<10000x64xf32>
    %mul3A_133 = arith.mulf %sub3A_132, %sub3A_132 : vector<10000x64xf32>
    %reduce_sum3A_134 = arith.constant dense<0.000000e+00> : vector<64xf32>
    %reduce_sum3A_135 = vector.multi_reduction <add>, %mul3A_133, %reduce_sum3A_134 [0] : vector<10000x64xf32> to vector<64xf32>
    %broadcast_in_dim3A_136 = vector.shape_cast %reduce_sum3A_135 : vector<64xf32> to vector<1x64xf32>
    %div3A_137 = arith.constant 1.000000e+04 : f32
    %div3A_138 = vector.broadcast %div3A_137 : f32 to vector<1x64xf32>
    %div3A_139 = arith.divf %broadcast_in_dim3A_136, %div3A_138 : vector<1x64xf32>
    %add3A_140 = arith.constant 9.99999974E-6 : f32
    %add3A_141 = vector.broadcast %add3A_140 : f32 to vector<1x64xf32>
    %add3A_142 = arith.addf %div3A_139, %add3A_141 : vector<1x64xf32>
    %rsqrt3A = math.rsqrt %add3A_142 : vector<1x64xf32>
    %mul3A_143 = vector.broadcast %rsqrt3A : vector<1x64xf32> to vector<10000x64xf32>
    %mul3A_144 = arith.mulf %sub3A_132, %mul3A_143 : vector<10000x64xf32>
    %get3A_145 = arith.constant 0 : index
    %get3A_146 = arith.constant 0 : index
    %get3A_147 = vector.load %arg6[%get3A_145, %get3A_146] : memref<1x64xf32, #tpu.memory_space<vmem>>, vector<1x64xf32>
    %mul3A_148 = vector.broadcast %get3A_147 : vector<1x64xf32> to vector<10000x64xf32>
    %mul3A_149 = arith.mulf %mul3A_144, %mul3A_148 : vector<10000x64xf32>
    %get3A_150 = arith.constant 0 : index
    %get3A_151 = arith.constant 0 : index
    %get3A_152 = vector.load %arg7[%get3A_150, %get3A_151] : memref<1x64xf32, #tpu.memory_space<vmem>>, vector<1x64xf32>
    %add3A_153 = vector.broadcast %get3A_152 : vector<1x64xf32> to vector<10000x64xf32>
    %add3A_154 = arith.addf %mul3A_149, %add3A_153 : vector<10000x64xf32>
    %ge3A_155 = arith.constant 0.000000e+00 : f32
    %ge3A_156 = vector.broadcast %ge3A_155 : f32 to vector<10000x64xf32>
    %ge3A_157 = arith.cmpf oge, %add3A_154, %ge3A_156 : vector<10000x64xf32>
    %mul3A_158 = arith.constant 0.00999999977 : f32
    %mul3A_159 = vector.broadcast %mul3A_158 : f32 to vector<10000x64xf32>
    %mul3A_160 = arith.mulf %mul3A_159, %add3A_154 : vector<10000x64xf32>
    %select_n3A_161 = arith.select %ge3A_157, %add3A_154, %mul3A_160 : vector<10000x64xi1>, vector<10000x64xf32>
    %swap3A = arith.constant 0 : index
    %swap3A_162 = arith.constant 0 : index
    %swap3A_163 = vector.load %arg8[%swap3A, %swap3A_162] : memref<10000x64xf32, #tpu.memory_space<vmem>>, vector<10000x64xf32>
    tpu.vector_store %arg8[%swap3A, %swap3A_162], %select_n3A_161 {strides = array<i32>} : memref<10000x64xf32, #tpu.memory_space<vmem>>, vector<10000x64xf32>,
    return
  }
}

</mosaic_0001>

<sc_bundles>
// kernel: kernel.5.cloned.1.call-start
scs
__scs_entry_jumppad:
0x0: {  	(pc) =	sbr.rel $0x88, $3  }
0x1: {  	(tag) =	ssettag $0x0;
	lr =	simm.s32 $0x1  }
0x2: {  	[smem:$0x3F96] =	sst lr;
	_ =	strace $0xD0000000  }
0x3: {  	_ = 	snop  }
0x4: {  	_ = 	snop  }
0x5: {  	_ = 	snop  }
0x6: {  	_ = 	snop  }
0x7: {  	_ = 	snop  }
__scs_overlays_trampoline_lowered:
0x8: {  	[smem:$0x3FA5] =	sst s0  }
0x9: {  	[smem:$0x3FA6] =	sst s1  }
0xa: {  	[smem:$0x3FA7] =	sst s2  }
0xb: {  	[smem:$0x3FA8] =	sst s3  }
0xc: {  	[smem:$0x3FA9] =	sst s4  }
0xd: {  	[smem:$0x3FAA] =	sst s5  }
0xe: {  	[smem:$0x3FAB] =	sst s6  }
0xf: {  	[smem:$0x3FAC] =	sst s7  }
0x10: {  	[smem:$0x3FAD] =	sst s8  }
0x11: {  	[smem:$0x3FAE] =	sst s9;
	s0 =	simm.s32 @!p0 $0x0  }
0x12: {  	s1 =	sld [smem:$0x3F94];
	s0 =	simm.s32 @p0 $0x1  }
0x13: {  	[smem:$0x3FAF] =	sst s0;
	s0 =	simm.s32 @!p1 $0x0  }
0x14: {  	s2 =	sld [smem:$0x3F93];
	s0 =	simm.s32 @p1 $0x1  }
0x15: {  	[smem:$0x3FB0] =	sst s0;
	s0 =	simm.s32 @!p2 $0x0  }
0x16: {  	s3 =	sld [smem:$0x3FDB];
	s0 =	simm.s32 @p2 $0x1  }
0x17: {  	s4 =	simm.s32 $0x1BF5;
	[smem:$0x3FB2] =	sst s0  }
0x18: {  	s0 =	sld [smem:$0x3F95];
	_ =	swait.ge [sflag:s4], $0x0  }
0x19: {  	s7 =	sld [smem:$0x3F96]  }
0x1a: {  	s8 =	sadd.s32 $0xFFFFE003, lr  }
0x1b: {  	s9 =	sadd.s32 $0xFFFFFEF7, lr;
	s5 =	simm.s32 $0xFFFFFFFF;
	p2 =	slt.u32 s8, $0xFFFFF086  }
0x1c: {  	p1 =	slt.u32 s9, $0xF7A;
	s5 =	simm.s32 @!p2 $0x0  }
0x1d: {  	s5 =	simm.s32 @p1 $0x1;
	p0 =	seq.s32 s7, s2  }
0x1e: {  	s7 =	smul.u32 @!p0 $0xF7A, s2;
	p2 =	seq.s32 @!p0 s5, $0x0  }
0x1f: {  	s9 =	smul.u32 $0xF7A, s1;
	s8 =	simm.s32 @!p0 $0x1BF5;
	p2 =	por !p2, p0  }
0x20: {  	[sflag:s8] =	ssyncset.s32 @!p0 $0xFFFFF086;
	s6 =	sadd.s32 @!p0 s3, s7;
	s7 =	simm.s32 @!p0 $0x108  }
0x21: {  	s3 =	sadd.s32 s3, s9;
	s6 =	sadd.s32 @!p0 $0x88, s6;
	s7 =	simm.s32 @p2 $0x1082  }
0x22: {  	[simem:s7], [sflag:s8] =	dma.local @!p0 [hbm:s6], $0xF7A  }
0x23: {  	s9 =	sor.u32 $0xD0000000, s2;
	s6 =	simm.s32 $0x108;
	_ =	swait.ge @!p0 [sflag:s8], $0x0  }
0x24: {  	s3 =	sadd.s32 $0x88, s3;
	s6 =	simm.s32 @!p1 $0x1082;
	[sflag:s4] =	ssyncset.s32 $0xFFFFF086  }
0x25: {  	[simem:s6], [sflag:s4] =	dma.local [hbm:s3], $0xF7A  }
0x26: {  	[smem:$0x3F96] =	sst s1;
	(tag) =	ssettag s2;
	_ =	strace s9  }
0x27: {  	s1 =	sld [smem:$0x3FA6]  }
0x28: {  	s2 =	sld [smem:$0x3FA7]  }
0x29: {  	s4 =	sld [smem:$0x3FA9]  }
0x2a: {  	p0 =	seq.s32 s5, $0x0;
	s5 =	sld [smem:$0x3FAA]  }
0x2b: {  	s6 =	sld [smem:$0x3FAB]  }
0x2c: {  	s7 =	sld [smem:$0x3FAC]  }
0x2d: {  	s3 =	simm.s32 $0x108;
	s8 =	sld [smem:$0x3FAD]  }
0x2e: {  	s3 =	simm.s32 @!p0 $0x1082;
	s9 =	sld [smem:$0x3FAE]  }
0x2f: {  	lr =	sadd.s32 s0, s3;
	s0 =	sld [smem:$0x3FA5]  }
0x30: {  	s3 =	sld [smem:$0x3FA8]  }
0x31: {  	[smem:$0x3FB1] =	sst s10  }
0x32: {  	s10 =	sld [smem:$0x3FAF];
	_ =	sdelay $0x3  }
0x33: {  	p0 =	seq.s32 s10, $0x1;
	s10 =	sld [smem:$0x3FB1];
	_ =	sdelay $0x3  }
0x34: {  	[smem:$0x3FB1] =	sst s10  }
0x35: {  	s10 =	sld [smem:$0x3FB0];
	_ =	sdelay $0x3  }
0x36: {  	p1 =	seq.s32 s10, $0x1;
	s10 =	sld [smem:$0x3FB1];
	_ =	sdelay $0x3  }
0x37: {  	[smem:$0x3FB1] =	sst s10  }
0x38: {  	s10 =	sld [smem:$0x3FB2]  }
0x39: {  	_ = 	snop;
	(pc) =	sbr.ind lr, $3  }
0x3a: {  	_ = 	snop  }
0x3b: {  	_ = 	snop  }
0x3c: {  	p2 =	seq.s32 s10, $0x1;
	s10 =	sld [smem:$0x3FB1]  }
0x3d: {  	_ =	shalt  }
0x3e: {  	_ =	shalt  }
0x3f: {  	_ =	shalt  }
0x40: {  	_ =	shalt  }
0x41: {  	_ =	shalt  }
0x42: {  	_ =	shalt  }
0x43: {  	_ =	shalt  }
0x44: {  	_ =	shalt  }
0x45: {  	_ =	shalt  }
0x46: {  	_ =	shalt  }
0x47: {  	_ =	shalt  }
0x48: {  	_ =	shalt  }
0x49: {  	_ =	shalt  }
0x4a: {  	_ =	shalt  }
0x4b: {  	_ =	shalt  }
0x4c: {  	_ =	shalt  }
0x4d: {  	_ =	shalt  }
0x4e: {  	_ =	shalt  }
0x4f: {  	_ =	shalt  }
0x50: {  	_ =	shalt  }
0x51: {  	_ =	shalt  }
0x52: {  	_ =	shalt  }
0x53: {  	_ =	shalt  }
0x54: {  	_ =	shalt  }
0x55: {  	_ =	shalt  }
0x56: {  	_ =	shalt  }
0x57: {  	_ =	shalt  }
0x58: {  	_ =	shalt  }
0x59: {  	_ =	shalt  }
0x5a: {  	_ =	shalt  }
0x5b: {  	_ =	shalt  }
0x5c: {  	_ =	shalt  }
0x5d: {  	_ =	shalt  }
0x5e: {  	_ =	shalt  }
0x5f: {  	_ =	shalt  }
0x60: {  	_ =	shalt  }
0x61: {  	_ =	shalt  }
0x62: {  	_ =	shalt  }
0x63: {  	_ =	shalt  }
0x64: {  	_ =	shalt  }
0x65: {  	_ =	shalt  }
0x66: {  	_ =	shalt  }
0x67: {  	_ =	shalt  }
0x68: {  	_ =	shalt  }
0x69: {  	_ =	shalt  }
0x6a: {  	_ =	shalt  }
0x6b: {  	_ =	shalt  }
0x6c: {  	_ =	shalt  }
0x6d: {  	_ =	shalt  }
0x6e: {  	_ =	shalt  }
0x6f: {  	_ =	shalt  }
0x70: {  	_ =	shalt  }
0x71: {  	_ =	shalt  }
0x72: {  	_ =	shalt  }
0x73: {  	_ =	shalt  }
0x74: {  	_ =	shalt  }
0x75: {  	_ =	shalt  }
0x76: {  	_ =	shalt  }
0x77: {  	_ =	shalt  }
0x78: {  	_ =	shalt  }
0x79: {  	_ =	shalt  }
0x7a: {  	_ =	shalt  }
0x7b: {  	_ =	shalt  }
0x7c: {  	_ =	shalt  }
0x7d: {  	_ =	shalt  }
0x7e: {  	_ =	shalt  }
0x7f: {  	_ =	shalt  }
0x80: {  	_ =	shalt  }
0x81: {  	_ =	shalt  }
0x82: {  	_ =	shalt  }
0x83: {  	_ =	shalt  }
0x84: {  	_ =	shalt  }
0x85: {  	_ =	shalt  }
0x86: {  	_ =	shalt  }
0x87: {  	_ =	shalt  }
.Lfunc_end0:
.L_simem_size_0:
called_computation_lowered:
.L_overlay_start_0:
0x88: {  	s2 =	sld [smem:$0x3FD9]  }
0x89: {  	s3 =	sld [smem:$0x3FFE];
	_ =	sdelay $0x1  }
0x8a: {  	s1 =	srdreg.scid  }
0x8b: {  	s0 =	sand.u32 $0x1, s1  }
0x8c: {  	s17 =	sshll.u32 s0, $0xA;
	s2 =	sadd.s32 s3, s2  }
0x8d: {  	s2 =	sadd.s32 s2, s17  }
0x8e: {  	[smem:$0x3FBD] =	sst s2  }
0x8f: {  	_ = 	snop  }
0x90: {  	s2 =	sld [smem:$0x3FD0];
	(tm) =	ssettm $0x1  }
0x91: {  	s18 =	sld [smem:$0x3FFB];
	_ =	sdelay $0x3  }
0x92: {  	_ =	strace s18  }
0x93: {  	s3 =	sld [smem:$0x3FFC];
	_ =	sdelay $0x3  }
0x94: {  	_ =	strace s3  }
0x95: {  	s3 =	sld [smem:$0x3FFD];
	_ =	sdelay $0x3  }
0x96: {  	_ =	strace s3  }
0x97: {  	_ =	strace $0x8FFFFFFF  }
0x98: {  	s19 =	sld [smem:$0x3FDB];
	_ =	sdelay $0x1  }
0x99: {  	s4 =	simm.s32 $_scs_section_size  }
0x9a: {  	s5 =	simm.s32 $_size__tile_overlayer_lowered;
	s6 =	simm.s32 $_tile_overlayer_lowered  }
0x9b: {  	s22 =	simm.s32 $0x1BFF;
	s21 =	sshll.u32 s6, $0x1;
	s3 =	sadd.s32 s4, s19  }
0x9c: {  	s7 =	simm.s32 $0x0;
	s20 =	sshll.u32 s5, $0x1;
	s5 =	sadd.s32 s21, s3  }
0x9d: {  	[timem:s7], [sflag:s22] =	dma.local [hbm:s5], s20  }
0x9e: {  	_ =	swait.ge [sflag:s22], s20  }
0x9f: {  	s4 =	ssub.s32 $0x0, s20;
	[sflag:s22] =	ssyncset.done $0x0  }
0xa0: {  	[sflag:s22] =	ssyncadd.s32 s4;
	_ =	sdelay $0x1  }
0xa1: {  	s23 =	simm.s32 $0x1B8B  }
0xa2: {  	_ =	swait.ge [sflag:s23], $0x1  }
0xa3: {  	[sflag:s23] =	ssyncset.done $0x0  }
0xa4: {  	s25 =	simm.s32 $0x1B8E;
	s24 =	sld [smem:$0x3FFE];
	[sflag:s23] =	ssyncadd.s32 $0xFFFFFFFF  }
0xa5: {  	s26 =	simm.s32 $execute0_lowered;
	[smem:$0x3FD2] =	sst s25  }
0xa6: {  	s5 =	sshll.u32 s26, $0x1;
	_ =	strace $0x80000046;
	[dreg:$0x1] =	wrdreg $0xFFFFFFFF  }
0xa7: {  	s28 =	simm.s32 $_size_execute0_lowered;
	s3 =	sadd.s32 s3, s5;
	[dreg:$0x0] =	wrdreg $0x0  }
0xa8: {  	s5 =	sshll.u32 s28, $0x1;
	[dreg:$0x2] =	wrdreg s3  }
0xa9: {  	[dreg:$0x3] =	wrdreg s5  }
0xaa: {  	[dreg:$0x4] =	wrdreg $0xC0  }
0xab: {  	_ =	task [dreg:s7], $0x5FFFF  }
0xac: {  	[dreg:$0x1] =	wrdreg $0xFFFFFFFF  }
0xad: {  	[dreg:$0x0] =	wrdreg $0x60  }
0xae: {  	[dreg:$0x2] =	wrdreg s24  }
0xaf: {  	[dreg:$0x3] =	wrdreg s2  }
0xb0: {  	[dreg:$0x4] =	wrdreg $0x42D00  }
0xb1: {  	[dreg:$0x5] =	wrdreg $0xE2D00  }
0xb2: {  	[dreg:$0x6] =	wrdreg $0x9  }
0xb3: {  	_ =	task.clear_ibuf [dreg:s7], $0x7FFFF;
	_ =	strace $0x90000046  }
0xb4: {  	s29 =	simm.s32 $0x9;
	_ =	strace $0x80000048  }
0xb5: {  	_ =	swait.ge [sflag:s29], $0x1  }
0xb6: {  	[sflag:s29] =	ssyncadd.s32 $0xFFFFFFFF  }
0xb7: {  	_ =	strace $0x90000048  }
0xb8: {  	_ =	sfence  }
0xb9: {  	s30 =	sld [smem:$0x0];
	_ =	sdelay $0x2  }
0xba: {  	s31 =	sshll.u32 s1, $0xD;
	s1 =	sshrl.u32 s1, $0x2  }
0xbb: {  	s3 =	sand.u32 $0x4000, s31;
	s1 =	sadd.s32 s1, s30  }
0xbc: {  	s0 =	sor.u32 s3, s0;
	s1 =	sshll.u32 s1, $0x11  }
0xbd: {  	s0 =	sor.u32 s1, s0  }
0xbe: {  	s0 =	sadd.s32 $0x8F2B, s0  }
0xbf: {  	[sflag:s0] =	ssyncadd.remote.s32 $0x1  }
0xc0: {  	_ =	sfence.sel $0xFFFF  }
0xc1: {  	[dreg:$0x0] =	wrdreg $0xFFFFFFFF;
	(pc) =	sbr.abs _section_cstart, $3  }
0xc2: {  	[dreg:$0x1] =	wrdreg $0xFFFFFFFF  }
0xc3: {  	_ =	task.clear_ibuf [dreg:s7], $0x2FFFF;
	_ =	strace $0x9FFFFFFF  }
0xc4: {  	(tm) =	ssettm $0x7FFFFFFF  }
0xc5: {  	_ =	shalt  }
tec
execute0_lowered:
.L_overlay_start_1:
0x0: {  	(tag) =	ssettag $0x1  }
0x1: {  	s3 =	stileid.u32  }
0x2: {  	s0 =	srdreg.scid;
	s10 =	smul.u32 $0x280, s3  }
0x3: {  	s5 =	rddreg [dreg:$0x0];
	s12 =	smul.u32 $0xA000, s3  }
0x4: {  	s30 =	rddreg [dreg:$0x2];
	s2 =	sand.u32 $0x1, s0;
	s16 =	smul.u32 $0x1400, s3  }
0x5: {  	s20 =	sadd.s32 $0x37800, s5;
	s0 =	ssub.s32 $0x2, s2;
	s25 =	smul.u32 $0xA0000, s2  }
0x6: {  	s19 =	sshll.u32 s3, $0x1;
	s26 =	smul.u32 $0x14000, s2;
	s1 =	sshrl.u32 s0, $0x1  }
0x7: {  	s9 =	sor.u32 $0x40, s10;
	s13 =	sadd.s32 $0x80, s10;
	s8 =	sadd.s32 $0xC0, s10  }
0x8: {  	s11 =	sadd.s32 $0x100, s10;
	s7 =	sadd.s32 $0x140, s10;
	s6 =	sadd.s32 $0x180, s10  }
0x9: {  	s3 =	sadd.s32 $0x1C0, s10;
	s0 =	ssub.s32 s0, s1;
	s1 =	sor.u32 s2, s19  }
0xa: {  	s15 =	sshll.u32 s9, $0x6;
	s17 =	sshll.u32 s13, $0x6;
	s14 =	sshll.u32 s8, $0x6  }
0xb: {  	s4 =	sadd.s32 s12, s25;
	s2 =	sadd.s32 $0x240, s10;
	s22 =	sadd.s32 s16, s26  }
0xc: {  	[smem:$0x7F4] =	sst s0;
	s18 =	sshrl.u32 s4, $0x3;
	s4 =	sadd.s32 $0x200, s10  }
0xd: {  	s23 =	sadd.s32 s25, s15;
	s19 =	sadd.s32 s25, s17;
	s28 =	sshrl.u32 s22, $0x3  }
0xe: {  	s21 =	sadd.s32 s20, s18;
	s24 =	sshrl.u32 s23, $0x3;
	s0 =	sshrl.u32 s19, $0x3  }
0xf: {  	s18 =	sshll.u32 s7, $0x6;
	[dreg:$0x5] =	wrdreg s21;
	s10 =	sadd.s32 s20, s24  }
0x10: {  	s19 =	sadd.s32 s20, s0;
	s21 =	sadd.s32 s25, s14;
	[dreg:$0x6] =	wrdreg s10  }
0x11: {  	[dreg:$0x7] =	wrdreg s19;
	s10 =	sshrl.u32 s21, $0x3;
	s19 =	sshll.u32 s11, $0x6  }
0x12: {  	s21 =	sadd.s32 s25, s18;
	s10 =	sadd.s32 s20, s10;
	s22 =	sadd.s32 s25, s19  }
0x13: {  	[dreg:$0x8] =	wrdreg s10;
	s10 =	sshrl.u32 s22, $0x3;
	s22 =	sshrl.u32 s21, $0x3  }
0x14: {  	s21 =	sshll.u32 s6, $0x6;
	s10 =	sadd.s32 s20, s10;
	s23 =	sadd.s32 s20, s22  }
0x15: {  	s24 =	sadd.s32 s25, s21;
	s22 =	sshll.u32 s4, $0x6;
	[dreg:$0x9] =	wrdreg s10  }
0x16: {  	[dreg:$0xa] =	wrdreg s23;
	s10 =	sshrl.u32 s24, $0x3;
	s23 =	sshll.u32 s3, $0x6  }
0x17: {  	s24 =	sadd.s32 s25, s22;
	s10 =	sadd.s32 s20, s10;
	s0 =	sadd.s32 s25, s23  }
0x18: {  	s29 =	sshrl.u32 s24, $0x3;
	s24 =	sshll.u32 s2, $0x6;
	[dreg:$0xb] =	wrdreg s10  }
0x19: {  	s10 =	sshrl.u32 s0, $0x3;
	s0 =	sadd.s32 s20, s29;
	s29 =	sadd.s32 $0x5F800, s5  }
0x1a: {  	s10 =	sadd.s32 s20, s10;
	[dreg:$0xd] =	wrdreg s0;
	s0 =	sadd.s32 s25, s24  }
0x1b: {  	[dreg:$0xc] =	wrdreg s10;
	s25 =	sshrl.u32 s0, $0x3;
	s10 =	simm.s32 $0x0  }
0x1c: {  	s20 =	sadd.s32 s20, s25;
	[smem:$0x7FF] =	sst s10;
	s25 =	sadd.s32 s29, s28  }
0x1d: {  	[dreg:$0xe] =	wrdreg s20;
	s20 =	sshrl.u32 s26, $0x3;
	s26 =	sadd.s32 s29, s9  }
0x1e: {  	s0 =	sadd.s32 s29, s13;
	[dreg:$0xf] =	wrdreg s25;
	s25 =	sadd.s32 s20, s26  }
0x1f: {  	s26 =	sadd.s32 s20, s0;
	s0 =	sadd.s32 s29, s8;
	[dreg:$0x10] =	wrdreg s25  }
0x20: {  	[dreg:$0x11] =	wrdreg s26;
	s25 =	sadd.s32 s20, s0;
	s26 =	sadd.s32 s29, s11  }
0x21: {  	s0 =	sadd.s32 s29, s7;
	[dreg:$0x12] =	wrdreg s25;
	s25 =	sadd.s32 s20, s26  }
0x22: {  	s0 =	sadd.s32 s20, s0;
	s26 =	sadd.s32 s29, s6;
	[dreg:$0x13] =	wrdreg s25  }
0x23: {  	[dreg:$0x14] =	wrdreg s0;
	s0 =	sadd.s32 s29, s3;
	s25 =	sadd.s32 s20, s26  }
0x24: {  	[dreg:$0x15] =	wrdreg s25;
	s0 =	sadd.s32 s20, s0  }
0x25: {  	s31 =	sadd.s32 $0x21000, s5;
	s25 =	sadd.s32 s29, s4;
	[dreg:$0x16] =	wrdreg s0  }
0x26: {  	s26 =	sadd.s32 s29, s2;
	s0 =	rddreg [dreg:$0x3];
	s25 =	sadd.s32 s20, s25  }
0x27: {  	s12 =	sadd.s32 s12, s30;
	s20 =	sadd.s32 s20, s26;
	[dreg:$0x17] =	wrdreg s25  }
0x28: {  	s14 =	sadd.s32 s14, s30;
	[dreg:$0x18] =	wrdreg s20;
	s25 =	sadd.s32 $0x1E600, s5  }
0x29: {  	s16 =	sadd.s32 s16, s0;
	_ =	strace $0x80000047;
	[dreg:$0x19] =	wrdreg s25  }
0x2a: {  	s18 =	sadd.s32 s18, s30;
	s21 =	sadd.s32 s21, s30;
	[dreg:$0x1b] =	wrdreg s16  }
0x2b: {  	s28 =	sadd.s32 $0x14800, s5;
	s8 =	sshll.u32 s8, $0x3;
	[smem:$0x7EF] =	sst s18  }
0x2c: {  	s3 =	sshll.u32 s3, $0x3;
	s2 =	sshll.u32 s2, $0x3;
	[smem:$0x7F1] =	sst s21  }
0x2d: {  	s29 =	sadd.s32 $0xAA00, s5;
	s26 =	sadd.s32 $0xC00, s5;
	[dreg:$0x1a] =	wrdreg s12  }
0x2e: {  	s16 =	sadd.s32 s15, s30;
	s18 =	sadd.s32 s23, s30;
	[smem:$0x7F6] =	sst s14  }
0x2f: {  	s23 =	sshll.u32 s4, $0x3;
	s21 =	sadd.s32 s22, s30;
	[dreg:$0x1c] =	wrdreg s16  }
0x30: {  	s22 =	sadd.s32 s23, s0;
	s23 =	sadd.s32 s24, s30;
	s24 =	sld [smem:$0x7F4]  }
0x31: {  	s20 =	sadd.s32 $0x1E800, s5;
	s25 =	sshll.u32 s9, $0x3;
	[smem:$0x7F9] =	sst s18  }
0x32: {  	s9 =	sshll.u32 s11, $0x3;
	s5 =	sadd.s32 s25, s0;
	[smem:$0x7FB] =	sst s21  }
0x33: {  	s25 =	sshll.u32 s13, $0x3;
	s13 =	sadd.s32 s17, s30;
	[dreg:$0x1d] =	wrdreg s5  }
0x34: {  	s11 =	sshll.u32 s7, $0x3;
	s16 =	sadd.s32 s8, s0;
	[dreg:$0x1e] =	wrdreg s13  }
0x35: {  	s4 =	simm.s32 $0xF0;
	s17 =	sadd.s32 s19, s30;
	[smem:$0x7F7] =	sst s16  }
0x36: {  	s7 =	simm.s32 $0x150;
	s19 =	sshll.u32 s6, $0x3;
	[smem:$0x7F8] =	sst s17  }
0x37: {  	s30 =	simm.s32 $0x4;
	s6 =	simm.s32 $0x650;
	[smem:$0x7FC] =	sst s22  }
0x38: {  	s8 =	simm.s32 $0x1;
	s5 =	sadd.s32 s9, s0;
	[smem:$0x7FD] =	sst s23  }
0x39: {  	s15 =	sadd.s32 s25, s0;
	s25 =	smul.u32 $0x2710, s1;
	[smem:$0x7EE] =	sst s5  }
0x3a: {  	s9 =	simm.s32 $0x3D0;
	s5 =	sadd.s32 s11, s0;
	[dreg:$0x1f] =	wrdreg s15  }
.Ltmp0:
0x3b: {  	[smem:$0x7F0] =	sst s5;
	s5 =	sadd.s32 s19, s0;
	(pc) =	sbr.rel .LBB2_1-.Ltmp0, $4  }
0x3c: {  	v2 =	vlaneseq.u32;
	s19 =	sadd.s32 s3, s0;
	s0 =	sadd.s32 s2, s0;
	[smem:$0x7F2] =	sst s5  }
0x3d: {  	v0 =	vand.u32 $0x7, v2;
	v1 =	vor.u32 $0x8, v2;
	v2 =	vshrl.u32 v2, $0x3;
	s11 =	simm.s32 $0x0;
	s2 =	simm.s32 $0x50;
	[smem:$0x7F3] =	sst s0  }
0x3e: {  	v3 =	vimm.f32 $0.0e+00;
	v4 =	vmul.u32 $0x8, v2;
	v5 =	vor.u32 $0x40, v0;
	s3 =	simm.s32 $0xA0;
	s0 =	smax.u32 s24, $0x1;
	[smem:$0x7FA] =	sst s19  }
0x3f: {  	v6 =	vor.u32 $0x2, v2;
	v7 =	vor.u32 $0x4, v2;
	v8 =	vor.u32 $0x6, v2;
	s5 =	simm.s32 $0x3;
	[smem:$0x7F5] =	sst s0;
	s0 =	simm.s32 $0x40D0  }
.LBB2_19:
0x40: {  	[bflag:$0x0] =	sbarrier.arrive $0xFFFF  }
0x41: {  	s11 =	simm.s32 $0x30D0;
	s12 =	rddreg [dreg:$0x1a]  }
0x42: {  	[tilespmem:s11], [sflag:$0x4] =	stream.linear.gather [spmem:s12], $0x1000, $0x38;
	[tilespmem:$0xF6D0] =	vst v63  }
0x43: {  	_ =	swait.ge [sflag:s30], $0x1000  }
0x44: {  	[sflag:s30] =	ssyncset.done $0x0  }
0x45: {  	s1 =	rddreg [dreg:$0x5];
	[sflag:s30] =	ssyncadd.s32 $0xFFFFF000  }
0x46: {  	[hbm4b:s1+s10] =	stream.linear.scatter [tilespmem:s11], [sflag:$0x4], $0x1000, $0x38;
	[tilespmem:$0xF6D0] =	vst v63  }
0x47: {  	_ =	swait.ge [sflag:s30], $0x1000  }
0x48: {  	[sflag:s30] =	ssyncset.done $0x0  }
0x49: {  	s22 =	rddreg [dreg:$0x1b];
	[sflag:s30] =	ssyncadd.s32 $0xFFFFF000  }
0x4a: {  	[tilespmem:s0], [sflag:$0x4] =	stream.linear.gather [spmem:s22], $0x200, $0x38;
	[tilespmem:$0xF6D0] =	vst v63  }
0x4b: {  	_ =	swait.ge [sflag:s30], $0x200  }
0x4c: {  	[sflag:s30] =	ssyncset.done $0x0  }
0x4d: {  	s23 =	rddreg [dreg:$0xf];
	[sflag:s30] =	ssyncadd.s32 $0xFFFFFE00  }
0x4e: {  	[hbm4b:s23+s10] =	stream.linear.scatter [tilespmem:s0], [sflag:$0x4], $0x200, $0x38;
	[tilespmem:$0xF6D0] =	vst v63  }
0x4f: {  	_ =	swait.ge [sflag:s30], $0x200  }
0x50: {  	[sflag:s30] =	ssyncset.done $0x0  }
0x51: {  	s24 =	rddreg [dreg:$0x1c];
	[sflag:s30] =	ssyncadd.s32 $0xFFFFFE00  }
0x52: {  	[tilespmem:s11], [sflag:$0x4] =	stream.linear.gather [spmem:s24], $0x1000, $0x38;
	[tilespmem:$0xF6D0] =	vst v63  }
0x53: {  	_ =	swait.ge [sflag:s30], $0x1000  }
0x54: {  	[sflag:s30] =	ssyncset.done $0x0  }
0x55: {  	s13 =	rddreg [dreg:$0x6];
	[sflag:s30] =	ssyncadd.s32 $0xFFFFF000  }
0x56: {  	[hbm4b:s13+s10] =	stream.linear.scatter [tilespmem:s11], [sflag:$0x4], $0x1000, $0x38;
	[tilespmem:$0xF6D0] =	vst v63  }
0x57: {  	_ =	swait.ge [sflag:s30], $0x1000  }
0x58: {  	[sflag:s30] =	ssyncset.done $0x0  }
0x59: {  	s14 =	rddreg [dreg:$0x1d];
	[sflag:s30] =	ssyncadd.s32 $0xFFFFF000  }
0x5a: {  	[tilespmem:s0], [sflag:$0x4] =	stream.linear.gather [spmem:s14], $0x200, $0x38;
	[tilespmem:$0xF6D0] =	vst v63  }
0x5b: {  	_ =	swait.ge [sflag:s30], $0x200  }
0x5c: {  	[sflag:s30] =	ssyncset.done $0x0  }
0x5d: {  	s15 =	rddreg [dreg:$0x10];
	[sflag:s30] =	ssyncadd.s32 $0xFFFFFE00  }
0x5e: {  	[hbm4b:s15+s10] =	stream.linear.scatter [tilespmem:s0], [sflag:$0x4], $0x200, $0x38;
	[tilespmem:$0xF6D0] =	vst v63  }
0x5f: {  	_ =	swait.ge [sflag:s30], $0x200  }
0x60: {  	[sflag:s30] =	ssyncset.done $0x0  }
0x61: {  	s13 =	rddreg [dreg:$0x1e];
	[sflag:s30] =	ssyncadd.s32 $0xFFFFFE00  }
0x62: {  	[tilespmem:s11], [sflag:$0x4] =	stream.linear.gather [spmem:s13], $0x1000, $0x38;
	[tilespmem:$0xF6D0] =	vst v63  }
0x63: {  	_ =	swait.ge [sflag:s30], $0x1000  }
0x64: {  	[sflag:s30] =	ssyncset.done $0x0  }
0x65: {  	s16 =	rddreg [dreg:$0x7];
	[sflag:s30] =	ssyncadd.s32 $0xFFFFF000  }
0x66: {  	[hbm4b:s16+s10] =	stream.linear.scatter [tilespmem:s11], [sflag:$0x4], $0x1000, $0x38;
	[tilespmem:$0xF6D0] =	vst v63  }
0x67: {  	_ =	swait.ge [sflag:s30], $0x1000  }
0x68: {  	[sflag:s30] =	ssyncset.done $0x0  }
0x69: {  	s15 =	rddreg [dreg:$0x1f];
	[sflag:s30] =	ssyncadd.s32 $0xFFFFF000  }
0x6a: {  	[tilespmem:s0], [sflag:$0x4] =	stream.linear.gather [spmem:s15], $0x200, $0x38;
	[tilespmem:$0xF6D0] =	vst v63  }
0x6b: {  	_ =	swait.ge [sflag:s30], $0x200  }
0x6c: {  	[sflag:s30] =	ssyncset.done $0x0  }
0x6d: {  	s17 =	rddreg [dreg:$0x11];
	[sflag:s30] =	ssyncadd.s32 $0xFFFFFE00  }
0x6e: {  	[hbm4b:s17+s10] =	stream.linear.scatter [tilespmem:s0], [sflag:$0x4], $0x200, $0x38;
	[tilespmem:$0xF6D0] =	vst v63  }
0x6f: {  	_ =	swait.ge [sflag:s30], $0x200  }
0x70: {  	s14 =	sld [smem:$0x7F6]  }
0x71: {  	[sflag:s30] =	ssyncset.done $0x0  }
0x72: {  	[sflag:s30] =	ssyncadd.s32 $0xFFFFFE00  }
0x73: {  	[tilespmem:s11], [sflag:$0x4] =	stream.linear.gather [spmem:s14], $0x1000, $0x38;
	[tilespmem:$0xF6D0] =	vst v63  }
0x74: {  	_ =	swait.ge [sflag:s30], $0x1000  }
0x75: {  	[sflag:s30] =	ssyncset.done $0x0  }
0x76: {  	s18 =	rddreg [dreg:$0x8];
	[sflag:s30] =	ssyncadd.s32 $0xFFFFF000  }
0x77: {  	[hbm4b:s18+s10] =	stream.linear.scatter [tilespmem:s11], [sflag:$0x4], $0x1000, $0x38;
	[tilespmem:$0xF6D0] =	vst v63  }
0x78: {  	_ =	swait.ge [sflag:s30], $0x1000  }
0x79: {  	s16 =	sld [smem:$0x7F7]  }
0x7a: {  	[sflag:s30] =	ssyncset.done $0x0  }
0x7b: {  	[sflag:s30] =	ssyncadd.s32 $0xFFFFF000  }
0x7c: {  	[tilespmem:s0], [sflag:$0x4] =	stream.linear.gather [spmem:s16], $0x200, $0x38;
	[tilespmem:$0xF6D0] =	vst v63  }
0x7d: {  	_ =	swait.ge [sflag:s30], $0x200  }
0x7e: {  	[sflag:s30] =	ssyncset.done $0x0  }
0x7f: {  	s19 =	rddreg [dreg:$0x12];
	[sflag:s30] =	ssyncadd.s32 $0xFFFFFE00  }
0x80: {  	[hbm4b:s19+s10] =	stream.linear.scatter [tilespmem:s0], [sflag:$0x4], $0x200, $0x38;
	[tilespmem:$0xF6D0] =	vst v63  }
0x81: {  	_ =	swait.ge [sflag:s30], $0x200  }
0x82: {  	s17 =	sld [smem:$0x7F8]  }
0x83: {  	[sflag:s30] =	ssyncset.done $0x0  }
0x84: {  	[sflag:s30] =	ssyncadd.s32 $0xFFFFFE00  }
0x85: {  	[tilespmem:s11], [sflag:$0x4] =	stream.linear.gather [spmem:s17], $0x1000, $0x38;
	[tilespmem:$0xF6D0] =	vst v63  }
0x86: {  	_ =	swait.ge [sflag:s30], $0x1000  }
0x87: {  	[sflag:s30] =	ssyncset.done $0x0  }
0x88: {  	s21 =	rddreg [dreg:$0x9];
	[sflag:s30] =	ssyncadd.s32 $0xFFFFF000  }
0x89: {  	[hbm4b:s21+s10] =	stream.linear.scatter [tilespmem:s11], [sflag:$0x4], $0x1000, $0x38;
	[tilespmem:$0xF6D0] =	vst v63  }
0x8a: {  	_ =	swait.ge [sflag:s30], $0x1000  }
0x8b: {  	s22 =	sld [smem:$0x7EE]  }
0x8c: {  	[sflag:s30] =	ssyncset.done $0x0  }
0x8d: {  	[sflag:s30] =	ssyncadd.s32 $0xFFFFF000  }
0x8e: {  	[tilespmem:s0], [sflag:$0x4] =	stream.linear.gather [spmem:s22], $0x200, $0x38;
	[tilespmem:$0xF6D0] =	vst v63  }
0x8f: {  	_ =	swait.ge [sflag:s30], $0x200  }
0x90: {  	[sflag:s30] =	ssyncset.done $0x0  }
0x91: {  	s23 =	rddreg [dreg:$0x13];
	[sflag:s30] =	ssyncadd.s32 $0xFFFFFE00  }
0x92: {  	[hbm4b:s23+s10] =	stream.linear.scatter [tilespmem:s0], [sflag:$0x4], $0x200, $0x38;
	[tilespmem:$0xF6D0] =	vst v63  }
0x93: {  	_ =	swait.ge [sflag:s30], $0x200  }
0x94: {  	s24 =	sld [smem:$0x7EF]  }
0x95: {  	[sflag:s30] =	ssyncset.done $0x0  }
0x96: {  	[sflag:s30] =	ssyncadd.s32 $0xFFFFFE00  }
0x97: {  	[tilespmem:s11], [sflag:$0x4] =	stream.linear.gather [spmem:s24], $0x1000, $0x38;
	[tilespmem:$0xF6D0] =	vst v63  }
0x98: {  	_ =	swait.ge [sflag:s30], $0x1000  }
0x99: {  	[sflag:s30] =	ssyncset.done $0x0  }
0x9a: {  	s18 =	rddreg [dreg:$0xa];
	[sflag:s30] =	ssyncadd.s32 $0xFFFFF000  }
0x9b: {  	[hbm4b:s18+s10] =	stream.linear.scatter [tilespmem:s11], [sflag:$0x4], $0x1000, $0x38;
	[tilespmem:$0xF6D0] =	vst v63  }
0x9c: {  	_ =	swait.ge [sflag:s30], $0x1000  }
0x9d: {  	s19 =	sld [smem:$0x7F0]  }
0x9e: {  	[sflag:s30] =	ssyncset.done $0x0  }
0x9f: {  	[sflag:s30] =	ssyncadd.s32 $0xFFFFF000  }
0xa0: {  	[tilespmem:s0], [sflag:$0x4] =	stream.linear.gather [spmem:s19], $0x200, $0x38;
	[tilespmem:$0xF6D0] =	vst v63  }
0xa1: {  	_ =	swait.ge [sflag:s30], $0x200  }
0xa2: {  	[sflag:s30] =	ssyncset.done $0x0  }
0xa3: {  	s21 =	rddreg [dreg:$0x14];
	[sflag:s30] =	ssyncadd.s32 $0xFFFFFE00  }
0xa4: {  	[hbm4b:s21+s10] =	stream.linear.scatter [tilespmem:s0], [sflag:$0x4], $0x200, $0x38;
	[tilespmem:$0xF6D0] =	vst v63  }
0xa5: {  	_ =	swait.ge [sflag:s30], $0x200  }
0xa6: {  	s22 =	sld [smem:$0x7F1]  }
0xa7: {  	[sflag:s30] =	ssyncset.done $0x0  }
0xa8: {  	[sflag:s30] =	ssyncadd.s32 $0xFFFFFE00  }
0xa9: {  	[tilespmem:s11], [sflag:$0x4] =	stream.linear.gather [spmem:s22], $0x1000, $0x38;
	[tilespmem:$0xF6D0] =	vst v63  }
0xaa: {  	_ =	swait.ge [sflag:s30], $0x1000  }
0xab: {  	[sflag:s30] =	ssyncset.done $0x0  }
0xac: {  	s23 =	rddreg [dreg:$0xb];
	[sflag:s30] =	ssyncadd.s32 $0xFFFFF000  }
0xad: {  	[hbm4b:s23+s10] =	stream.linear.scatter [tilespmem:s11], [sflag:$0x4], $0x1000, $0x38;
	[tilespmem:$0xF6D0] =	vst v63  }
0xae: {  	_ =	swait.ge [sflag:s30], $0x1000  }
0xaf: {  	s24 =	sld [smem:$0x7F2]  }
0xb0: {  	[sflag:s30] =	ssyncset.done $0x0  }
0xb1: {  	[sflag:s30] =	ssyncadd.s32 $0xFFFFF000  }
0xb2: {  	[tilespmem:s0], [sflag:$0x4] =	stream.linear.gather [spmem:s24], $0x200, $0x38;
	[tilespmem:$0xF6D0] =	vst v63  }
0xb3: {  	_ =	swait.ge [sflag:s30], $0x200  }
0xb4: {  	[sflag:s30] =	ssyncset.done $0x0  }
0xb5: {  	s18 =	rddreg [dreg:$0x15];
	[sflag:s30] =	ssyncadd.s32 $0xFFFFFE00  }
0xb6: {  	[hbm4b:s18+s10] =	stream.linear.scatter [tilespmem:s0], [sflag:$0x4], $0x200, $0x38;
	[tilespmem:$0xF6D0] =	vst v63  }
0xb7: {  	_ =	swait.ge [sflag:s30], $0x200  }
0xb8: {  	s18 =	sld [smem:$0x7F9]  }
0xb9: {  	[sflag:s30] =	ssyncset.done $0x0  }
0xba: {  	[sflag:s30] =	ssyncadd.s32 $0xFFFFFE00  }
0xbb: {  	[tilespmem:s11], [sflag:$0x4] =	stream.linear.gather [spmem:s18], $0x1000, $0x38;
	[tilespmem:$0xF6D0] =	vst v63  }
0xbc: {  	_ =	swait.ge [sflag:s30], $0x1000  }
0xbd: {  	[sflag:s30] =	ssyncset.done $0x0  }
0xbe: {  	s19 =	rddreg [dreg:$0xc];
	[sflag:s30] =	ssyncadd.s32 $0xFFFFF000  }
0xbf: {  	[hbm4b:s19+s10] =	stream.linear.scatter [tilespmem:s11], [sflag:$0x4], $0x1000, $0x38;
	[tilespmem:$0xF6D0] =	vst v63  }
0xc0: {  	_ =	swait.ge [sflag:s30], $0x1000  }
0xc1: {  	s19 =	sld [smem:$0x7FA]  }
0xc2: {  	[sflag:s30] =	ssyncset.done $0x0  }
0xc3: {  	[sflag:s30] =	ssyncadd.s32 $0xFFFFF000  }
0xc4: {  	[tilespmem:s0], [sflag:$0x4] =	stream.linear.gather [spmem:s19], $0x200, $0x38;
	[tilespmem:$0xF6D0] =	vst v63  }
0xc5: {  	_ =	swait.ge [sflag:s30], $0x200  }
0xc6: {  	[sflag:s30] =	ssyncset.done $0x0  }
0xc7: {  	s21 =	rddreg [dreg:$0x16];
	[sflag:s30] =	ssyncadd.s32 $0xFFFFFE00  }
0xc8: {  	[hbm4b:s21+s10] =	stream.linear.scatter [tilespmem:s0], [sflag:$0x4], $0x200, $0x38;
	[tilespmem:$0xF6D0] =	vst v63  }
0xc9: {  	_ =	swait.ge [sflag:s30], $0x200  }
0xca: {  	s21 =	sld [smem:$0x7FB]  }
0xcb: {  	[sflag:s30] =	ssyncset.done $0x0  }
0xcc: {  	[sflag:s30] =	ssyncadd.s32 $0xFFFFFE00  }
0xcd: {  	[tilespmem:s11], [sflag:$0x4] =	stream.linear.gather [spmem:s21], $0x1000, $0x38;
	[tilespmem:$0xF6D0] =	vst v63  }
0xce: {  	_ =	swait.ge [sflag:s30], $0x1000  }
0xcf: {  	[sflag:s30] =	ssyncset.done $0x0  }
0xd0: {  	s22 =	rddreg [dreg:$0xd];
	[sflag:s30] =	ssyncadd.s32 $0xFFFFF000  }
0xd1: {  	[hbm4b:s22+s10] =	stream.linear.scatter [tilespmem:s11], [sflag:$0x4], $0x1000, $0x38;
	[tilespmem:$0xF6D0] =	vst v63  }
0xd2: {  	_ =	swait.ge [sflag:s30], $0x1000  }
0xd3: {  	s22 =	sld [smem:$0x7FC]  }
0xd4: {  	[sflag:s30] =	ssyncset.done $0x0  }
0xd5: {  	[sflag:s30] =	ssyncadd.s32 $0xFFFFF000  }
0xd6: {  	[tilespmem:s0], [sflag:$0x4] =	stream.linear.gather [spmem:s22], $0x200, $0x38;
	[tilespmem:$0xF6D0] =	vst v63  }
0xd7: {  	_ =	swait.ge [sflag:s30], $0x200  }
0xd8: {  	[sflag:s30] =	ssyncset.done $0x0  }
0xd9: {  	s23 =	rddreg [dreg:$0x17];
	[sflag:s30] =	ssyncadd.s32 $0xFFFFFE00  }
0xda: {  	[hbm4b:s23+s10] =	stream.linear.scatter [tilespmem:s0], [sflag:$0x4], $0x200, $0x38;
	[tilespmem:$0xF6D0] =	vst v63  }
0xdb: {  	_ =	swait.ge [sflag:s30], $0x200  }
0xdc: {  	s23 =	sld [smem:$0x7FD]  }
0xdd: {  	[sflag:s30] =	ssyncset.done $0x0  }
0xde: {  	[sflag:s30] =	ssyncadd.s32 $0xFFFFFE00  }
0xdf: {  	[tilespmem:s11], [sflag:$0x4] =	stream.linear.gather [spmem:s23], $0x1000, $0x38;
	[tilespmem:$0xF6D0] =	vst v63  }
0xe0: {  	_ =	swait.ge [sflag:s30], $0x1000  }
0xe1: {  	[sflag:s30] =	ssyncset.done $0x0  }
0xe2: {  	s24 =	rddreg [dreg:$0xe];
	[sflag:s30] =	ssyncadd.s32 $0xFFFFF000  }
0xe3: {  	[hbm4b:s24+s10] =	stream.linear.scatter [tilespmem:s11], [sflag:$0x4], $0x1000, $0x38;
	[tilespmem:$0xF6D0] =	vst v63  }
0xe4: {  	_ =	swait.ge [sflag:s30], $0x1000  }
0xe5: {  	s11 =	sld [smem:$0x7F3]  }
0xe6: {  	[sflag:s30] =	ssyncset.done $0x0  }
0xe7: {  	[sflag:s30] =	ssyncadd.s32 $0xFFFFF000  }
0xe8: {  	[tilespmem:s0], [sflag:$0x4] =	stream.linear.gather [spmem:s11], $0x200, $0x38;
	[tilespmem:$0xF6D0] =	vst v63  }
0xe9: {  	_ =	swait.ge [sflag:s30], $0x200  }
0xea: {  	[sflag:s30] =	ssyncset.done $0x0  }
0xeb: {  	s24 =	rddreg [dreg:$0x18];
	[sflag:s30] =	ssyncadd.s32 $0xFFFFFE00  }
0xec: {  	[hbm4b:s24+s10] =	stream.linear.scatter [tilespmem:s0], [sflag:$0x4], $0x200, $0x38;
	[tilespmem:$0xF6D0] =	vst v63  }
0xed: {  	_ =	swait.ge [sflag:s30], $0x200  }
0xee: {  	s1 =	sld [smem:$0x7ED]  }
0xef: {  	s24 =	sld [smem:$0x7F5];
	_ =	sdelay $0x1  }
0xf0: {  	s11 =	sadd.s32 $0x1, s1  }
0xf1: {  	p0 =	sne.s32 s11, s24  }
.Ltmp1:
0xf2: {  	_ = 	snop;
	(pc) =	sbr.rel @!p0 .LBB2_20-.Ltmp1, $3  }
0xf3: {  	_ =	sdelay $0x1  }
0xf4: {  	[sflag:s30] =	ssyncset.done $0x0  }
0xf5: {  	[sflag:s30] =	ssyncadd.s32 $0xFFFFFE00  }
.LBB2_1:
0xf6: {  	[smem:$0x7ED] =	sst s11  }
0xf7: {  	s1 =	rddreg [dreg:$0x19];
	s24 =	simm.s32 $0x140  }
0xf8: {  	[tilespmem:s24], [sflag:$0x4] =	stream.linear.gather [hbm4b:s1+s10], $0x10, $0x38;
	[tilespmem:$0xF6D0] =	vst v63  }
0xf9: {  	_ =	swait.ge [sflag:s30], $0x10  }
0xfa: {  	[sflag:s30] =	ssyncset.done $0x0  }
0xfb: {  	[sflag:s30] =	ssyncadd.s32 $0xFFFFFFF0  }
0xfc: {  	v9 =	vld.idx.msk [tilespmem:v0+s24+$0x0], $0xffff  }
0xfd: {  	s1 =	simm.s32 $0x0;
	v10 =	vld.idx.msk [tilespmem:v1+s24+$0x0], $0xffff  }
.LBB2_2:
0xfe: {  	p0 =	sne.s32 s1, $0x3F00  }
.Ltmp2:
0xff: {  	s11 =	sshra.s32 s1, $0x2;
	(pc) =	sbr.rel @p0 .LBB2_2-.Ltmp2, $4  }
0x100: {  	[tilespmem:s11+$0x30D0] =	vst v3  }
0x101: {  	[tilespmem:s11+$0x30E0] =	vst v3  }
0x102: {  	[tilespmem:s11+$0x30F0] =	vst v3  }
0x103: {  	s1 =	sadd.s32 $0x100, s1;
	[tilespmem:s11+$0x3100] =	vst v3  }
0x104: {  	s1 =	simm.s32 $0x0  }
0x105: {  	v11 =	vmov s1  }
0x106: {  	v11 =	vshll.u32 v11, $0x3  }
0x107: {  	v11 =	vor.u32 v4, v11  }
0x108: {  	s1 =	simm.s32 $0x2;
	v11 =	vor.u32 v0, v11  }
.LBB2_4:
0x109: {  	p0 =	sne.s32 s1, $0x3E  }
.Ltmp3:
0x10a: {  	_ = 	snop;
	(pc) =	sbr.rel @p0 .LBB2_4-.Ltmp3, $4  }
0x10b: {  	v12 =	vmov s1  }
0x10c: {  	v12 =	vshll.u32 v12, $0x3  }
0x10d: {  	v12 =	vor.u32 v4, v12  }
0x10e: {  	s1 =	sadd.s32 $0x2, s1;
	[tilespmem:v11+s0+$0x0] =	vst.idx.msk $0xffff, v3;
	v11 =	vor.u32 v0, v12  }
0x10f: {  	_ =	sdelay $0x3  }
0x110: {  	[tilespmem:v11+s0+$0x0] =	vst.idx.msk $0xffff, v3;
	s11 =	simm.s32 $0x30D0  }
0x111: {  	[spmem:s12] =	stream.linear.scatter [tilespmem:s11], [sflag:$0x4], $0x1000, $0x38;
	[tilespmem:$0xF6D0] =	vst v63  }
0x112: {  	_ =	swait.ge [sflag:s30], $0x1000  }
0x113: {  	[sflag:s30] =	ssyncset.done $0x0  }
0x114: {  	s1 =	rddreg [dreg:$0x1b];
	[sflag:s30] =	ssyncadd.s32 $0xFFFFF000  }
0x115: {  	[spmem:s1] =	stream.linear.scatter [tilespmem:s0], [sflag:$0x4], $0x200, $0x38;
	[tilespmem:$0xF6D0] =	vst v63  }
0x116: {  	_ =	swait.ge [sflag:s30], $0x200  }
0x117: {  	[sflag:s30] =	ssyncset.done $0x0  }
0x118: {  	s24 =	rddreg [dreg:$0x1c];
	[sflag:s30] =	ssyncadd.s32 $0xFFFFFE00  }
0x119: {  	[spmem:s24] =	stream.linear.scatter [tilespmem:s11], [sflag:$0x4], $0x1000, $0x38;
	[tilespmem:$0xF6D0] =	vst v63  }
0x11a: {  	_ =	swait.ge [sflag:s30], $0x1000  }
0x11b: {  	[sflag:s30] =	ssyncset.done $0x0  }
0x11c: {  	s12 =	rddreg [dreg:$0x1d];
	[sflag:s30] =	ssyncadd.s32 $0xFFFFF000  }
0x11d: {  	[spmem:s12] =	stream.linear.scatter [tilespmem:s0], [sflag:$0x4], $0x200, $0x38;
	[tilespmem:$0xF6D0] =	vst v63  }
0x11e: {  	_ =	swait.ge [sflag:s30], $0x200  }
0x11f: {  	[sflag:s30] =	ssyncset.done $0x0  }
0x120: {  	[sflag:s30] =	ssyncadd.s32 $0xFFFFFE00  }
0x121: {  	[spmem:s13] =	stream.linear.scatter [tilespmem:s11], [sflag:$0x4], $0x1000, $0x38;
	[tilespmem:$0xF6D0] =	vst v63  }
0x122: {  	_ =	swait.ge [sflag:s30], $0x1000  }
0x123: {  	[sflag:s30] =	ssyncset.done $0x0  }
0x124: {  	[sflag:s30] =	ssyncadd.s32 $0xFFFFF000  }
0x125: {  	[spmem:s15] =	stream.linear.scatter [tilespmem:s0], [sflag:$0x4], $0x200, $0x38;
	[tilespmem:$0xF6D0] =	vst v63  }
0x126: {  	_ =	swait.ge [sflag:s30], $0x200  }
0x127: {  	[sflag:s30] =	ssyncset.done $0x0  }
0x128: {  	[sflag:s30] =	ssyncadd.s32 $0xFFFFFE00  }
0x129: {  	[spmem:s14] =	stream.linear.scatter [tilespmem:s11], [sflag:$0x4], $0x1000, $0x38;
	[tilespmem:$0xF6D0] =	vst v63  }
0x12a: {  	_ =	swait.ge [sflag:s30], $0x1000  }
0x12b: {  	[sflag:s30] =	ssyncset.done $0x0  }
0x12c: {  	[sflag:s30] =	ssyncadd.s32 $0xFFFFF000  }
0x12d: {  	[spmem:s16] =	stream.linear.scatter [tilespmem:s0], [sflag:$0x4], $0x200, $0x38;
	[tilespmem:$0xF6D0] =	vst v63  }
0x12e: {  	_ =	swait.ge [sflag:s30], $0x200  }
0x12f: {  	[sflag:s30] =	ssyncset.done $0x0  }
0x130: {  	[sflag:s30] =	ssyncadd.s32 $0xFFFFFE00  }
0x131: {  	[spmem:s17] =	stream.linear.scatter [tilespmem:s11], [sflag:$0x4], $0x1000, $0x38;
	[tilespmem:$0xF6D0] =	vst v63  }
0x132: {  	_ =	swait.ge [sflag:s30], $0x1000  }
0x133: {  	s13 =	sld [smem:$0x7EE]  }
0x134: {  	[sflag:s30] =	ssyncset.done $0x0  }
0x135: {  	[sflag:s30] =	ssyncadd.s32 $0xFFFFF000  }
0x136: {  	[spmem:s13] =	stream.linear.scatter [tilespmem:s0], [sflag:$0x4], $0x200, $0x38;
	[tilespmem:$0xF6D0] =	vst v63  }
0x137: {  	_ =	swait.ge [sflag:s30], $0x200  }
0x138: {  	s14 =	sld [smem:$0x7EF]  }
0x139: {  	[sflag:s30] =	ssyncset.done $0x0  }
0x13a: {  	[sflag:s30] =	ssyncadd.s32 $0xFFFFFE00  }
0x13b: {  	[spmem:s14] =	stream.linear.scatter [tilespmem:s11], [sflag:$0x4], $0x1000, $0x38;
	[tilespmem:$0xF6D0] =	vst v63  }
0x13c: {  	_ =	swait.ge [sflag:s30], $0x1000  }
0x13d: {  	s15 =	sld [smem:$0x7F0]  }
0x13e: {  	[sflag:s30] =	ssyncset.done $0x0  }
0x13f: {  	[sflag:s30] =	ssyncadd.s32 $0xFFFFF000  }
0x140: {  	[spmem:s15] =	stream.linear.scatter [tilespmem:s0], [sflag:$0x4], $0x200, $0x38;
	[tilespmem:$0xF6D0] =	vst v63  }
0x141: {  	_ =	swait.ge [sflag:s30], $0x200  }
0x142: {  	s16 =	sld [smem:$0x7F1]  }
0x143: {  	[sflag:s30] =	ssyncset.done $0x0  }
0x144: {  	[sflag:s30] =	ssyncadd.s32 $0xFFFFFE00  }
0x145: {  	[spmem:s16] =	stream.linear.scatter [tilespmem:s11], [sflag:$0x4], $0x1000, $0x38;
	[tilespmem:$0xF6D0] =	vst v63  }
0x146: {  	_ =	swait.ge [sflag:s30], $0x1000  }
0x147: {  	s17 =	sld [smem:$0x7F2]  }
0x148: {  	[sflag:s30] =	ssyncset.done $0x0  }
0x149: {  	[sflag:s30] =	ssyncadd.s32 $0xFFFFF000  }
0x14a: {  	[spmem:s17] =	stream.linear.scatter [tilespmem:s0], [sflag:$0x4], $0x200, $0x38;
	[tilespmem:$0xF6D0] =	vst v63  }
0x14b: {  	_ =	swait.ge [sflag:s30], $0x200  }
0x14c: {  	[sflag:s30] =	ssyncset.done $0x0  }
0x14d: {  	[sflag:s30] =	ssyncadd.s32 $0xFFFFFE00  }
0x14e: {  	[spmem:s18] =	stream.linear.scatter [tilespmem:s11], [sflag:$0x4], $0x1000, $0x38;
	[tilespmem:$0xF6D0] =	vst v63  }
0x14f: {  	_ =	swait.ge [sflag:s30], $0x1000  }
0x150: {  	[sflag:s30] =	ssyncset.done $0x0  }
0x151: {  	[sflag:s30] =	ssyncadd.s32 $0xFFFFF000  }
0x152: {  	[spmem:s19] =	stream.linear.scatter [tilespmem:s0], [sflag:$0x4], $0x200, $0x38;
	[tilespmem:$0xF6D0] =	vst v63  }
0x153: {  	_ =	swait.ge [sflag:s30], $0x200  }
0x154: {  	[sflag:s30] =	ssyncset.done $0x0  }
0x155: {  	[sflag:s30] =	ssyncadd.s32 $0xFFFFFE00  }
0x156: {  	[spmem:s21] =	stream.linear.scatter [tilespmem:s11], [sflag:$0x4], $0x1000, $0x38;
	[tilespmem:$0xF6D0] =	vst v63  }
0x157: {  	_ =	swait.ge [sflag:s30], $0x1000  }
0x158: {  	[sflag:s30] =	ssyncset.done $0x0  }
0x159: {  	[sflag:s30] =	ssyncadd.s32 $0xFFFFF000  }
0x15a: {  	[spmem:s22] =	stream.linear.scatter [tilespmem:s0], [sflag:$0x4], $0x200, $0x38;
	[tilespmem:$0xF6D0] =	vst v63  }
0x15b: {  	_ =	swait.ge [sflag:s30], $0x200  }
0x15c: {  	[sflag:s30] =	ssyncset.done $0x0  }
0x15d: {  	[sflag:s30] =	ssyncadd.s32 $0xFFFFFE00  }
0x15e: {  	[spmem:s23] =	stream.linear.scatter [tilespmem:s11], [sflag:$0x4], $0x1000, $0x38;
	[tilespmem:$0xF6D0] =	vst v63  }
0x15f: {  	_ =	swait.ge [sflag:s30], $0x1000  }
0x160: {  	s24 =	sld [smem:$0x7F3]  }
0x161: {  	[sflag:s30] =	ssyncset.done $0x0  }
0x162: {  	[sflag:s30] =	ssyncadd.s32 $0xFFFFF000  }
0x163: {  	[spmem:s24] =	stream.linear.scatter [tilespmem:s0], [sflag:$0x4], $0x200, $0x38;
	[tilespmem:$0xF6D0] =	vst v63  }
0x164: {  	_ =	swait.ge [sflag:s30], $0x200  }
0x165: {  	[sflag:s30] =	ssyncset.done $0x0  }
0x166: {  	[sflag:s30] =	ssyncadd.s32 $0xFFFFFE00  }
0x167: {  	s13 =	simm.s32 $0x0;
	[bflag:$0x0] =	sbarrier.arrive $0xFFFF  }
.LBB2_6:
0x168: {  	s1 =	smul.u32 $0x50, s13;
	_ =	sdelay $0x1  }
0x169: {  	s1 =	sadd.s32 s25, s1  }
0x16a: {  	s1 =	sshrl.u32 s1, $0x3  }
0x16b: {  	s24 =	rddreg [dreg:$0x1];
	s11 =	sadd.s32 s26, s1  }
0x16c: {  	[tilespmem:s10], [sflag:$0x3] =	stream.linear.gather [hbm4b:s11+s10], $0x50, $0x38;
	[tilespmem:$0xF6D0] =	vst v63  }
0x16d: {  	s11 =	sadd.s32 s24, s1  }
0x16e: {  	[tilespmem:s2], [sflag:$0x3] =	stream.linear.gather [hbm4b:s11+s10], $0x50, $0x38;
	[tilespmem:$0xF6D0] =	vst v63  }
0x16f: {  	s12 =	sadd.s32 s28, s1  }
0x170: {  	[tilespmem:s3], [sflag:$0x3] =	stream.linear.gather [hbm4b:s12+s10], $0x50, $0x38;
	[tilespmem:$0xF6D0] =	vst v63  }
0x171: {  	s1 =	sadd.s32 s29, s1  }
0x172: {  	[tilespmem:s4], [sflag:$0x3] =	stream.linear.gather [hbm4b:s1+s10], $0x50, $0x38;
	[tilespmem:$0xF6D0] =	vst v63  }
0x173: {  	_ =	swait.ge [sflag:s5], $0x50  }
0x174: {  	[sflag:s5] =	ssyncset.done $0x0  }
0x175: {  	[sflag:s5] =	ssyncadd.s32 $0xFFFFFFB0  }
0x176: {  	_ =	swait.ge [sflag:s5], $0x50  }
0x177: {  	[sflag:s5] =	ssyncset.done $0x0  }
0x178: {  	[sflag:s5] =	ssyncadd.s32 $0xFFFFFFB0  }
0x179: {  	[tilespmem:s6], [sflag:$0x1] =	stream.indirect.gather [hbm4b:s31+s2], $0x48, s10, s2, $0xb8;
	[tilespmem:$0xF6D0] =	vst v63  }
0x17a: {  	_ = 	snop  }
0x17b: {  	[tilespmem:s7], [sflag:$0x2] =	stream.indirect.gather [hbm4b:s20+s2], $0x8, s2, s2, $0xb8;
	[tilespmem:$0xF6D0] =	vst v63  }
0x17c: {  	_ =	swait.ge [sflag:s5], $0x50  }
0x17d: {  	[sflag:s5] =	ssyncset.done $0x0  }
0x17e: {  	[sflag:s5] =	ssyncadd.s32 $0xFFFFFFB0  }
0x17f: {  	_ =	swait.ge [sflag:s5], $0x50  }
0x180: {  	[sflag:s5] =	ssyncset.done $0x0  }
0x181: {  	[sflag:s5] =	ssyncadd.s32 $0xFFFFFFB0  }
0x182: {  	s14 =	simm.s32 $0x2;
	s15 =	simm.s32 $0x0;
	_ =	swait.ge [sflag:s8], $0x1680  }
0x183: {  	v12 =	vor.u32 s14, v2;
	v13 =	vor.u32 s15, v2;
	[sflag:s8] =	ssyncset.done $0x0  }
0x184: {  	v11 =	vmul.u32 $0x48, v13;
	v14 =	vshll.u32 v13, $0x3;
	[sflag:s8] =	ssyncadd.s32 $0xFFFFE980  }
0x185: {  	v15 =	vmul.u32 $0x48, v12;
	v18 =	vor.u32 v0, v14;
	_ =	swait.ge [sflag:s14], $0x280  }
0x186: {  	v14 =	vadd.s32 v5, v11;
	[sflag:s14] =	ssyncset.done $0x0  }
0x187: {  	v15 =	vadd.s32 v5, v15;
	[sflag:s14] =	ssyncadd.s32 $0xFFFFFD80  }
0x188: {  	v11 =	vshll.u32 v12, $0x3;
	v16 =	vld.idx.msk [tilespmem:v12+s3+$0x0], $0xffff  }
0x189: {  	s17 =	simm.s32 $0x4;
	v11 =	vor.u32 v0, v11;
	v17 =	vld.idx.msk [tilespmem:v13+s3+$0x0], $0xffff  }
0x18a: {  	s16 =	simm.s32 $0x6;
	v22 =	vor.u32 s17, v2;
	v20 =	vld.idx.msk [tilespmem:v18+s7+$0x0], $0xffff  }
0x18b: {  	v21 =	vor.u32 s16, v2;
	v23 =	vmul.u32 $0x48, v22;
	v14 =	vld.idx.msk [tilespmem:v14+s6+$0x0], $0xffff  }
0x18c: {  	v24 =	vmul.u32 $0x48, v21;
	v15 =	vld.idx.msk [tilespmem:v15+s6+$0x0], $0xffff  }
0x18d: {  	v23 =	vadd.s32 v5, v23;
	v13 =	vld.idx.msk [tilespmem:v13+s4+$0x0], $0xffff  }
0x18e: {  	v24 =	vadd.s32 v5, v24;
	v25 =	vld.idx.msk [tilespmem:v11+s7+$0x0], $0xffff  }
0x18f: {  	v26 =	vld.idx.msk [tilespmem:v12+s4+$0x0], $0xffff;
	v12 =	vshll.u32 v21, $0x3  }
0x190: {  	v19 =	vshll.u32 v22, $0x3;
	v12 =	vor.u32 v0, v12  }
0x191: {  	v19 =	vor.u32 v0, v19  }
0x192: {  	v23 =	vld.idx.msk [tilespmem:v23+s6+$0x0], $0xffff  }
0x193: {  	v24 =	vld.idx.msk [tilespmem:v24+s6+$0x0], $0xffff;
	v14 =	vadd.f32 v20, v14;
	v17 =	vmul.f32 v17, v9  }
0x194: {  	s18 =	simm.s32 $0xA;
	v20 =	vld.idx.msk [tilespmem:v22+s3+$0x0], $0xffff;
	v13 =	vmul.f32 v13, v10;
	v16 =	vmul.f32 v16, v9;
	v15 =	vadd.f32 v25, v15  }
0x195: {  	s19 =	simm.s32 $0x8;
	v25 =	vmul.f32 v26, v10;
	v26 =	vor.u32 s18, v2;
	v30 =	vld.idx.msk [tilespmem:v12+s7+$0x0], $0xffff;
	v14 =	vadd.f32 v14, v17  }
0x196: {  	v28 =	vmul.u32 $0x48, v26;
	v17 =	vld.idx.msk [tilespmem:v19+s7+$0x0], $0xffff;
	v15 =	vadd.f32 v15, v16;
	v16 =	vor.u32 s19, v2  }
0x197: {  	v27 =	vld.idx.msk [tilespmem:v21+s3+$0x0], $0xffff;
	v29 =	vmul.u32 $0x48, v16;
	v14 =	vadd.f32 v14, v13;
	v13 =	vshll.u32 v16, $0x3  }
0x198: {  	v22 =	vld.idx.msk [tilespmem:v22+s4+$0x0], $0xffff;
	v28 =	vadd.s32 v5, v28;
	v25 =	vadd.f32 v15, v25;
	v13 =	vor.u32 v0, v13  }
0x199: {  	s22 =	simm.s32 $0xC;
	v21 =	vld.idx.msk [tilespmem:v21+s4+$0x0], $0xffff;
	v29 =	vadd.s32 v5, v29;
	v20 =	vmul.f32 v20, v9;
	v31 =	vmul.f32 $2.000000030e-01, v14  }
0x19a: {  	v32 =	vld.idx.msk [tilespmem:v26+s3+$0x0], $0xffff;
	vm0 =	vge.f32 v14, $0.0e+00;
	v24 =	vadd.f32 v30, v24;
	v30 =	vor.u32 s22, v2  }
0x19b: {  	vm13 =	vge.f32 v25, $0.0e+00;
	v17 =	vadd.f32 v17, v23;
	v33 =	vld.idx.msk [tilespmem:v16+s4+$0x0], $0xffff;
	v14 =	vsel vm0, v14, v31  }
0x19c: {  	v23 =	vshll.u32 v26, $0x3;
	v15 =	vshll.u32 v30, $0x3;
	v26 =	vld.idx.msk [tilespmem:v26+s4+$0x0], $0xffff;
	v31 =	vmul.f32 $1.442695020e+00, v14  }
0x19d: {  	v17 =	vadd.f32 v17, v20;
	v20 =	vmul.f32 v22, v10;
	v14 =	vor.u32 v0, v23;
	v23 =	vld.idx.msk [tilespmem:v16+s3+$0x0], $0xffff  }
0x19e: {  	v15 =	vor.u32 v0, v15;
	v22 =	vmul.f32 v27, v9;
	v16 =	vmul.u32 $0x48, v30;
	v27 =	vld.idx.msk [tilespmem:v13+s7+$0x0], $0xffff  }
0x19f: {  	s21 =	simm.s32 $0xE;
	(erf) = vpow2.f32 v31;
	v17 =	vadd.f32 v17, v20;
	v20 =	vmul.f32 v21, v10;
	v21 =	vld.idx.msk [tilespmem:v29+s6+$0x0], $0xffff  }
0x1a0: {  	v29 =	vor.u32 s21, v2;
	v22 =	vadd.f32 v24, v22;
	v24 =	vld.idx.msk [tilespmem:v28+s6+$0x0], $0xffff;
	v28 =	vmul.f32 $2.000000030e-01, v25  }
0x1a1: {  	v36 =	vadd.s32 v5, v16;
	v34 =	vmul.u32 $0x48, v29;
	v31 =	vmul.f32 $2.000000030e-01, v17  }
0x1a2: {  	vm12 =	vge.f32 v17, $0.0e+00;
	v58 =	vadd.f32 v22, v20;
	v20 =	vsel vm13, v25, v28;
	v35 =	vld.idx.msk [tilespmem:v14+s7+$0x0], $0xffff  }
0x1a3: {  	v22 =	vmul.f32 v26, v10;
	v23 =	vmul.f32 v23, v9;
	v17 =	vsel vm12, v17, v31  }
0x1a4: {  	v25 =	vld.idx.msk [tilespmem:v15+s7+$0x0], $0xffff;
	v31 =	vshll.u32 v29, $0x3;
	v17 =	vmul.f32 $1.442695020e+00, v17;
	v21 =	vadd.f32 v27, v21  }
0x1a5: {  	v34 =	vadd.s32 v5, v34;
	v59 =	vmul.f32 $1.442695020e+00, v20;
	v27 =	vld.idx.msk [tilespmem:v29+s3+$0x0], $0xffff;
	v16 =	vor.u32 v0, v31  }
0x1a6: {  	v57 =	vld.idx.msk [tilespmem:v29+s4+$0x0], $0xffff;
	(erf) = vpow2.f32 v17;
	v17 =	vadd.f32 v21, v23;
	v21 =	vmul.f32 v33, v10  }
0x1a7: {  	s23 =	simm.s32 $0x12;
	v37 =	vmul.f32 $2.000000030e-01, v58;
	v31 =	vmul.f32 v32, v9;
	v26 =	vld.idx.msk [tilespmem:v36+s6+$0x0], $0xffff;
	v24 =	vadd.f32 v35, v24  }
0x1a8: {  	s24 =	simm.s32 $0x10;
	vm15 =	vge.f32 v58, $0.0e+00;
	v29 =	vor.u32 s23, v2;
	v23 =	vld.idx.msk [tilespmem:v30+s3+$0x0], $0xffff;
	v17 =	vadd.f32 v17, v21  }
0x1a9: {  	v30 =	vld.idx.msk [tilespmem:v30+s4+$0x0], $0xffff;
	v33 =	vsel vm15, v58, v37;
	v21 =	vor.u32 s24, v2;
	v60 =	vadd.f32 v24, v31  }
0x1aa: {  	v31 =	vld.idx.msk [tilespmem:v34+s6+$0x0], $0xffff;
	v61 =	vmul.u32 $0x48, v21;
	v20 =	vshll.u32 v21, $0x3;
	v28 =	vmul.f32 $2.000000030e-01, v17  }
0x1ab: {  	v24 =	vmul.u32 $0x48, v29;
	v38 =	vld.idx.msk [tilespmem:v16+s7+$0x0], $0xffff;
	vm14 =	vge.f32 v17, $0.0e+00;
	v20 =	vor.u32 v0, v20  }
0x1ac: {  	v41 =	vpop (erf);
	v26 =	vadd.f32 v25, v26;
	v34 =	vadd.s32 v5, v61;
	v17 =	vsel vm14, v17, v28  }
0x1ad: {  	v39 =	vshll.u32 v29, $0x3;
	[tilespmem:v18+s9+$0x0] =	vst.idx.msk $0xffff, v41;
	v62 =	vmul.f32 v23, v9;
	v23 =	vld.idx.msk [tilespmem:v29+s4+$0x0], $0xffff;
	v40 =	vmul.f32 $1.442695020e+00, v17  }
0x1ae: {  	v30 =	vmul.f32 v30, v10;
	v22 =	vadd.f32 v60, v22;
	v28 =	vadd.s32 v5, v24;
	v24 =	vld.idx.msk [tilespmem:v29+s3+$0x0], $0xffff  }
0x1af: {  	v29 =	vmul.f32 v27, v9;
	v25 =	vld.idx.msk [tilespmem:v21+s3+$0x0], $0xffff;
	v18 =	vadd.f32 v26, v62;
	(erf) = vpow2.f32 v40  }
0x1b0: {  	v17 =	vor.u32 v0, v39;
	v26 =	vmul.f32 v57, v10;
	v31 =	vadd.f32 v38, v31;
	v63 =	vpop (erf);
	v27 =	vld.idx.msk [tilespmem:v20+s7+$0x0], $0xffff  }
0x1b1: {  	s12 =	simm.s32 $0x16;
	s1 =	simm.s32 $0x8;
	v30 =	vadd.f32 v18, v30;
	v18 =	vmul.f32 $1.442695020e+00, v33;
	[tilespmem:v19+s9+$0x0] =	vst.idx.msk $0xffff, v63;
	v19 =	vld.idx.msk [tilespmem:v34+s6+$0x0], $0xffff;
	(erf) = vpow2.f32 v59  }
.LBB2_7:
0x1b2: {  	v32 =	vor.u32 s12, v2;
	v34 =	vadd.f32 v31, v29;
	v35 =	vmul.f32 $2.000000030e-01, v22;
	v31 =	vmovc v13;
	v13 =	vmovc v15  }
0x1b3: {  	s11 =	sadd.s32 $0xFFFFFFFE, s12;
	s1 =	sadd.s32 $0x2, s1;
	v33 =	vld.idx.msk [tilespmem:v28+s6+$0x0], $0xffff;
	v15 =	vmovc v20;
	v36 =	vmovc v11;
	v11 =	vmov v12;
	v12 =	vmov v14;
	v14 =	vmov v16  }
0x1b4: {  	v38 =	vmovc v24;
	v16 =	vmovc v17;
	v28 =	vmul.u32 $0x48, v32;
	p0 =	slt.u32 s1, $0x26;
	v37 =	vld.idx.msk [tilespmem:v21+s4+$0x0], $0xffff;
	v21 =	vor.u32 s11, v2;
	v29 =	vmul.f32 $2.000000030e-01, v30  }
0x1b5: {  	v41 =	vmovc v26;
	vm0 =	vge.f32 v30, $0.0e+00;
	v40 =	vmovc v23;
	v24 =	vmul.u32 $0x48, v21;
	v20 =	vshll.u32 v21, $0x3;
	v39 =	vld.idx.msk [tilespmem:v17+s7+$0x0], $0xffff  }
0x1b6: {  	v17 =	vshll.u32 v32, $0x3;
	v20 =	vor.u32 v0, v20;
	v23 =	vsel vm0, v30, v29  }
0x1b7: {  	v28 =	vadd.s32 v5, v28;
	v30 =	vadd.s32 v5, v24;
	v26 =	vmul.f32 $1.442695020e+00, v23  }
.Ltmp4:
0x1b8: {  	v17 =	vor.u32 v0, v17;
	v19 =	vadd.f32 v27, v19;
	v27 =	vmul.f32 v25, v9;
	v24 =	vld.idx.msk [tilespmem:v32+s3+$0x0], $0xffff;
	v25 =	vpop (erf);
	(pc) =	sbr.rel @p0 .LBB2_7-.Ltmp4, $4  }
0x1b9: {  	v29 =	vmul.f32 v38, v9;
	vm0 =	vge.f32 v22, $0.0e+00;
	v23 =	vld.idx.msk [tilespmem:v32+s4+$0x0], $0xffff;
	(erf) = vpow2.f32 v26;
	[tilespmem:v31+s9+$0x0] =	vst.idx.msk $0xffff, v25  }
0x1ba: {  	v32 =	vadd.f32 v19, v27;
	v37 =	vmul.f32 v37, v10;
	v26 =	vmul.f32 v40, v10;
	v25 =	vld.idx.msk [tilespmem:v21+s3+$0x0], $0xffff  }
0x1bb: {  	v31 =	vadd.f32 v39, v33;
	v33 =	vsel vm0, v22, v35;
	v22 =	vadd.f32 v34, v41;
	v27 =	vld.idx.msk [tilespmem:v20+s7+$0x0], $0xffff;
	v34 =	vpop (erf)  }
0x1bc: {  	s12 =	sadd.s32 $0x4, s12;
	v19 =	vld.idx.msk [tilespmem:v30+s6+$0x0], $0xffff;
	v30 =	vadd.f32 v32, v37;
	(erf) = vpow2.f32 v18;
	v18 =	vmul.f32 $1.442695020e+00, v33;
	[tilespmem:v36+s9+$0x0] =	vst.idx.msk $0xffff, v34  }
0x1bd: {  	_ =	sdelay $0x3  }
0x1be: {  	v28 =	vld.idx.msk [tilespmem:v28+s6+$0x0], $0xffff  }
0x1bf: {  	v21 =	vld.idx.msk [tilespmem:v21+s4+$0x0], $0xffff  }
0x1c0: {  	v32 =	vld.idx.msk [tilespmem:v17+s7+$0x0], $0xffff;
	_ =	sdelay $0x1  }
0x1c1: {  	v25 =	vmul.f32 v25, v9;
	v19 =	vadd.f32 v27, v19  }
0x1c2: {  	v24 =	vmul.f32 v24, v9;
	v50 =	vadd.f32 v31, v29  }
0x1c3: {  	v51 =	vmul.f32 $2.000000030e-01, v22;
	v21 =	vmul.f32 v21, v10;
	v19 =	vadd.f32 v19, v25  }
0x1c4: {  	vm12 =	vge.f32 v22, $0.0e+00;
	v33 =	vmul.f32 $2.000000030e-01, v30;
	v49 =	vadd.f32 v32, v28  }
0x1c5: {  	vm0 =	vge.f32 v30, $0.0e+00;
	v52 =	vmul.f32 v23, v10;
	v19 =	vadd.f32 v19, v21  }
0x1c6: {  	v54 =	vadd.f32 v50, v26;
	v47 =	vsel vm0, v30, v33;
	v53 =	vadd.f32 v49, v24  }
0x1c7: {  	v22 =	vsel vm12, v22, v51;
	v48 =	vmul.f32 $1.442695020e+00, v47;
	v55 =	vmul.f32 $2.000000030e-01, v19  }
0x1c8: {  	v22 =	vmul.f32 $1.442695020e+00, v22;
	v21 =	vadd.f32 v53, v52;
	vm13 =	vge.f32 v19, $0.0e+00  }
0x1c9: {  	v56 =	vmul.f32 $2.000000030e-01, v54;
	(erf) = vpow2.f32 v48;
	v19 =	vsel vm13, v19, v55  }
0x1ca: {  	vm14 =	vge.f32 v54, $0.0e+00;
	v57 =	vmul.f32 $2.000000030e-01, v21;
	v19 =	vmul.f32 $1.442695020e+00, v19  }
0x1cb: {  	v58 =	vsel vm14, v54, v56;
	(erf) = vpow2.f32 v18;
	vm15 =	vge.f32 v21, $0.0e+00  }
0x1cc: {  	v18 =	vmul.f32 $1.442695020e+00, v58;
	v59 =	vsel vm15, v21, v57;
	(erf) = vpow2.f32 v19  }
0x1cd: {  	v19 =	vmul.f32 $1.442695020e+00, v59;
	(erf) = vpow2.f32 v22  }
0x1ce: {  	(erf) = vpow2.f32 v18  }
0x1cf: {  	(erf) = vpow2.f32 v19;
	_ =	sdelay $0x1  }
0x1d0: {  	v60 =	vpop (erf)  }
0x1d1: {  	[tilespmem:v13+s9+$0x0] =	vst.idx.msk $0xffff, v60;
	v61 =	vpop (erf)  }
0x1d2: {  	[tilespmem:v11+s9+$0x0] =	vst.idx.msk $0xffff, v61;
	v62 =	vpop (erf)  }
0x1d3: {  	p3 =	por $0x1, $0x1;
	v11 =	vpop (erf);
	[tilespmem:v15+s9+$0x0] =	vst.idx.msk $0xffff, v62  }
.Ltmp5:
0x1d4: {  	[tilespmem:v12+s9+$0x0] =	vst.idx.msk $0xffff, v11;
	v63 =	vpop (erf);
	(pc) =	sbr.rel @!p3 .LBB2_9-.Ltmp5, $4  }
0x1d5: {  	v11 =	vpop (erf);
	[tilespmem:v20+s9+$0x0] =	vst.idx.msk $0xffff, v63  }
0x1d6: {  	[tilespmem:v14+s9+$0x0] =	vst.idx.msk $0xffff, v11;
	v11 =	vpop (erf)  }
0x1d7: {  	s23 =	simm.s32 $0x698;
	s14 =	simm.s32 $0x1D10;
	s17 =	simm.s32 $0x0;
	[tilespmem:v16+s9+$0x0] =	vst.idx.msk $0xffff, v11;
	v11 =	vpop (erf)  }
0x1d8: {  	p0 =	por $0x0, $0x0;
	p1 =	por $0x0, $0x0;
	p2 =	por $0x0, $0x0;
	[tilespmem:v17+s9+$0x0] =	vst.idx.msk $0xffff, v11  }
0x1d9: {  	s16 =	simm.s32 $0x8  }
0x1da: {  	v11 =	vor.u32 s16, v2;
	_ =	sdelay $0x2  }
0x1db: {  	v12 =	vor.u32 s17, v2  }
0x1dc: {  	v13 =	vld [tilespmem:s23+$0x0]  }
0x1dd: {  	v11 =	vld.idx.msk [tilespmem:v11+s9+$0x0], $0xffff;
	_ =	sdelay $0x1  }
0x1de: {  	v14 =	vld [tilespmem:s23+$0xFFFFFFB8]  }
0x1df: {  	p3 =	por $0x1, $0x1;
	v15 =	vor.u32 s16, v6;
	v12 =	vld.idx.msk [tilespmem:v12+s9+$0x0], $0xffff  }
.Ltmp6:
0x1e0: {  	_ = 	snop;
	(pc) =	sbr.rel @!p3 .LBB2_11-.Ltmp6, $3  }
0x1e1: {  	v13 =	vmul.f32 v13, v11;
	_ =	sdelay $0x1  }
0x1e2: {  	v19 =	vor.u32 s17, v6;
	[tilespmem:s14+$0x0] =	vst v13  }
0x1e3: {  	v17 =	vor.u32 s17, v7;
	p0 =	por $0x1, $0x1;
	v24 =	vmul.f32 v14, v12;
	v11 =	vor.u32 s17, v8;
	s17 =	simm.s32 $0x10;
	v21 =	vld.idx.msk [tilespmem:v15+s9+$0x0], $0xffff  }
0x1e4: {  	_ =	sdelay $0x1  }
0x1e5: {  	v12 =	vor.u32 s17, v2;
	s12 =	simm.s32 $0x18  }
0x1e6: {  	v13 =	vld [tilespmem:s23+$0x10];
	v14 =	vor.u32 s12, v2;
	[tilespmem:s14+$0xFFFFFFC0] =	vst v24  }
0x1e7: {  	v15 =	vld.idx.msk [tilespmem:v19+s9+$0x0], $0xffff  }
0x1e8: {  	v18 =	vld [tilespmem:s23+$0xFFFFFFC8]  }
0x1e9: {  	v16 =	vor.u32 s16, v7  }
0x1ea: {  	v20 =	vld.idx.msk [tilespmem:v12+s9+$0x0], $0xffff  }
0x1eb: {  	s22 =	simm.s32 $0x728;
	v12 =	vmul.f32 v13, v21;
	v13 =	vld.idx.msk [tilespmem:v14+s9+$0x0], $0xffff  }
0x1ec: {  	v14 =	vld [tilespmem:s22+$0x0]  }
0x1ed: {  	[tilespmem:s14+$0x10] =	vst v12;
	v12 =	vmul.f32 v18, v15;
	v18 =	vld [tilespmem:s22+$0xFFFFFFB8]  }
0x1ee: {  	v21 =	vld.idx.msk [tilespmem:v16+s9+$0x0], $0xffff  }
0x1ef: {  	p3 =	por $0x1, $0x1;
	v23 =	vor.u32 s12, v6;
	v22 =	vld [tilespmem:s23+$0x20]  }
.Ltmp7:
0x1f0: {  	_ = 	snop;
	(pc) =	sbr.rel @!p3 .LBB2_13-.Ltmp7, $4  }
0x1f1: {  	[tilespmem:s14+$0xFFFFFFD0] =	vst v12;
	v14 =	vmul.f32 v14, v13  }
0x1f2: {  	s1 =	simm.s32 $0x1D90;
	v12 =	vld.idx.msk [tilespmem:v17+s9+$0x0], $0xffff  }
0x1f3: {  	v19 =	vor.u32 s17, v6;
	v16 =	vor.u32 s16, v8;
	v17 =	vor.u32 s17, v7;
	v15 =	vld [tilespmem:s23+$0xFFFFFFD8];
	[tilespmem:s1+$0x0] =	vst v14  }
0x1f4: {  	p1 =	por $0x1, $0x1;
	v13 =	vor.u32 s17, v8;
	s17 =	simm.s32 $0x20;
	v24 =	vmul.f32 v18, v20;
	v14 =	vmul.f32 v22, v21;
	v21 =	vld.idx.msk [tilespmem:v23+s9+$0x0], $0xffff  }
0x1f5: {  	_ =	sdelay $0x2  }
0x1f6: {  	v18 =	vor.u32 s17, v2;
	v20 =	vld [tilespmem:s22+$0x10];
	[tilespmem:s14+$0x20] =	vst v14  }
0x1f7: {  	s16 =	simm.s32 $0x28;
	v23 =	vld.idx.msk [tilespmem:v16+s9+$0x0], $0xffff  }
0x1f8: {  	v22 =	vor.u32 s16, v2;
	[tilespmem:s1+$0xFFFFFFC0] =	vst v24;
	v24 =	vld [tilespmem:s23+$0x30]  }
0x1f9: {  	v25 =	vor.u32 s12, v7;
	v19 =	vld.idx.msk [tilespmem:v19+s9+$0x0], $0xffff  }
0x1fa: {  	v26 =	vld [tilespmem:s22+$0xFFFFFFC8]  }
0x1fb: {  	s24 =	simm.s32 $0x7B8;
	v28 =	vld.idx.msk [tilespmem:v18+s9+$0x0], $0xffff;
	v18 =	vmul.f32 v20, v21  }
0x1fc: {  	v21 =	vld [tilespmem:s24+$0x0]  }
0x1fd: {  	v20 =	vld.idx.msk [tilespmem:v22+s9+$0x0], $0xffff;
	[tilespmem:s1+$0x10] =	vst v18  }
0x1fe: {  	v18 =	vmul.f32 v15, v12;
	v29 =	vld.idx.msk [tilespmem:v25+s9+$0x0], $0xffff  }
0x1ff: {  	v19 =	vmul.f32 v26, v19;
	v26 =	vld [tilespmem:s22+$0x20]  }
0x200: {  	p3 =	por $0x1, $0x1;
	v30 =	vld [tilespmem:s24+$0xFFFFFFB8];
	v31 =	vor.u32 s16, v6;
	[tilespmem:s14+$0xFFFFFFE0] =	vst v18  }
.Ltmp8:
0x201: {  	[tilespmem:s1+$0xFFFFFFD0] =	vst v19;
	v18 =	vld.idx.msk [tilespmem:v11+s9+$0x0], $0xffff;
	(pc) =	sbr.rel @!p3 .LBB2_15-.Ltmp8, $4  }
0x202: {  	v25 =	vor.u32 s12, v8;
	v22 =	vld.idx.msk [tilespmem:v17+s9+$0x0], $0xffff;
	v20 =	vmul.f32 v21, v20  }
0x203: {  	s21 =	simm.s32 $0x1E10;
	v21 =	vmul.f32 v24, v23;
	v23 =	vld [tilespmem:s22+$0xFFFFFFD8]  }
0x204: {  	s18 =	simm.s32 $0x8;
	p2 =	por $0x1, $0x1;
	v19 =	vor.u32 s17, v6;
	[tilespmem:s21+$0x0] =	vst v20;
	v20 =	vld [tilespmem:s23+$0xFFFFFFE8];
	v26 =	vmul.f32 v26, v29  }
0x205: {  	v27 =	vor.u32 s17, v8;
	s15 =	simm.s32 $0x7B8;
	s12 =	simm.s32 $0x1D10;
	v17 =	vor.u32 s17, v7;
	s17 =	simm.s32 $0x30;
	v24 =	vmul.f32 v30, v28;
	[tilespmem:s14+$0x30] =	vst v21;
	v21 =	vld.idx.msk [tilespmem:v31+s9+$0x0], $0xffff  }
.LBB2_16:
0x206: {  	p3 =	slt.u32 s18, $0x4E;
	v28 =	vor.u32 s17, v2;
	v29 =	vor.u32 s17, v6;
	v30 =	vor.u32 s17, v7;
	s11 =	sadd.s32 $0x8, s17;
	v31 =	vld [tilespmem:s24+$0x10];
	[tilespmem:s1+$0x20] =	vst v26  }
0x207: {  	v26 =	vor.u32 s17, v8;
	v32 =	vor.u32 s11, v2;
	[tilespmem:s21+$0xFFFFFFC0] =	vst v24;
	v24 =	vld.idx.msk [tilespmem:v25+s9+$0x0], $0xffff  }
0x208: {  	v22 =	vmul.f32 v23, v22;
	v23 =	vld [tilespmem:s22+$0x30]  }
0x209: {  	v33 =	vor.u32 s16, v7;
	v25 =	vld.idx.msk [tilespmem:v19+s9+$0x0], $0xffff;
	v18 =	vmul.f32 v20, v18;
	v19 =	vmov v29  }
0x20a: {  	v20 =	vld [tilespmem:s24+$0xFFFFFFC8];
	[tilespmem:s1+$0xFFFFFFE0] =	vst v22  }
0x20b: {  	v28 =	vld.idx.msk [tilespmem:v28+s9+$0x0], $0xffff;
	v21 =	vmul.f32 v31, v21;
	[tilespmem:s12+$0xFFFFFFF0] =	vst v18;
	s12 =	smov.u32 s1;
	s1 =	smov.u32 s21  }
0x20c: {  	s24 =	sadd.s32 $0x90, s24;
	v22 =	vld.idx.msk [tilespmem:v32+s9+$0x0], $0xffff  }
0x20d: {  	v29 =	vld [tilespmem:s24+$0x0];
	[tilespmem:s21+$0x10] =	vst v21;
	v18 =	vmul.f32 v23, v24  }
0x20e: {  	v21 =	vld.idx.msk [tilespmem:v33+s9+$0x0], $0xffff  }
0x20f: {  	v20 =	vmul.f32 v20, v25;
	v24 =	vld [tilespmem:s15+$0x20];
	[tilespmem:s12+$0x30] =	vst v18  }
0x210: {  	v32 =	vor.u32 s11, v6;
	v31 =	vld [tilespmem:s24+$0xFFFFFFB8]  }
.Ltmp9:
0x211: {  	[tilespmem:s21+$0xFFFFFFD0] =	vst v20;
	v18 =	vld.idx.msk [tilespmem:v13+s9+$0x0], $0xffff;
	v13 =	vmov v27;
	v27 =	vmov v26;
	(pc) =	sbr.rel @p3 .LBB2_16-.Ltmp9, $4  }
0x212: {  	v25 =	vor.u32 s16, v8;
	s16 =	smov.u32 s11;
	v20 =	vmul.f32 v29, v22;
	v22 =	vld.idx.msk [tilespmem:v17+s9+$0x0], $0xffff;
	v17 =	vmov v30  }
0x213: {  	s21 =	sadd.s32 $0x80, s21;
	v23 =	vld [tilespmem:s15+$0xFFFFFFD8]  }
0x214: {  	[tilespmem:s21+$0x0] =	vst v20;
	v26 =	vmul.f32 v24, v21;
	v20 =	vld [tilespmem:s22+$0xFFFFFFE8];
	s22 =	smov.u32 s15;
	s15 =	smov.u32 s24  }
0x215: {  	s17 =	sshll.u32 s18, $0x3;
	s18 =	sadd.s32 $0x2, s18;
	v24 =	vmul.f32 v31, v28;
	v21 =	vld.idx.msk [tilespmem:v32+s9+$0x0], $0xffff  }
0x216: {  	s19 =	smov.u32 s1  }
0x217: {  	s18 =	smov.u32 s22;
	v28 =	vmov v13;
	s1 =	smov.u32 s21;
	s22 =	smov.u32 s15;
	v13 =	vmov v27  }
.LBB2_18:
0x218: {  	s11 =	sadd.s32 $0x8, s17  }
0x219: {  	v27 =	vor.u32 s11, v2;
	_ =	sdelay $0x1  }
0x21a: {  	v29 =	vor.u32 s17, v2;
	s21 =	sadd.s32 @p0 $0x90, s24;
	s15 =	smov.u32 s23  }
0x21b: {  	s15 =	smov.u32 @p0 s21  }
0x21c: {  	v30 =	vld [tilespmem:s15+$0x0]  }
0x21d: {  	v27 =	vld.idx.msk [tilespmem:v27+s9+$0x0], $0xffff  }
0x21e: {  	v31 =	vld [tilespmem:s15+$0xFFFFFFB8]  }
0x21f: {  	v29 =	vld.idx.msk [tilespmem:v29+s9+$0x0], $0xffff  }
0x220: {  	v32 =	vld @p0 [tilespmem:s24+$0x10];
	[tilespmem:s19+$0x20] =	vst @p1 v26;
	v47 =	vor.u32 s11, v6  }
0x221: {  	[tilespmem:s1+$0xFFFFFFC0] =	vst @p0 v24;
	v22 =	vmul.f32 @p1 v23, v22;
	v24 =	vld.idx.msk @p1 [tilespmem:v25+s9+$0x0], $0xffff  }
0x222: {  	v48 =	vor.u32 s17, v6;
	s21 =	smov.u32 s14;
	v27 =	vmul.f32 v30, v27;
	v30 =	vld @p0 [tilespmem:s24+$0xFFFFFFC8];
	s24 =	sadd.s32 @p0 $0x80, s1  }
0x223: {  	v19 =	vld.idx.msk @p0 [tilespmem:v19+s9+$0x0], $0xffff;
	[tilespmem:s19+$0xFFFFFFE0] =	vst @p1 v22;
	s21 =	smov.u32 @p0 s24  }
0x224: {  	v28 =	vld.idx.msk @p1 [tilespmem:v28+s9+$0x0], $0xffff;
	v29 =	vmul.f32 v31, v29;
	[tilespmem:s21+$0x0] =	vst v27  }
0x225: {  	v31 =	vor.u32 @p0 s16, v7;
	v26 =	vld.idx.msk [tilespmem:v47+s9+$0x0], $0xffff  }
0x226: {  	v21 =	vmul.f32 @p0 v32, v21;
	[tilespmem:s21+$0xFFFFFFC0] =	vst v29;
	v49 =	vld [tilespmem:s15+$0x10]  }
0x227: {  	v25 =	vld.idx.msk [tilespmem:v48+s9+$0x0], $0xffff  }
0x228: {  	[tilespmem:s1+$0x10] =	vst @p0 v21;
	v50 =	vld [tilespmem:s15+$0xFFFFFFC8];
	v19 =	vmul.f32 @p0 v30, v19  }
0x229: {  	v51 =	vor.u32 s11, v7;
	v23 =	vld @p0 [tilespmem:s22+$0x20]  }
0x22a: {  	v29 =	vld.idx.msk @p0 [tilespmem:v31+s9+$0x0], $0xffff;
	[tilespmem:s1+$0xFFFFFFD0] =	vst @p0 v19  }
0x22b: {  	v52 =	vor.u32 s17, v7;
	v17 =	vld.idx.msk @p0 [tilespmem:v17+s9+$0x0], $0xffff;
	v26 =	vmul.f32 v49, v26  }
0x22c: {  	v22 =	vld @p0 [tilespmem:s22+$0xFFFFFFD8]  }
0x22d: {  	v27 =	vld @p1 [tilespmem:s18+$0x30];
	v21 =	vmul.f32 v50, v25;
	[tilespmem:s21+$0x10] =	vst v26  }
0x22e: {  	v31 =	vor.u32 @p0 s16, v8;
	v53 =	vld.idx.msk [tilespmem:v51+s9+$0x0], $0xffff  }
0x22f: {  	v16 =	vpsel p0, v31, v16;
	v23 =	vmul.f32 @p0 v23, v29;
	[tilespmem:s21+$0xFFFFFFD0] =	vst v21;
	v26 =	vld [tilespmem:s15+$0x20]  }
0x230: {  	v11 =	vpsel p0, v13, v11;
	v54 =	vld.idx.msk [tilespmem:v52+s9+$0x0], $0xffff  }
0x231: {  	s14 =	smov.u32 @p0 s1;
	s1 =	smov.u32 @p0 s22;
	v14 =	vpsel p0, v23, v14;
	v55 =	vld [tilespmem:s15+$0xFFFFFFD8];
	v12 =	vpsel p0, v17, v12;
	v15 =	vpsel p0, v22, v15  }
0x232: {  	v56 =	vor.u32 s11, v8;
	v19 =	vld @p1 [tilespmem:s18+$0xFFFFFFE8];
	s23 =	smov.u32 @p0 s1;
	[tilespmem:s14+$0x20] =	vst @p0 v14;
	v12 =	vmul.f32 @p0 v15, v12  }
0x233: {  	v21 =	vld @p0 [tilespmem:s23+$0x30]  }
0x234: {  	v57 =	vor.u32 s17, v8;
	v15 =	vld.idx.msk @p0 [tilespmem:v16+s9+$0x0], $0xffff;
	[tilespmem:s14+$0xFFFFFFE0] =	vst @p0 v12;
	v58 =	vmul.f32 v26, v53  }
0x235: {  	v11 =	vld.idx.msk @p0 [tilespmem:v11+s9+$0x0], $0xffff  }
0x236: {  	v59 =	vmul.f32 v55, v54;
	v22 =	vld @p0 [tilespmem:s23+$0xFFFFFFE8];
	[tilespmem:s21+$0x20] =	vst v58  }
0x237: {  	v60 =	vld.idx.msk [tilespmem:v56+s9+$0x0], $0xffff  }
0x238: {  	[tilespmem:s21+$0xFFFFFFE0] =	vst v59;
	v61 =	vld [tilespmem:s15+$0x30]  }
0x239: {  	v12 =	vmul.f32 @p2 v20, v18;
	v16 =	vld.idx.msk [tilespmem:v57+s9+$0x0], $0xffff  }
0x23a: {  	v19 =	vpsel p1, v19, v0;
	v17 =	vmul.f32 @p1 v27, v24;
	v18 =	vpsel p1, v28, v0;
	v62 =	vld [tilespmem:s15+$0xFFFFFFE8]  }
0x23b: {  	s1 =	smov.u32 @p1 s19;
	[tilespmem:s12+$0xFFFFFFF0] =	vst @p2 v12;
	v12 =	vmul.f32 @p1 v19, v18  }
0x23c: {  	[tilespmem:s1+$0x30] =	vst @p1 v17;
	s1 =	smov.u32 @p1 s1;
	v15 =	vmul.f32 @p0 v21, v15;
	v11 =	vpsel p0, v11, v0;
	v17 =	vpsel p0, v22, v0  }
0x23d: {  	[tilespmem:s1+$0xFFFFFFF0] =	vst @p1 v12;
	s1 =	smov.u32 @p0 s14;
	v11 =	vmul.f32 @p0 v17, v11  }
0x23e: {  	[tilespmem:s1+$0x30] =	vst @p0 v15;
	s1 =	smov.u32 @p0 s1;
	v63 =	vmul.f32 v61, v60  }
0x23f: {  	[tilespmem:s1+$0xFFFFFFF0] =	vst @p0 v11;
	v11 =	vmul.f32 v62, v16  }
0x240: {  	[tilespmem:s21+$0x30] =	vst v63  }
0x241: {  	s22 =	rddreg [dreg:$0x3];
	[tilespmem:s21+$0xFFFFFFF0] =	vst v11  }
0x242: {  	[spmem:s22] =	stream.indirect.scatter.add.f32 [tilespmem:s9], [sflag:$0x4], $0x8, s2, s2, $0xb8;
	[tilespmem:$0xF6D0] =	vst v63  }
0x243: {  	_ =	swait.ge [sflag:s30], $0x280  }
0x244: {  	[sflag:s30] =	ssyncset.done $0x0  }
0x245: {  	s13 =	sadd.s32 $0x1, s13;
	[sflag:s30] =	ssyncadd.s32 $0xFFFFFD80  }
0x246: {  	s24 =	simm.s32 $0x1CD0;
	p0 =	sne.s32 s13, $0x7D;
	s23 =	rddreg [dreg:$0x2]  }
0x247: {  	[spmem:s23] =	stream.indirect.scatter.add.f32 [tilespmem:s24], [sflag:$0x4], $0x40, s2, s2, $0xb8;
	[tilespmem:$0xF6D0] =	vst v63  }
.Ltmp10:
0x248: {  	_ = 	snop;
	(pc) =	sbr.rel @p0 .LBB2_6-.Ltmp10, $4  }
.Ltmp11:
0x249: {  	_ = 	snop;
	(pc) =	sbr.rel @!p0 .LBB2_19-.Ltmp11, $4  }
0x24a: {  	_ =	swait.ge [sflag:s30], $0x1400  }
0x24b: {  	[sflag:s30] =	ssyncset.done $0x0  }
0x24c: {  	[sflag:s30] =	ssyncadd.s32 $0xFFFFEC00  }
0x24d: {  	_ = 	snop  }
.LBB2_9:
.Ltmp12:
0x24e: {  	(pc) =	sbr.rel .LBB2_18-.Ltmp12, $2  }
0x24f: {  	_ =	sdelay $0x2  }
0x250: {  	s24 =	simm.s32 $0x698;
	s1 =	simm.s32 $0x1D10  }
.LBB2_11:
.Ltmp13:
0x251: {  	(pc) =	sbr.rel .LBB2_18-.Ltmp13, $2  }
0x252: {  	_ =	sdelay $0x2  }
0x253: {  	v13 =	vmov v11;
	s24 =	simm.s32 $0x698;
	s1 =	simm.s32 $0x1D10;
	s22 =	simm.s32 $0x698  }
.LBB2_13:
.Ltmp14:
0x254: {  	(pc) =	sbr.rel .LBB2_18-.Ltmp14, $3  }
0x255: {  	_ =	sdelay $0x1  }
0x256: {  	s24 =	simm.s32 $0x728  }
0x257: {  	s19 =	simm.s32 $0x1D10;
	v25 =	vmovc v16;
	s18 =	simm.s32 $0x698;
	s16 =	simm.s32 $0x18;
	v28 =	vmovc v11;
	v26 =	vmov v14;
	v22 =	vmov v12;
	v23 =	vmov v15  }
.LBB2_15:
.Ltmp15:
0x258: {  	(pc) =	sbr.rel .LBB2_18-.Ltmp15, $3  }
0x259: {  	_ =	sdelay $0x1  }
0x25a: {  	s19 =	simm.s32 $0x1D90;
	s1 =	simm.s32 $0x1E10  }
0x25b: {  	v28 =	vmov v13;
	s18 =	simm.s32 $0x728;
	s12 =	simm.s32 $0x1D10;
	s22 =	simm.s32 $0x7B8;
	v13 =	vmov v27  }
.LBB2_20:
0x25c: {  	_ =	sfence.sel $0x180000  }
0x25d: {  	[bflag:$0x0] =	sbarrier.arrive $0xFFFF  }
0x25e: {  	_ =	strace $0x90000047  }
0x25f: {  	s0 =	stileid.u32;
	[bflag:$0x2] =	sbarrier.arrive $0xFFFF  }
0x260: {  	p0 =	sne.s32 s0, $0x0;
	s0 =	rddreg [dreg:$0x4]  }
0x261: {  	s0 =	sadd.s32 @!p0 $0x100000, s0  }
0x262: {  	[sflag:s0] =	ssyncadd.tile.s32 @!p0 $0x1;
	_ =	shalt  }
.Lfunc_end2:
_tile_overlayer_lowered:
.L_overlay_start_2:
0x263: {  	(tag) =	ssettag $0x2  }
0x264: {  	s0 =	rddreg [dreg:$0x0];
	s2 =	stileid.u32  }
0x265: {  	s1 =	rddreg [dreg:$0x1];
	p0 =	sne.s32 s2, $0x0  }
0x266: {  	s3 =	rddreg [dreg:$0x2];
	[bflag:$0x3] =	sbarrier.arrive $0xFFFF;
	s2 =	simm.s32 @!p0 $0x1C04  }
0x267: {  	[timem:s3], [sflag:s2] =	dma.local @!p0 [hbm:s0], s1  }
0x268: {  	s0 =	simm.s32 @!p0 $0x4  }
0x269: {  	_ =	swait.ge @!p0 [sflag:s0], s1  }
0x26a: {  	s1 =	ssub.s32 @!p0 $0x0, s1;
	[sflag:s0] =	ssyncset.done @!p0 $0x0  }
0x26b: {  	[sflag:s0] =	ssyncadd.s32 @!p0 s1  }
0x26c: {  	[bflag:$0x3] =	sbarrier.arrive $0xFFFF  }
0x26d: {  	_ =	shalt  }

</sc_bundles>
